<compile_context>
chip_gen: v7x
topology: tpu7x:2x2x1
jax: 0.10.2.dev20260603
libtpu: 0.0.44.dev20260713+nightly
codegen_flags: <defaults>
</compile_context>

<pallas_src>
import functools

import jax
import jax.numpy as jnp
from jax import lax
from jax.experimental import pallas as pl
from jax.experimental.pallas import tpu as pltpu
from jax.experimental.pallas import tpu_sc as plsc

NUM_EXPERTS = 16
HIDDEN = 1024
MOE_FF = 512
TM = 128
NT = 48
S_PAD = NT * TM
NW = 32


def _router_dispatch(x_ref, gate_ref, d0_ref, d1_ref, w0_ref, w1_ref,
                     te_ref, xb_ref, ac_ref, mt_ref, r1_ref, r2_ref):
    T = x_ref.shape[0]
    E = NUM_EXPERTS
    x = x_ref[...]
    logits = lax.dot_general(x, gate_ref[...], (((1,), (1,)), ((), ())),
                             preferred_element_type=jnp.float32)
    m = jnp.max(logits, axis=1, keepdims=True)
    ex = jnp.exp(logits - m)
    sm = ex / jnp.sum(ex, axis=1, keepdims=True)
    lane = lax.broadcasted_iota(jnp.int32, sm.shape, 1)
    m1 = jnp.max(sm, axis=1, keepdims=True)
    i1 = jnp.min(jnp.where(sm == m1, lane, E), axis=1, keepdims=True)
    oh1 = (lane == i1).astype(jnp.float32)
    smm = jnp.where(lane == i1, -jnp.inf, sm)
    m2 = jnp.max(smm, axis=1, keepdims=True)
    i2 = jnp.min(jnp.where(smm == m2, lane, E), axis=1, keepdims=True)
    oh2 = (lane == i2).astype(jnp.float32)
    denom = m1 + m2
    w0_ref[...] = m1 / denom
    w1_ref[...] = m2 / denom

    CH = 128
    rr = lax.broadcasted_iota(jnp.int32, (CH, CH), 0)
    cc = lax.broadcasted_iota(jnp.int32, (CH, CH), 1)
    lex = (cc < rr).astype(jnp.float32)
    off1 = jnp.zeros((1, E), jnp.float32)
    off2 = jnp.zeros((1, E), jnp.float32)
    for c in range(T // CH):
        sl = slice(c * CH, (c + 1) * CH)
        o1c = oh1[sl, :]
        o2c = oh2[sl, :]
        r1_ref[sl, :] = off1 + lax.dot_general(
            lex, o1c, (((1,), (0,)), ((), ())),
            preferred_element_type=jnp.float32)
        r2_ref[sl, :] = off2 + lax.dot_general(
            lex, o2c, (((1,), (0,)), ((), ())),
            preferred_element_type=jnp.float32)
        off1 = off1 + jnp.sum(o1c, axis=0, keepdims=True)
        off2 = off2 + jnp.sum(o2c, axis=0, keepdims=True)
    counts1 = off1
    counts = off1 + off2
    tcnt = jnp.floor((counts + (TM - 1)) * (1.0 / TM))
    er = lax.broadcasted_iota(jnp.int32, (E, E), 0)
    ec = lax.broadcasted_iota(jnp.int32, (E, E), 1)
    strict_upper = (er < ec).astype(jnp.float32)
    ts = lax.dot_general(tcnt, strict_upper, (((1,), (0,)), ((), ())),
                         preferred_element_type=jnp.float32)
    pt_start = ts * TM
    total = jnp.sum(tcnt)

    d0 = jnp.sum(oh1 * (pt_start + r1_ref[...]), axis=1, keepdims=True)
    d1 = jnp.sum(oh2 * (pt_start + counts1 + r2_ref[...]), axis=1,
                 keepdims=True)
    d0_ref[...] = d0.astype(jnp.int32)
    d1_ref[...] = d1.astype(jnp.int32)

    jcol = lax.broadcasted_iota(jnp.int32, (NT, 1), 0).astype(jnp.float32)
    jj = jnp.minimum(jcol, total - 1.0)
    lane_e = lax.broadcasted_iota(jnp.int32, (NT, E), 1).astype(jnp.float32)
    in_e = ((jj >= ts) & (jj < ts + tcnt)).astype(jnp.float32)
    te_ref[...] = jnp.sum(lane_e * in_e, axis=1, keepdims=True).astype(jnp.int32)
    xb_ref[...] = jj.astype(jnp.int32)
    ac_ref[...] = (jcol < total).astype(jnp.int32)
    mt_ref[...] = jnp.full((16, 1), TM, jnp.float32).astype(jnp.int32) * (
        total.astype(jnp.int32))


def _sc_dispatch_gather(x_hbm, d0_hbm, d1_hbm, w0_hbm, w1_hbm, mt_hbm,
                        xs_hbm, ws_hbm,
                        dest_v, wval_v, tok_v, wsort_v, meta_v, buf0_v, buf1_v,
                        sem_i0, sem_i1, sem_o0, sem_o1):
    T = d0_hbm.shape[0]
    wid = lax.axis_index("s") * 2 + lax.axis_index("c")
    pltpu.sync_copy(mt_hbm, meta_v)

    zf = jnp.zeros((16,), jnp.float32)

    def zbody(i, _):
        tok_v[pl.ds(i * 16, 16)] = (i * 16 + lax.iota(jnp.int32, 16)) & (T - 1)
        wsort_v[pl.ds(i * 16, 16)] = zf
        return 0

    lax.fori_loop(0, S_PAD // 16, zbody, 0, unroll=4)

    for d_hbm, w_hbm in ((d0_hbm, w0_hbm), (d1_hbm, w1_hbm)):
        pltpu.sync_copy(d_hbm, dest_v)
        pltpu.sync_copy(w_hbm, wval_v)

        def sbody(j, _):
            idx = dest_v[pl.ds(j * 16, 16)]
            vals = j * 16 + lax.iota(jnp.int32, 16)
            plsc.store_scatter(tok_v, [idx], vals)
            wv = wval_v[pl.ds(j * 16, 16)]
            plsc.store_scatter(wsort_v, [idx], wv)
            return 0

        lax.fori_loop(0, T // 16, sbody, 0, unroll=4)

    rows = S_PAD // NW
    base = pl.multiple_of(wid * rows, 8)
    pltpu.sync_copy(wsort_v.at[pl.ds(base, rows)],
                    ws_hbm.at[pl.ds(base, rows)])
    total_rows = meta_v[pl.ds(0, 16)][0]

    @pl.when(base < total_rows)
    def _():
        CH = 48
        nchk = rows // CH
        bufs = (buf0_v, buf1_v)
        sin = (sem_i0, sem_i1)
        sout = (sem_o0, sem_o1)

        def sl(c):
            return pl.ds(base + c * CH, CH)

        incp = [None] * nchk
        outcp = [None] * nchk
        incp[0] = pltpu.async_copy(x_hbm.at[tok_v.at[sl(0)]], bufs[0], sin[0])
        for c in range(nchk):
            if c + 1 < nchk:
                if c >= 1:
                    outcp[c - 1].wait()
                incp[c + 1] = pltpu.async_copy(
                    x_hbm.at[tok_v.at[sl(c + 1)]], bufs[(c + 1) % 2],
                    sin[(c + 1) % 2])
            incp[c].wait()
            outcp[c] = pltpu.async_copy(bufs[c % 2], xs_hbm.at[sl(c)],
                                        sout[c % 2])
        outcp[nchk - 2].wait()
        outcp[nchk - 1].wait()


def _moe_mm(off, te_ref, xb_ref, ac_ref, xs_ref, w1_ref, w2_ref, w3_ref,
            ws_ref, *rest):
    y_ref = rest[-1]
    j = pl.program_id(0) + off

    @pl.when(ac_ref[j] == 1)
    def _():
        xb = xs_ref[...].astype(jnp.bfloat16)
        h = lax.dot_general(xb, w1_ref[0].astype(jnp.bfloat16),
                            (((1,), (1,)), ((), ())),
                            preferred_element_type=jnp.float32)
        u = lax.dot_general(xb, w3_ref[0].astype(jnp.bfloat16),
                            (((1,), (1,)), ((), ())),
                            preferred_element_type=jnp.float32)
        act = (h * jax.nn.sigmoid(h) * u).astype(jnp.bfloat16)
        y = lax.dot_general(act, w2_ref[0].astype(jnp.bfloat16),
                            (((1,), (1,)), ((), ())),
                            preferred_element_type=jnp.float32)
        y_ref[...] = y * ws_ref[...]


def _sc_combine_gather(y_hbm, d0_hbm, d1_hbm, g0_hbm, g1_hbm,
                       idx_v, buf0_v, buf1_v, sem_i0, sem_i1, sem_o0, sem_o1):
    T = d0_hbm.shape[0]
    wid = lax.axis_index("s") * 2 + lax.axis_index("c")
    tpw = T // NW
    base = pl.multiple_of(wid * tpw, 8)
    pltpu.sync_copy(d0_hbm.at[pl.ds(base, tpw)], idx_v.at[pl.ds(0, tpw)])
    pltpu.sync_copy(d1_hbm.at[pl.ds(base, tpw)], idx_v.at[pl.ds(tpw, tpw)])
    CH = 32
    nchk = 2 * tpw // CH
    bufs = (buf0_v, buf1_v)
    sin = (sem_i0, sem_i1)
    sout = (sem_o0, sem_o1)
    outs = []
    for k in range(nchk):
        g_hbm = g0_hbm if k < nchk // 2 else g1_hbm
        outs.append(g_hbm.at[pl.ds(base + (k % (nchk // 2)) * CH, CH)])

    incp = [None] * nchk
    outcp = [None] * nchk
    incp[0] = pltpu.async_copy(y_hbm.at[idx_v.at[pl.ds(0, CH)]],
                               bufs[0], sin[0])
    for c in range(nchk):
        if c + 1 < nchk:
            if c >= 1:
                outcp[c - 1].wait()
            incp[c + 1] = pltpu.async_copy(
                y_hbm.at[idx_v.at[pl.ds((c + 1) * CH, CH)]],
                bufs[(c + 1) % 2], sin[(c + 1) % 2])
        incp[c].wait()
        outcp[c] = pltpu.async_copy(bufs[c % 2], outs[c], sout[c % 2])
    outcp[nchk - 2].wait()
    outcp[nchk - 1].wait()


def _shared_mm(x_ref, ws1_ref, ws2_ref, ws3_ref, sg_ref, ss_ref):
    x = x_ref[...]
    xb = x.astype(jnp.bfloat16)
    h = lax.dot_general(xb, ws1_ref[...].astype(jnp.bfloat16),
                        (((1,), (1,)), ((), ())),
                        preferred_element_type=jnp.float32)
    u = lax.dot_general(xb, ws3_ref[...].astype(jnp.bfloat16),
                        (((1,), (1,)), ((), ())),
                        preferred_element_type=jnp.float32)
    act = (h * jax.nn.sigmoid(h) * u).astype(jnp.bfloat16)
    shared = lax.dot_general(act, ws2_ref[...].astype(jnp.bfloat16),
                             (((1,), (1,)), ((), ())),
                             preferred_element_type=jnp.float32)
    g = jax.nn.sigmoid(lax.dot_general(x, sg_ref[...],
                                       (((1,), (1,)), ((), ())),
                                       preferred_element_type=jnp.float32))
    ss_ref[...] = g * shared


def _final_add(ss_ref, g0_ref, g1_ref, out_ref):
    out_ref[...] = g0_ref[...] + g1_ref[...] + ss_ref[...]


def kernel(hidden_states, gate_w, w1, w2, w3, ws1, ws2, ws3, shared_gate_w):
    B, S, D = hidden_states.shape
    x = hidden_states.reshape(-1, D)
    T = x.shape[0]
    E = NUM_EXPERTS

    d0, d1, w0, w1n, te, xb, ac, mt = pl.pallas_call(
        _router_dispatch,
        out_shape=[
            jax.ShapeDtypeStruct((T, 1), jnp.int32),
            jax.ShapeDtypeStruct((T, 1), jnp.int32),
            jax.ShapeDtypeStruct((T, 1), jnp.float32),
            jax.ShapeDtypeStruct((T, 1), jnp.float32),
            jax.ShapeDtypeStruct((NT, 1), jnp.int32),
            jax.ShapeDtypeStruct((NT, 1), jnp.int32),
            jax.ShapeDtypeStruct((NT, 1), jnp.int32),
            jax.ShapeDtypeStruct((16, 1), jnp.int32),
        ],
        scratch_shapes=[pltpu.VMEM((T, E), jnp.float32),
                        pltpu.VMEM((T, E), jnp.float32)],
    )(x, gate_w)
    d0 = d0.reshape(T)
    d1 = d1.reshape(T)
    w0 = w0.reshape(T)
    w1n = w1n.reshape(T)
    te = te.reshape(NT)
    xb = xb.reshape(NT)
    ac = ac.reshape(NT)
    mt = mt.reshape(16)

    nt = T // 512
    ss = pl.pallas_call(
        _shared_mm,
        grid=(nt,),
        in_specs=[
            pl.BlockSpec((512, D), lambda t: (t, 0)),
            pl.BlockSpec((MOE_FF, D), lambda t: (0, 0)),
            pl.BlockSpec((D, MOE_FF), lambda t: (0, 0)),
            pl.BlockSpec((MOE_FF, D), lambda t: (0, 0)),
            pl.BlockSpec((1, D), lambda t: (0, 0)),
        ],
        out_specs=pl.BlockSpec((512, D), lambda t: (t, 0)),
        out_shape=jax.ShapeDtypeStruct((T, D), jnp.float32),
    )(x, ws1, ws2, ws3, shared_gate_w)

    mesh = plsc.VectorSubcoreMesh(core_axis_name="c", subcore_axis_name="s")
    xs, ws = pl.kernel(
        _sc_dispatch_gather,
        out_type=[
            jax.ShapeDtypeStruct((S_PAD, D), jnp.float32),
            jax.ShapeDtypeStruct((S_PAD,), jnp.float32),
        ],
        mesh=mesh,
        scratch_types=[
            pltpu.VMEM((T,), jnp.int32),
            pltpu.VMEM((T,), jnp.float32),
            pltpu.VMEM((S_PAD,), jnp.int32),
            pltpu.VMEM((S_PAD,), jnp.float32),
            pltpu.VMEM((16,), jnp.int32),
            pltpu.VMEM((S_PAD // NW // 4, D), jnp.float32),
            pltpu.VMEM((S_PAD // NW // 4, D), jnp.float32),
            pltpu.SemaphoreType.DMA,
            pltpu.SemaphoreType.DMA,
            pltpu.SemaphoreType.DMA,
            pltpu.SemaphoreType.DMA,
        ],
        compiler_params=pltpu.CompilerParams(needs_layout_passes=False),
    )(x, d0, d1, w0, w1n, mt)

    grid_spec = pltpu.PrefetchScalarGridSpec(
        num_scalar_prefetch=3,
        grid=(NT,),
        in_specs=[
            pl.BlockSpec((TM, D), lambda j, te, xb, ac: (xb[j], 0)),
            pl.BlockSpec((1, MOE_FF, D), lambda j, te, xb, ac: (te[j], 0, 0)),
            pl.BlockSpec((1, D, MOE_FF), lambda j, te, xb, ac: (te[j], 0, 0)),
            pl.BlockSpec((1, MOE_FF, D), lambda j, te, xb, ac: (te[j], 0, 0)),
            pl.BlockSpec((TM, 1), lambda j, te, xb, ac: (xb[j], 0)),
        ],
        out_specs=pl.BlockSpec((TM, D), lambda j, te, xb, ac: (j, 0)),
    )
    y = pl.pallas_call(
        functools.partial(_moe_mm, 0),
        grid_spec=grid_spec,
        out_shape=jax.ShapeDtypeStruct((S_PAD, D), jnp.float32),
        compiler_params=pltpu.CompilerParams(
            dimension_semantics=("arbitrary",)),
    )(te, xb, ac, xs, w1, w2, w3, ws.reshape(S_PAD, 1))

    g0, g1 = pl.kernel(
        _sc_combine_gather,
        out_type=[
            jax.ShapeDtypeStruct((T, D), jnp.float32),
            jax.ShapeDtypeStruct((T, D), jnp.float32),
        ],
        mesh=mesh,
        scratch_types=[
            pltpu.VMEM((2 * (T // NW),), jnp.int32),
            pltpu.VMEM((32, D), jnp.float32),
            pltpu.VMEM((32, D), jnp.float32),
            pltpu.SemaphoreType.DMA,
            pltpu.SemaphoreType.DMA,
            pltpu.SemaphoreType.DMA,
            pltpu.SemaphoreType.DMA,
        ],
        compiler_params=pltpu.CompilerParams(needs_layout_passes=False),
    )(y, d0, d1)

    out = pl.pallas_call(
        _final_add,
        grid=(nt,),
        in_specs=[
            pl.BlockSpec((512, D), lambda t: (t, 0)),
            pl.BlockSpec((512, D), lambda t: (t, 0)),
            pl.BlockSpec((512, D), lambda t: (t, 0)),
        ],
        out_specs=pl.BlockSpec((512, D), lambda t: (t, 0)),
        out_shape=jax.ShapeDtypeStruct((T, D), jnp.float32),
    )(ss, g0, g1)

    return out.reshape(B, S, D)

# --- scband reference (transcript-rebuilt; emitter-appended) ---
"""Pipeline reference for scband-qwen3-next-sparse-moe-block-25245817766043 (READ-ONLY COPY).

The authoritative reference and input builder live on the scoring server;
editing this copy changes nothing except your own understanding.
"""

import jax, jax.numpy as jnp
import numpy as np

NUM_EXPERTS = 16
TOP_K = 2
HIDDEN = 1024
MOE_FF = 512
SHARED_FF = 512


def _silu(x):
    return x * jax.nn.sigmoid(x)


def setup_inputs(seed: int = 0) -> dict:
    key = jax.random.key(seed)
    ks = jax.random.split(key, 10)
    hidden_states = jax.random.normal(ks[0], (1, 2048, HIDDEN), dtype=jnp.float32)
    gate_w = jax.random.normal(ks[1], (NUM_EXPERTS, HIDDEN), dtype=jnp.float32) * 0.02
    w1 = jax.random.normal(ks[2], (NUM_EXPERTS, MOE_FF, HIDDEN), dtype=jnp.float32) * 0.02
    w2 = jax.random.normal(ks[3], (NUM_EXPERTS, HIDDEN, MOE_FF), dtype=jnp.float32) * 0.02
    w3 = jax.random.normal(ks[4], (NUM_EXPERTS, MOE_FF, HIDDEN), dtype=jnp.float32) * 0.02
    ws1 = jax.random.normal(ks[5], (SHARED_FF, HIDDEN), dtype=jnp.float32) * 0.02
    ws2 = jax.random.normal(ks[6], (HIDDEN, SHARED_FF), dtype=jnp.float32) * 0.02
    ws3 = jax.random.normal(ks[7], (SHARED_FF, HIDDEN), dtype=jnp.float32) * 0.02
    shared_gate_w = jax.random.normal(ks[8], (1, HIDDEN), dtype=jnp.float32) * 0.02
    return {"hidden_states": hidden_states, "gate_w": gate_w, "w1": w1, "w2": w2, "w3": w3,
            "ws1": ws1, "ws2": ws2, "ws3": ws3, "shared_gate_w": shared_gate_w}


def reference(hidden_states, gate_w, w1, w2, w3, ws1, ws2, ws3, shared_gate_w):
    B, S, D = hidden_states.shape
    x = hidden_states.reshape(-1, D)
    T = x.shape[0]
    E = gate_w.shape[0]
    # router
    router_logits = x @ gate_w.T
    routing_weights = jax.nn.softmax(router_logits.astype(jnp.float32), axis=1)
    topk_vals, topk_idx = jax.lax.top_k(routing_weights, TOP_K)
    # norm_topk_prob = True
    topk_vals = topk_vals / jnp.sum(topk_vals, axis=-1, keepdims=True)
    topk_vals = topk_vals.astype(x.dtype)
    # dense combine weights [T, E] (zero for non-selected experts) -> faithful torch_moe
    combine = jnp.zeros((T, E), dtype=x.dtype).at[jnp.arange(T)[:, None], topk_idx].add(topk_vals)
    # expert MLPs (SwiGLU)
    h = jnp.einsum('td,efd->etf', x, w1)
    u = jnp.einsum('td,efd->etf', x, w3)
    act = _silu(h) * u
    expert_out = jnp.einsum('etf,edf->etd', act, w2)
    moe_out = jnp.einsum('te,etd->td', combine, expert_out)
    # shared expert with sigmoid gate
    shared = (_silu(x @ ws1.T) * (x @ ws3.T)) @ ws2.T
    g = jax.nn.sigmoid(x @ shared_gate_w.T)
    out = moe_out + g * shared
    return out.reshape(B, S, D)

if __name__ == "__main__":
    import jax
    _d = setup_inputs()
    print(jax.jit(kernel)(*tuple(_d.values())))

</pallas_src>

<mosaic_0001>
#map = affine_map<(d0, d1) -> (0, 0)>
#map1 = affine_map<(d0, d1) -> (0)>
module attributes {stable_mosaic.version = 14 : i64} {
  func.func @_sc_combine_gather(%arg0: i32, %arg1: i32, %arg2: memref<6144x1024xf32, #tpu.memory_space<hbm>>, %arg3: memref<2048xi32, #tpu.memory_space<hbm>>, %arg4: memref<2048xi32, #tpu.memory_space<hbm>>, %arg5: memref<2048x1024xf32, #tpu.memory_space<hbm>>, %arg6: memref<2048x1024xf32, #tpu.memory_space<hbm>>, %arg7: memref<128xi32, #tpu.memory_space<vmem>>, %arg8: memref<32x1024xf32, #tpu.memory_space<vmem>>, %arg9: memref<32x1024xf32, #tpu.memory_space<vmem>>, %arg10: memref<!tpu.dma_semaphore, #tpu.memory_space<semaphore_mem>>, %arg11: memref<!tpu.dma_semaphore, #tpu.memory_space<semaphore_mem>>, %arg12: memref<!tpu.dma_semaphore, #tpu.memory_space<semaphore_mem>>, %arg13: memref<!tpu.dma_semaphore, #tpu.memory_space<semaphore_mem>>) attributes {dimension_semantics = [#tpu.dimension_semantics<core_parallel>, #tpu.dimension_semantics<subcore_parallel>], iteration_bounds = array<i64: 2, 16>, scalar_prefetch = 0 : i64, scratch_operands = 7 : i64, tpu.core_type = #tpu.core_type<sc_vector_subcore>, window_params = [{transform_indices = #map}, {transform_indices = #map1}, {transform_indices = #map1}, {transform_indices = #map}, {transform_indices = #map}]} {
    %mul3A = arith.constant 2 : i32
    %mul3A_0 = arith.muli %arg1, %mul3A : i32
    %add3A = arith.addi %mul3A_0, %arg0 : i32
    %mul3A_1 = arith.constant 64 : i32
    %mul3A_2 = arith.muli %add3A, %mul3A_1 : i32
    %multiple_of3A = tpu.assume_multiple %mul3A_2, 8 : i32
    "tpu.region"() ({
      %run_scoped3A = tpu.sem_alloc : memref<!tpu.dma_semaphore, #tpu.memory_space<semaphore_mem>>
      %dma_start3A_81 = arith.constant 0 : i32
      %dma_start3A_82 = tpu.memref_slice %arg7[%dma_start3A_81] : memref<128xi32, #tpu.memory_space<vmem>> -> memref<64xi32, #tpu.memory_space<vmem>>
      %dma_start3A_83 = tpu.memref_slice %arg3[%multiple_of3A] : memref<2048xi32, #tpu.memory_space<hbm>> -> memref<64xi32, #tpu.memory_space<hbm>>
      %dma_start3A_84 = arith.constant 0 : i32
      %dma_start3A_85 = tpu.memref_slice %arg7[%dma_start3A_84] : memref<128xi32, #tpu.memory_space<vmem>> -> memref<64xi32, #tpu.memory_space<vmem>>
      %dma_start3A_86 = tpu.memref_slice %arg3[%multiple_of3A] : memref<2048xi32, #tpu.memory_space<hbm>> -> memref<64xi32, #tpu.memory_space<hbm>>
      tpu.enqueue_dma source(%dma_start3A_86 : memref<64xi32, #tpu.memory_space<hbm>>) target(%dma_start3A_85 : memref<64xi32, #tpu.memory_space<vmem>>) target_semaphore(%run_scoped3A : memref<!tpu.dma_semaphore, #tpu.memory_space<semaphore_mem>>)
      %dma_wait3A_87 = arith.constant 0 : i32
      %dma_wait3A_88 = tpu.memref_slice %arg7[%dma_wait3A_87] : memref<128xi32, #tpu.memory_space<vmem>> -> memref<64xi32, #tpu.memory_space<vmem>>
      %dma_wait3A_89 = tpu.memref_slice %arg3[%multiple_of3A] : memref<2048xi32, #tpu.memory_space<hbm>> -> memref<64xi32, #tpu.memory_space<hbm>>
      %dma_wait3A_90 = arith.constant 0 : i32
      %dma_wait3A_91 = tpu.memref_slice %arg7[%dma_wait3A_90] : memref<128xi32, #tpu.memory_space<vmem>> -> memref<64xi32, #tpu.memory_space<vmem>>
      %dma_wait3A_92 = tpu.memref_slice %arg3[%multiple_of3A] : memref<2048xi32, #tpu.memory_space<hbm>> -> memref<64xi32, #tpu.memory_space<hbm>>
      tpu.wait_dma2 semaphore(%run_scoped3A : memref<!tpu.dma_semaphore, #tpu.memory_space<semaphore_mem>>) src(%dma_wait3A_92 : memref<64xi32, #tpu.memory_space<hbm>>) dst(%dma_wait3A_91 : memref<64xi32, #tpu.memory_space<vmem>>)
      tpu.yield
    }) : () -> ()
    "tpu.region"() ({
      %run_scoped3A = tpu.sem_alloc : memref<!tpu.dma_semaphore, #tpu.memory_space<semaphore_mem>>
      %dma_start3A_81 = arith.constant 64 : i32
      %dma_start3A_82 = tpu.memref_slice %arg7[%dma_start3A_81] : memref<128xi32, #tpu.memory_space<vmem>> -> memref<64xi32, #tpu.memory_space<vmem>>
      %dma_start3A_83 = tpu.memref_slice %arg4[%multiple_of3A] : memref<2048xi32, #tpu.memory_space<hbm>> -> memref<64xi32, #tpu.memory_space<hbm>>
      %dma_start3A_84 = arith.constant 64 : i32
      %dma_start3A_85 = tpu.memref_slice %arg7[%dma_start3A_84] : memref<128xi32, #tpu.memory_space<vmem>> -> memref<64xi32, #tpu.memory_space<vmem>>
      %dma_start3A_86 = tpu.memref_slice %arg4[%multiple_of3A] : memref<2048xi32, #tpu.memory_space<hbm>> -> memref<64xi32, #tpu.memory_space<hbm>>
      tpu.enqueue_dma source(%dma_start3A_86 : memref<64xi32, #tpu.memory_space<hbm>>) target(%dma_start3A_85 : memref<64xi32, #tpu.memory_space<vmem>>) target_semaphore(%run_scoped3A : memref<!tpu.dma_semaphore, #tpu.memory_space<semaphore_mem>>)
      %dma_wait3A_87 = arith.constant 64 : i32
      %dma_wait3A_88 = tpu.memref_slice %arg7[%dma_wait3A_87] : memref<128xi32, #tpu.memory_space<vmem>> -> memref<64xi32, #tpu.memory_space<vmem>>
      %dma_wait3A_89 = tpu.memref_slice %arg4[%multiple_of3A] : memref<2048xi32, #tpu.memory_space<hbm>> -> memref<64xi32, #tpu.memory_space<hbm>>
      %dma_wait3A_90 = arith.constant 64 : i32
      %dma_wait3A_91 = tpu.memref_slice %arg7[%dma_wait3A_90] : memref<128xi32, #tpu.memory_space<vmem>> -> memref<64xi32, #tpu.memory_space<vmem>>
      %dma_wait3A_92 = tpu.memref_slice %arg4[%multiple_of3A] : memref<2048xi32, #tpu.memory_space<hbm>> -> memref<64xi32, #tpu.memory_space<hbm>>
      tpu.wait_dma2 semaphore(%run_scoped3A : memref<!tpu.dma_semaphore, #tpu.memory_space<semaphore_mem>>) src(%dma_wait3A_92 : memref<64xi32, #tpu.memory_space<hbm>>) dst(%dma_wait3A_91 : memref<64xi32, #tpu.memory_space<vmem>>)
      tpu.yield
    }) : () -> ()
    %add3A_3 = arith.constant 0 : i32
    %add3A_4 = arith.addi %multiple_of3A, %add3A_3 : i32
    %add3A_5 = arith.constant 32 : i32
    %add3A_6 = arith.addi %multiple_of3A, %add3A_5 : i32
    %add3A_7 = arith.constant 0 : i32
    %add3A_8 = arith.addi %multiple_of3A, %add3A_7 : i32
    %add3A_9 = arith.constant 32 : i32
    %add3A_10 = arith.addi %multiple_of3A, %add3A_9 : i32
    %dma_start3A = arith.constant 0 : i32
    %dma_start3A_11 = tpu.memref_slice %arg7[%dma_start3A] : memref<128xi32, #tpu.memory_space<vmem>> -> memref<32xi32, #tpu.memory_space<vmem>>
    %dma_start3A_12 = arith.constant 0 : i32
    %dma_start3A_13 = arith.constant 0 : i32
    %dma_start3A_14 = tpu.memref_slice %arg2[%dma_start3A_12, %dma_start3A_13] : memref<6144x1024xf32, #tpu.memory_space<hbm>> -> memref<6144x1024xf32, #tpu.memory_space<hbm>>
    tpu.enqueue_indirect_dma source(%dma_start3A_14 : memref<6144x1024xf32, #tpu.memory_space<hbm>>) target(%arg8 : memref<32x1024xf32, #tpu.memory_space<vmem>>) offsets(%dma_start3A_11 : memref<32xi32, #tpu.memory_space<vmem>>) semaphore(%arg10 : memref<!tpu.dma_semaphore, #tpu.memory_space<semaphore_mem>>)
    %dma_start3A_15 = arith.constant 32 : i32
    %dma_start3A_16 = tpu.memref_slice %arg7[%dma_start3A_15] : memref<128xi32, #tpu.memory_space<vmem>> -> memref<32xi32, #tpu.memory_space<vmem>>
    %dma_start3A_17 = arith.constant 0 : i32
    %dma_start3A_18 = arith.constant 0 : i32
    %dma_start3A_19 = tpu.memref_slice %arg2[%dma_start3A_17, %dma_start3A_18] : memref<6144x1024xf32, #tpu.memory_space<hbm>> -> memref<6144x1024xf32, #tpu.memory_space<hbm>>
    tpu.enqueue_indirect_dma source(%dma_start3A_19 : memref<6144x1024xf32, #tpu.memory_space<hbm>>) target(%arg9 : memref<32x1024xf32, #tpu.memory_space<vmem>>) offsets(%dma_start3A_16 : memref<32xi32, #tpu.memory_space<vmem>>) semaphore(%arg11 : memref<!tpu.dma_semaphore, #tpu.memory_space<semaphore_mem>>)
    %dma_wait3A = arith.constant 0 : i32
    %dma_wait3A_20 = tpu.memref_slice %arg7[%dma_wait3A] : memref<128xi32, #tpu.memory_space<vmem>> -> memref<32xi32, #tpu.memory_space<vmem>>
    %dma_wait3A_21 = arith.constant 0 : i32
    %dma_wait3A_22 = arith.constant 0 : i32
    %dma_wait3A_23 = tpu.memref_slice %arg2[%dma_wait3A_21, %dma_wait3A_22] : memref<6144x1024xf32, #tpu.memory_space<hbm>> -> memref<6144x1024xf32, #tpu.memory_space<hbm>>
    tpu.wait_indirect_dma semaphore(%arg10 : memref<!tpu.dma_semaphore, #tpu.memory_space<semaphore_mem>>) src(%dma_wait3A_23 : memref<6144x1024xf32, #tpu.memory_space<hbm>>) dst(%arg8 : memref<32x1024xf32, #tpu.memory_space<vmem>>)
    %dma_start3A_24 = arith.constant 0 : i32
    %dma_start3A_25 = tpu.memref_slice %arg5[%add3A_4, %dma_start3A_24] : memref<2048x1024xf32, #tpu.memory_space<hbm>> -> memref<32x1024xf32, #tpu.memory_space<hbm>>
    %dma_start3A_26 = arith.constant 0 : i32
    %dma_start3A_27 = tpu.memref_slice %arg5[%add3A_4, %dma_start3A_26] : memref<2048x1024xf32, #tpu.memory_space<hbm>> -> memref<32x1024xf32, #tpu.memory_space<hbm>>
    tpu.enqueue_dma source(%arg8 : memref<32x1024xf32, #tpu.memory_space<vmem>>) target(%dma_start3A_27 : memref<32x1024xf32, #tpu.memory_space<hbm>>) target_semaphore(%arg12 : memref<!tpu.dma_semaphore, #tpu.memory_space<semaphore_mem>>)
    %dma_wait3A_28 = arith.constant 0 : i32
    %dma_wait3A_29 = tpu.memref_slice %arg5[%add3A_4, %dma_wait3A_28] : memref<2048x1024xf32, #tpu.memory_space<hbm>> -> memref<32x1024xf32, #tpu.memory_space<hbm>>
    %dma_wait3A_30 = arith.constant 0 : i32
    %dma_wait3A_31 = tpu.memref_slice %arg5[%add3A_4, %dma_wait3A_30] : memref<2048x1024xf32, #tpu.memory_space<hbm>> -> memref<32x1024xf32, #tpu.memory_space<hbm>>
    tpu.wait_dma2 semaphore(%arg12 : memref<!tpu.dma_semaphore, #tpu.memory_space<semaphore_mem>>) src(%arg8 : memref<32x1024xf32, #tpu.memory_space<vmem>>) dst(%dma_wait3A_31 : memref<32x1024xf32, #tpu.memory_space<hbm>>)
    %dma_start3A_32 = arith.constant 64 : i32
    %dma_start3A_33 = tpu.memref_slice %arg7[%dma_start3A_32] : memref<128xi32, #tpu.memory_space<vmem>> -> memref<32xi32, #tpu.memory_space<vmem>>
    %dma_start3A_34 = arith.constant 0 : i32
    %dma_start3A_35 = arith.constant 0 : i32
    %dma_start3A_36 = tpu.memref_slice %arg2[%dma_start3A_34, %dma_start3A_35] : memref<6144x1024xf32, #tpu.memory_space<hbm>> -> memref<6144x1024xf32, #tpu.memory_space<hbm>>
    tpu.enqueue_indirect_dma source(%dma_start3A_36 : memref<6144x1024xf32, #tpu.memory_space<hbm>>) target(%arg8 : memref<32x1024xf32, #tpu.memory_space<vmem>>) offsets(%dma_start3A_33 : memref<32xi32, #tpu.memory_space<vmem>>) semaphore(%arg10 : memref<!tpu.dma_semaphore, #tpu.memory_space<semaphore_mem>>)
    %dma_wait3A_37 = arith.constant 32 : i32
    %dma_wait3A_38 = tpu.memref_slice %arg7[%dma_wait3A_37] : memref<128xi32, #tpu.memory_space<vmem>> -> memref<32xi32, #tpu.memory_space<vmem>>
    %dma_wait3A_39 = arith.constant 0 : i32
    %dma_wait3A_40 = arith.constant 0 : i32
    %dma_wait3A_41 = tpu.memref_slice %arg2[%dma_wait3A_39, %dma_wait3A_40] : memref<6144x1024xf32, #tpu.memory_space<hbm>> -> memref<6144x1024xf32, #tpu.memory_space<hbm>>
    tpu.wait_indirect_dma semaphore(%arg11 : memref<!tpu.dma_semaphore, #tpu.memory_space<semaphore_mem>>) src(%dma_wait3A_41 : memref<6144x1024xf32, #tpu.memory_space<hbm>>) dst(%arg9 : memref<32x1024xf32, #tpu.memory_space<vmem>>)
    %dma_start3A_42 = arith.constant 0 : i32
    %dma_start3A_43 = tpu.memref_slice %arg5[%add3A_6, %dma_start3A_42] : memref<2048x1024xf32, #tpu.memory_space<hbm>> -> memref<32x1024xf32, #tpu.memory_space<hbm>>
    %dma_start3A_44 = arith.constant 0 : i32
    %dma_start3A_45 = tpu.memref_slice %arg5[%add3A_6, %dma_start3A_44] : memref<2048x1024xf32, #tpu.memory_space<hbm>> -> memref<32x1024xf32, #tpu.memory_space<hbm>>
    tpu.enqueue_dma source(%arg9 : memref<32x1024xf32, #tpu.memory_space<vmem>>) target(%dma_start3A_45 : memref<32x1024xf32, #tpu.memory_space<hbm>>) target_semaphore(%arg13 : memref<!tpu.dma_semaphore, #tpu.memory_space<semaphore_mem>>)
    %dma_wait3A_46 = arith.constant 0 : i32
    %dma_wait3A_47 = tpu.memref_slice %arg5[%add3A_6, %dma_wait3A_46] : memref<2048x1024xf32, #tpu.memory_space<hbm>> -> memref<32x1024xf32, #tpu.memory_space<hbm>>
    %dma_wait3A_48 = arith.constant 0 : i32
    %dma_wait3A_49 = tpu.memref_slice %arg5[%add3A_6, %dma_wait3A_48] : memref<2048x1024xf32, #tpu.memory_space<hbm>> -> memref<32x1024xf32, #tpu.memory_space<hbm>>
    tpu.wait_dma2 semaphore(%arg13 : memref<!tpu.dma_semaphore, #tpu.memory_space<semaphore_mem>>) src(%arg9 : memref<32x1024xf32, #tpu.memory_space<vmem>>) dst(%dma_wait3A_49 : memref<32x1024xf32, #tpu.memory_space<hbm>>)
    %dma_start3A_50 = arith.constant 96 : i32
    %dma_start3A_51 = tpu.memref_slice %arg7[%dma_start3A_50] : memref<128xi32, #tpu.memory_space<vmem>> -> memref<32xi32, #tpu.memory_space<vmem>>
    %dma_start3A_52 = arith.constant 0 : i32
    %dma_start3A_53 = arith.constant 0 : i32
    %dma_start3A_54 = tpu.memref_slice %arg2[%dma_start3A_52, %dma_start3A_53] : memref<6144x1024xf32, #tpu.memory_space<hbm>> -> memref<6144x1024xf32, #tpu.memory_space<hbm>>
    tpu.enqueue_indirect_dma source(%dma_start3A_54 : memref<6144x1024xf32, #tpu.memory_space<hbm>>) target(%arg9 : memref<32x1024xf32, #tpu.memory_space<vmem>>) offsets(%dma_start3A_51 : memref<32xi32, #tpu.memory_space<vmem>>) semaphore(%arg11 : memref<!tpu.dma_semaphore, #tpu.memory_space<semaphore_mem>>)
    %dma_wait3A_55 = arith.constant 64 : i32
    %dma_wait3A_56 = tpu.memref_slice %arg7[%dma_wait3A_55] : memref<128xi32, #tpu.memory_space<vmem>> -> memref<32xi32, #tpu.memory_space<vmem>>
    %dma_wait3A_57 = arith.constant 0 : i32
    %dma_wait3A_58 = arith.constant 0 : i32
    %dma_wait3A_59 = tpu.memref_slice %arg2[%dma_wait3A_57, %dma_wait3A_58] : memref<6144x1024xf32, #tpu.memory_space<hbm>> -> memref<6144x1024xf32, #tpu.memory_space<hbm>>
    tpu.wait_indirect_dma semaphore(%arg10 : memref<!tpu.dma_semaphore, #tpu.memory_space<semaphore_mem>>) src(%dma_wait3A_59 : memref<6144x1024xf32, #tpu.memory_space<hbm>>) dst(%arg8 : memref<32x1024xf32, #tpu.memory_space<vmem>>)
    %dma_start3A_60 = arith.constant 0 : i32
    %dma_start3A_61 = tpu.memref_slice %arg6[%add3A_8, %dma_start3A_60] : memref<2048x1024xf32, #tpu.memory_space<hbm>> -> memref<32x1024xf32, #tpu.memory_space<hbm>>
    %dma_start3A_62 = arith.constant 0 : i32
    %dma_start3A_63 = tpu.memref_slice %arg6[%add3A_8, %dma_start3A_62] : memref<2048x1024xf32, #tpu.memory_space<hbm>> -> memref<32x1024xf32, #tpu.memory_space<hbm>>
    tpu.enqueue_dma source(%arg8 : memref<32x1024xf32, #tpu.memory_space<vmem>>) target(%dma_start3A_63 : memref<32x1024xf32, #tpu.memory_space<hbm>>) target_semaphore(%arg12 : memref<!tpu.dma_semaphore, #tpu.memory_space<semaphore_mem>>)
    %dma_wait3A_64 = arith.constant 96 : i32
    %dma_wait3A_65 = tpu.memref_slice %arg7[%dma_wait3A_64] : memref<128xi32, #tpu.memory_space<vmem>> -> memref<32xi32, #tpu.memory_space<vmem>>
    %dma_wait3A_66 = arith.constant 0 : i32
    %dma_wait3A_67 = arith.constant 0 : i32
    %dma_wait3A_68 = tpu.memref_slice %arg2[%dma_wait3A_66, %dma_wait3A_67] : memref<6144x1024xf32, #tpu.memory_space<hbm>> -> memref<6144x1024xf32, #tpu.memory_space<hbm>>
    tpu.wait_indirect_dma semaphore(%arg11 : memref<!tpu.dma_semaphore, #tpu.memory_space<semaphore_mem>>) src(%dma_wait3A_68 : memref<6144x1024xf32, #tpu.memory_space<hbm>>) dst(%arg9 : memref<32x1024xf32, #tpu.memory_space<vmem>>)
    %dma_start3A_69 = arith.constant 0 : i32
    %dma_start3A_70 = tpu.memref_slice %arg6[%add3A_10, %dma_start3A_69] : memref<2048x1024xf32, #tpu.memory_space<hbm>> -> memref<32x1024xf32, #tpu.memory_space<hbm>>
    %dma_start3A_71 = arith.constant 0 : i32
    %dma_start3A_72 = tpu.memref_slice %arg6[%add3A_10, %dma_start3A_71] : memref<2048x1024xf32, #tpu.memory_space<hbm>> -> memref<32x1024xf32, #tpu.memory_space<hbm>>
    tpu.enqueue_dma source(%arg9 : memref<32x1024xf32, #tpu.memory_space<vmem>>) target(%dma_start3A_72 : memref<32x1024xf32, #tpu.memory_space<hbm>>) target_semaphore(%arg13 : memref<!tpu.dma_semaphore, #tpu.memory_space<semaphore_mem>>)
    %dma_wait3A_73 = arith.constant 0 : i32
    %dma_wait3A_74 = tpu.memref_slice %arg6[%add3A_8, %dma_wait3A_73] : memref<2048x1024xf32, #tpu.memory_space<hbm>> -> memref<32x1024xf32, #tpu.memory_space<hbm>>
    %dma_wait3A_75 = arith.constant 0 : i32
    %dma_wait3A_76 = tpu.memref_slice %arg6[%add3A_8, %dma_wait3A_75] : memref<2048x1024xf32, #tpu.memory_space<hbm>> -> memref<32x1024xf32, #tpu.memory_space<hbm>>
    tpu.wait_dma2 semaphore(%arg12 : memref<!tpu.dma_semaphore, #tpu.memory_space<semaphore_mem>>) src(%arg8 : memref<32x1024xf32, #tpu.memory_space<vmem>>) dst(%dma_wait3A_76 : memref<32x1024xf32, #tpu.memory_space<hbm>>)
    %dma_wait3A_77 = arith.constant 0 : i32
    %dma_wait3A_78 = tpu.memref_slice %arg6[%add3A_10, %dma_wait3A_77] : memref<2048x1024xf32, #tpu.memory_space<hbm>> -> memref<32x1024xf32, #tpu.memory_space<hbm>>
    %dma_wait3A_79 = arith.constant 0 : i32
    %dma_wait3A_80 = tpu.memref_slice %arg6[%add3A_10, %dma_wait3A_79] : memref<2048x1024xf32, #tpu.memory_space<hbm>> -> memref<32x1024xf32, #tpu.memory_space<hbm>>
    tpu.wait_dma2 semaphore(%arg13 : memref<!tpu.dma_semaphore, #tpu.memory_space<semaphore_mem>>) src(%arg9 : memref<32x1024xf32, #tpu.memory_space<vmem>>) dst(%dma_wait3A_80 : memref<32x1024xf32, #tpu.memory_space<hbm>>)
    return
  }
}

#map = affine_map<(d0, d1) -> (0, 0)>
#map1 = affine_map<(d0, d1) -> (0)>
module attributes {stable_mosaic.version = 14 : i64} {
  func.func @_sc_dispatch_gather(%arg0: i32, %arg1: i32, %arg2: memref<2048x1024xf32, #tpu.memory_space<hbm>>, %arg3: memref<2048xi32, #tpu.memory_space<hbm>>, %arg4: memref<2048xi32, #tpu.memory_space<hbm>>, %arg5: memref<2048xf32, #tpu.memory_space<hbm>>, %arg6: memref<2048xf32, #tpu.memory_space<hbm>>, %arg7: memref<16xi32, #tpu.memory_space<hbm>>, %arg8: memref<6144x1024xf32, #tpu.memory_space<hbm>>, %arg9: memref<6144xf32, #tpu.memory_space<hbm>>, %arg10: memref<2048xi32, #tpu.memory_space<vmem>>, %arg11: memref<2048xf32, #tpu.memory_space<vmem>>, %arg12: memref<6144xi32, #tpu.memory_space<vmem>>, %arg13: memref<6144xf32, #tpu.memory_space<vmem>>, %arg14: memref<16xi32, #tpu.memory_space<vmem>>, %arg15: memref<48x1024xf32, #tpu.memory_space<vmem>>, %arg16: memref<48x1024xf32, #tpu.memory_space<vmem>>, %arg17: memref<!tpu.dma_semaphore, #tpu.memory_space<semaphore_mem>>, %arg18: memref<!tpu.dma_semaphore, #tpu.memory_space<semaphore_mem>>, %arg19: memref<!tpu.dma_semaphore, #tpu.memory_space<semaphore_mem>>, %arg20: memref<!tpu.dma_semaphore, #tpu.memory_space<semaphore_mem>>) attributes {dimension_semantics = [#tpu.dimension_semantics<core_parallel>, #tpu.dimension_semantics<subcore_parallel>], iteration_bounds = array<i64: 2, 16>, scalar_prefetch = 0 : i64, scratch_operands = 11 : i64, tpu.core_type = #tpu.core_type<sc_vector_subcore>, window_params = [{transform_indices = #map}, {transform_indices = #map1}, {transform_indices = #map1}, {transform_indices = #map1}, {transform_indices = #map1}, {transform_indices = #map1}, {transform_indices = #map}, {transform_indices = #map1}]} {
    %mul3A = arith.constant 2 : i32
    %mul3A_0 = arith.muli %arg1, %mul3A : i32
    %add3A = arith.addi %mul3A_0, %arg0 : i32
    "tpu.region"() ({
      %run_scoped3A = tpu.sem_alloc : memref<!tpu.dma_semaphore, #tpu.memory_space<semaphore_mem>>
      tpu.enqueue_dma source(%arg7 : memref<16xi32, #tpu.memory_space<hbm>>) target(%arg14 : memref<16xi32, #tpu.memory_space<vmem>>) target_semaphore(%run_scoped3A : memref<!tpu.dma_semaphore, #tpu.memory_space<semaphore_mem>>)
      tpu.wait_dma2 semaphore(%run_scoped3A : memref<!tpu.dma_semaphore, #tpu.memory_space<semaphore_mem>>) src(%arg7 : memref<16xi32, #tpu.memory_space<hbm>>) dst(%arg14 : memref<16xi32, #tpu.memory_space<vmem>>)
      tpu.yield
    }) : () -> ()
    %broadcast_in_dim3A = arith.constant 0.000000e+00 : f32
    %broadcast_in_dim3A_1 = vector.broadcast %broadcast_in_dim3A : f32 to vector<16xf32>
    %scan3A = arith.constant 0 : i32
    %scan3A_2 = arith.constant 0 : i32
    %scan3A_3 = arith.constant 384 : i32
    %scan3A_4 = arith.addi %scan3A_2, %scan3A_3 : i32
    %scan3A_5 = arith.constant 4 : i32
    %scan3A_6 = scf.for %scan3A_26 = %scan3A_2 to %scan3A_4 step %scan3A_5 iter_args(%scan3A_27 = %scan3A) -> (i32)  : i32 {
      %mul3A_28 = arith.constant 16 : i32
      %mul3A_29 = arith.muli %scan3A_26, %mul3A_28 : i32
      %iota3A = tpu.iota {dimensions = array<i32: 0>} : vector<16xi32>
      %add3A_30 = vector.broadcast %mul3A_29 : i32 to vector<16xi32>
      %add3A_31 = arith.addi %add3A_30, %iota3A : vector<16xi32>
      %and3A = arith.constant 2047 : i32
      %and3A_32 = vector.broadcast %and3A : i32 to vector<16xi32>
      %and3A_33 = arith.andi %add3A_31, %and3A_32 : vector<16xi32>
      %mul3A_34 = arith.constant 16 : i32
      %mul3A_35 = arith.muli %scan3A_26, %mul3A_34 : i32
      %swap3A = arith.index_cast %mul3A_35 : i32 to index
      %swap3A_36 = tpu.vector_load %arg12[%swap3A] {strides = array<i32>} : memref<6144xi32, #tpu.memory_space<vmem>>, vector<16xi32>,
      tpu.vector_store %arg12[%swap3A], %and3A_33 {strides = array<i32>} : memref<6144xi32, #tpu.memory_space<vmem>>, vector<16xi32>,
      %mul3A_37 = arith.constant 16 : i32
      %mul3A_38 = arith.muli %scan3A_26, %mul3A_37 : i32
      %swap3A_39 = arith.index_cast %mul3A_38 : i32 to index
      %swap3A_40 = tpu.vector_load %arg13[%swap3A_39] {strides = array<i32>} : memref<6144xf32, #tpu.memory_space<vmem>>, vector<16xf32>,
      tpu.vector_store %arg13[%swap3A_39], %broadcast_in_dim3A_1 {strides = array<i32>} : memref<6144xf32, #tpu.memory_space<vmem>>, vector<16xf32>,
      %scan3A_41 = arith.constant 0 : i32
      %scan3A_42 = arith.constant 1 : i32
      %scan3A_43 = arith.addi %scan3A_26, %scan3A_42 : i32
      %mul3A_44 = arith.constant 16 : i32
      %mul3A_45 = arith.muli %scan3A_43, %mul3A_44 : i32
      %iota3A_46 = tpu.iota {dimensions = array<i32: 0>} : vector<16xi32>
      %add3A_47 = vector.broadcast %mul3A_45 : i32 to vector<16xi32>
      %add3A_48 = arith.addi %add3A_47, %iota3A_46 : vector<16xi32>
      %and3A_49 = arith.constant 2047 : i32
      %and3A_50 = vector.broadcast %and3A_49 : i32 to vector<16xi32>
      %and3A_51 = arith.andi %add3A_48, %and3A_50 : vector<16xi32>
      %mul3A_52 = arith.constant 16 : i32
      %mul3A_53 = arith.muli %scan3A_43, %mul3A_52 : i32
      %swap3A_54 = arith.index_cast %mul3A_53 : i32 to index
      %swap3A_55 = tpu.vector_load %arg12[%swap3A_54] {strides = array<i32>} : memref<6144xi32, #tpu.memory_space<vmem>>, vector<16xi32>,
      tpu.vector_store %arg12[%swap3A_54], %and3A_51 {strides = array<i32>} : memref<6144xi32, #tpu.memory_space<vmem>>, vector<16xi32>,
      %mul3A_56 = arith.constant 16 : i32
      %mul3A_57 = arith.muli %scan3A_43, %mul3A_56 : i32
      %swap3A_58 = arith.index_cast %mul3A_57 : i32 to index
      %swap3A_59 = tpu.vector_load %arg13[%swap3A_58] {strides = array<i32>} : memref<6144xf32, #tpu.memory_space<vmem>>, vector<16xf32>,
      tpu.vector_store %arg13[%swap3A_58], %broadcast_in_dim3A_1 {strides = array<i32>} : memref<6144xf32, #tpu.memory_space<vmem>>, vector<16xf32>,
      %scan3A_60 = arith.constant 0 : i32
      %scan3A_61 = arith.constant 2 : i32
      %scan3A_62 = arith.addi %scan3A_26, %scan3A_61 : i32
      %mul3A_63 = arith.constant 16 : i32
      %mul3A_64 = arith.muli %scan3A_62, %mul3A_63 : i32
      %iota3A_65 = tpu.iota {dimensions = array<i32: 0>} : vector<16xi32>
      %add3A_66 = vector.broadcast %mul3A_64 : i32 to vector<16xi32>
      %add3A_67 = arith.addi %add3A_66, %iota3A_65 : vector<16xi32>
      %and3A_68 = arith.constant 2047 : i32
      %and3A_69 = vector.broadcast %and3A_68 : i32 to vector<16xi32>
      %and3A_70 = arith.andi %add3A_67, %and3A_69 : vector<16xi32>
      %mul3A_71 = arith.constant 16 : i32
      %mul3A_72 = arith.muli %scan3A_62, %mul3A_71 : i32
      %swap3A_73 = arith.index_cast %mul3A_72 : i32 to index
      %swap3A_74 = tpu.vector_load %arg12[%swap3A_73] {strides = array<i32>} : memref<6144xi32, #tpu.memory_space<vmem>>, vector<16xi32>,
      tpu.vector_store %arg12[%swap3A_73], %and3A_70 {strides = array<i32>} : memref<6144xi32, #tpu.memory_space<vmem>>, vector<16xi32>,
      %mul3A_75 = arith.constant 16 : i32
      %mul3A_76 = arith.muli %scan3A_62, %mul3A_75 : i32
      %swap3A_77 = arith.index_cast %mul3A_76 : i32 to index
      %swap3A_78 = tpu.vector_load %arg13[%swap3A_77] {strides = array<i32>} : memref<6144xf32, #tpu.memory_space<vmem>>, vector<16xf32>,
      tpu.vector_store %arg13[%swap3A_77], %broadcast_in_dim3A_1 {strides = array<i32>} : memref<6144xf32, #tpu.memory_space<vmem>>, vector<16xf32>,
      %scan3A_79 = arith.constant 0 : i32
      %scan3A_80 = arith.constant 3 : i32
      %scan3A_81 = arith.addi %scan3A_26, %scan3A_80 : i32
      %mul3A_82 = arith.constant 16 : i32
      %mul3A_83 = arith.muli %scan3A_81, %mul3A_82 : i32
      %iota3A_84 = tpu.iota {dimensions = array<i32: 0>} : vector<16xi32>
      %add3A_85 = vector.broadcast %mul3A_83 : i32 to vector<16xi32>
      %add3A_86 = arith.addi %add3A_85, %iota3A_84 : vector<16xi32>
      %and3A_87 = arith.constant 2047 : i32
      %and3A_88 = vector.broadcast %and3A_87 : i32 to vector<16xi32>
      %and3A_89 = arith.andi %add3A_86, %and3A_88 : vector<16xi32>
      %mul3A_90 = arith.constant 16 : i32
      %mul3A_91 = arith.muli %scan3A_81, %mul3A_90 : i32
      %swap3A_92 = arith.index_cast %mul3A_91 : i32 to index
      %swap3A_93 = tpu.vector_load %arg12[%swap3A_92] {strides = array<i32>} : memref<6144xi32, #tpu.memory_space<vmem>>, vector<16xi32>,
      tpu.vector_store %arg12[%swap3A_92], %and3A_89 {strides = array<i32>} : memref<6144xi32, #tpu.memory_space<vmem>>, vector<16xi32>,
      %mul3A_94 = arith.constant 16 : i32
      %mul3A_95 = arith.muli %scan3A_81, %mul3A_94 : i32
      %swap3A_96 = arith.index_cast %mul3A_95 : i32 to index
      %swap3A_97 = tpu.vector_load %arg13[%swap3A_96] {strides = array<i32>} : memref<6144xf32, #tpu.memory_space<vmem>>, vector<16xf32>,
      tpu.vector_store %arg13[%swap3A_96], %broadcast_in_dim3A_1 {strides = array<i32>} : memref<6144xf32, #tpu.memory_space<vmem>>, vector<16xf32>,
      %scan3A_98 = arith.constant 0 : i32
      scf.yield %scan3A_98 : i32
    }
    %scan3A_7 = arith.constant 384 : i32
    "tpu.region"() ({
      %run_scoped3A = tpu.sem_alloc : memref<!tpu.dma_semaphore, #tpu.memory_space<semaphore_mem>>
      tpu.enqueue_dma source(%arg3 : memref<2048xi32, #tpu.memory_space<hbm>>) target(%arg10 : memref<2048xi32, #tpu.memory_space<vmem>>) target_semaphore(%run_scoped3A : memref<!tpu.dma_semaphore, #tpu.memory_space<semaphore_mem>>)
      tpu.wait_dma2 semaphore(%run_scoped3A : memref<!tpu.dma_semaphore, #tpu.memory_space<semaphore_mem>>) src(%arg3 : memref<2048xi32, #tpu.memory_space<hbm>>) dst(%arg10 : memref<2048xi32, #tpu.memory_space<vmem>>)
      tpu.yield
    }) : () -> ()
    "tpu.region"() ({
      %run_scoped3A = tpu.sem_alloc : memref<!tpu.dma_semaphore, #tpu.memory_space<semaphore_mem>>
      tpu.enqueue_dma source(%arg5 : memref<2048xf32, #tpu.memory_space<hbm>>) target(%arg11 : memref<2048xf32, #tpu.memory_space<vmem>>) target_semaphore(%run_scoped3A : memref<!tpu.dma_semaphore, #tpu.memory_space<semaphore_mem>>)
      tpu.wait_dma2 semaphore(%run_scoped3A : memref<!tpu.dma_semaphore, #tpu.memory_space<semaphore_mem>>) src(%arg5 : memref<2048xf32, #tpu.memory_space<hbm>>) dst(%arg11 : memref<2048xf32, #tpu.memory_space<vmem>>)
      tpu.yield
    }) : () -> ()
    %scan3A_8 = arith.constant 0 : i32
    %scan3A_9 = arith.constant 0 : i32
    %scan3A_10 = arith.constant 128 : i32
    %scan3A_11 = arith.addi %scan3A_9, %scan3A_10 : i32
    %scan3A_12 = arith.constant 4 : i32
    %scan3A_13 = scf.for %scan3A_26 = %scan3A_9 to %scan3A_11 step %scan3A_12 iter_args(%scan3A_27 = %scan3A_8) -> (i32)  : i32 {
      %mul3A_28 = arith.constant 16 : i32
      %mul3A_29 = arith.muli %scan3A_26, %mul3A_28 : i32
      %get3A_30 = arith.index_cast %mul3A_29 : i32 to index
      %get3A_31 = tpu.vector_load %arg10[%get3A_30] {strides = array<i32>} : memref<2048xi32, #tpu.memory_space<vmem>>, vector<16xi32>,
      %mul3A_32 = arith.constant 16 : i32
      %mul3A_33 = arith.muli %scan3A_26, %mul3A_32 : i32
      %iota3A = tpu.iota {dimensions = array<i32: 0>} : vector<16xi32>
      %add3A_34 = vector.broadcast %mul3A_33 : i32 to vector<16xi32>
      %add3A_35 = arith.addi %add3A_34, %iota3A : vector<16xi32>
      tpu.vector_store_idx %arg12[%get3A_31], %add3A_35 : memref<6144xi32, #tpu.memory_space<vmem>>[vector<16xi32>], vector<16xi32>,
      %mul3A_36 = arith.constant 16 : i32
      %mul3A_37 = arith.muli %scan3A_26, %mul3A_36 : i32
      %get3A_38 = arith.index_cast %mul3A_37 : i32 to index
      %get3A_39 = tpu.vector_load %arg11[%get3A_38] {strides = array<i32>} : memref<2048xf32, #tpu.memory_space<vmem>>, vector<16xf32>,
      tpu.vector_store_idx %arg13[%get3A_31], %get3A_39 : memref<6144xf32, #tpu.memory_space<vmem>>[vector<16xi32>], vector<16xf32>,
      %scan3A_40 = arith.constant 0 : i32
      %scan3A_41 = arith.constant 1 : i32
      %scan3A_42 = arith.addi %scan3A_26, %scan3A_41 : i32
      %mul3A_43 = arith.constant 16 : i32
      %mul3A_44 = arith.muli %scan3A_42, %mul3A_43 : i32
      %get3A_45 = arith.index_cast %mul3A_44 : i32 to index
      %get3A_46 = tpu.vector_load %arg10[%get3A_45] {strides = array<i32>} : memref<2048xi32, #tpu.memory_space<vmem>>, vector<16xi32>,
      %mul3A_47 = arith.constant 16 : i32
      %mul3A_48 = arith.muli %scan3A_42, %mul3A_47 : i32
      %iota3A_49 = tpu.iota {dimensions = array<i32: 0>} : vector<16xi32>
      %add3A_50 = vector.broadcast %mul3A_48 : i32 to vector<16xi32>
      %add3A_51 = arith.addi %add3A_50, %iota3A_49 : vector<16xi32>
      tpu.vector_store_idx %arg12[%get3A_46], %add3A_51 : memref<6144xi32, #tpu.memory_space<vmem>>[vector<16xi32>], vector<16xi32>,
      %mul3A_52 = arith.constant 16 : i32
      %mul3A_53 = arith.muli %scan3A_42, %mul3A_52 : i32
      %get3A_54 = arith.index_cast %mul3A_53 : i32 to index
      %get3A_55 = tpu.vector_load %arg11[%get3A_54] {strides = array<i32>} : memref<2048xf32, #tpu.memory_space<vmem>>, vector<16xf32>,
      tpu.vector_store_idx %arg13[%get3A_46], %get3A_55 : memref<6144xf32, #tpu.memory_space<vmem>>[vector<16xi32>], vector<16xf32>,
      %scan3A_56 = arith.constant 0 : i32
      %scan3A_57 = arith.constant 2 : i32
      %scan3A_58 = arith.addi %scan3A_26, %scan3A_57 : i32
      %mul3A_59 = arith.constant 16 : i32
      %mul3A_60 = arith.muli %scan3A_58, %mul3A_59 : i32
      %get3A_61 = arith.index_cast %mul3A_60 : i32 to index
      %get3A_62 = tpu.vector_load %arg10[%get3A_61] {strides = array<i32>} : memref<2048xi32, #tpu.memory_space<vmem>>, vector<16xi32>,
      %mul3A_63 = arith.constant 16 : i32
      %mul3A_64 = arith.muli %scan3A_58, %mul3A_63 : i32
      %iota3A_65 = tpu.iota {dimensions = array<i32: 0>} : vector<16xi32>
      %add3A_66 = vector.broadcast %mul3A_64 : i32 to vector<16xi32>
      %add3A_67 = arith.addi %add3A_66, %iota3A_65 : vector<16xi32>
      tpu.vector_store_idx %arg12[%get3A_62], %add3A_67 : memref<6144xi32, #tpu.memory_space<vmem>>[vector<16xi32>], vector<16xi32>,
      %mul3A_68 = arith.constant 16 : i32
      %mul3A_69 = arith.muli %scan3A_58, %mul3A_68 : i32
      %get3A_70 = arith.index_cast %mul3A_69 : i32 to index
      %get3A_71 = tpu.vector_load %arg11[%get3A_70] {strides = array<i32>} : memref<2048xf32, #tpu.memory_space<vmem>>, vector<16xf32>,
      tpu.vector_store_idx %arg13[%get3A_62], %get3A_71 : memref<6144xf32, #tpu.memory_space<vmem>>[vector<16xi32>], vector<16xf32>,
      %scan3A_72 = arith.constant 0 : i32
      %scan3A_73 = arith.constant 3 : i32
      %scan3A_74 = arith.addi %scan3A_26, %scan3A_73 : i32
      %mul3A_75 = arith.constant 16 : i32
      %mul3A_76 = arith.muli %scan3A_74, %mul3A_75 : i32
      %get3A_77 = arith.index_cast %mul3A_76 : i32 to index
      %get3A_78 = tpu.vector_load %arg10[%get3A_77] {strides = array<i32>} : memref<2048xi32, #tpu.memory_space<vmem>>, vector<16xi32>,
      %mul3A_79 = arith.constant 16 : i32
      %mul3A_80 = arith.muli %scan3A_74, %mul3A_79 : i32
      %iota3A_81 = tpu.iota {dimensions = array<i32: 0>} : vector<16xi32>
      %add3A_82 = vector.broadcast %mul3A_80 : i32 to vector<16xi32>
      %add3A_83 = arith.addi %add3A_82, %iota3A_81 : vector<16xi32>
      tpu.vector_store_idx %arg12[%get3A_78], %add3A_83 : memref<6144xi32, #tpu.memory_space<vmem>>[vector<16xi32>], vector<16xi32>,
      %mul3A_84 = arith.constant 16 : i32
      %mul3A_85 = arith.muli %scan3A_74, %mul3A_84 : i32
      %get3A_86 = arith.index_cast %mul3A_85 : i32 to index
      %get3A_87 = tpu.vector_load %arg11[%get3A_86] {strides = array<i32>} : memref<2048xf32, #tpu.memory_space<vmem>>, vector<16xf32>,
      tpu.vector_store_idx %arg13[%get3A_78], %get3A_87 : memref<6144xf32, #tpu.memory_space<vmem>>[vector<16xi32>], vector<16xf32>,
      %scan3A_88 = arith.constant 0 : i32
      scf.yield %scan3A_88 : i32
    }
    %scan3A_14 = arith.constant 128 : i32
    "tpu.region"() ({
      %run_scoped3A = tpu.sem_alloc : memref<!tpu.dma_semaphore, #tpu.memory_space<semaphore_mem>>
      tpu.enqueue_dma source(%arg4 : memref<2048xi32, #tpu.memory_space<hbm>>) target(%arg10 : memref<2048xi32, #tpu.memory_space<vmem>>) target_semaphore(%run_scoped3A : memref<!tpu.dma_semaphore, #tpu.memory_space<semaphore_mem>>)
      tpu.wait_dma2 semaphore(%run_scoped3A : memref<!tpu.dma_semaphore, #tpu.memory_space<semaphore_mem>>) src(%arg4 : memref<2048xi32, #tpu.memory_space<hbm>>) dst(%arg10 : memref<2048xi32, #tpu.memory_space<vmem>>)
      tpu.yield
    }) : () -> ()
    "tpu.region"() ({
      %run_scoped3A = tpu.sem_alloc : memref<!tpu.dma_semaphore, #tpu.memory_space<semaphore_mem>>
      tpu.enqueue_dma source(%arg6 : memref<2048xf32, #tpu.memory_space<hbm>>) target(%arg11 : memref<2048xf32, #tpu.memory_space<vmem>>) target_semaphore(%run_scoped3A : memref<!tpu.dma_semaphore, #tpu.memory_space<semaphore_mem>>)
      tpu.wait_dma2 semaphore(%run_scoped3A : memref<!tpu.dma_semaphore, #tpu.memory_space<semaphore_mem>>) src(%arg6 : memref<2048xf32, #tpu.memory_space<hbm>>) dst(%arg11 : memref<2048xf32, #tpu.memory_space<vmem>>)
      tpu.yield
    }) : () -> ()
    %scan3A_15 = arith.constant 0 : i32
    %scan3A_16 = arith.constant 0 : i32
    %scan3A_17 = arith.constant 128 : i32
    %scan3A_18 = arith.addi %scan3A_16, %scan3A_17 : i32
    %scan3A_19 = arith.constant 4 : i32
    %scan3A_20 = scf.for %scan3A_26 = %scan3A_16 to %scan3A_18 step %scan3A_19 iter_args(%scan3A_27 = %scan3A_15) -> (i32)  : i32 {
      %mul3A_28 = arith.constant 16 : i32
      %mul3A_29 = arith.muli %scan3A_26, %mul3A_28 : i32
      %get3A_30 = arith.index_cast %mul3A_29 : i32 to index
      %get3A_31 = tpu.vector_load %arg10[%get3A_30] {strides = array<i32>} : memref<2048xi32, #tpu.memory_space<vmem>>, vector<16xi32>,
      %mul3A_32 = arith.constant 16 : i32
      %mul3A_33 = arith.muli %scan3A_26, %mul3A_32 : i32
      %iota3A = tpu.iota {dimensions = array<i32: 0>} : vector<16xi32>
      %add3A_34 = vector.broadcast %mul3A_33 : i32 to vector<16xi32>
      %add3A_35 = arith.addi %add3A_34, %iota3A : vector<16xi32>
      tpu.vector_store_idx %arg12[%get3A_31], %add3A_35 : memref<6144xi32, #tpu.memory_space<vmem>>[vector<16xi32>], vector<16xi32>,
      %mul3A_36 = arith.constant 16 : i32
      %mul3A_37 = arith.muli %scan3A_26, %mul3A_36 : i32
      %get3A_38 = arith.index_cast %mul3A_37 : i32 to index
      %get3A_39 = tpu.vector_load %arg11[%get3A_38] {strides = array<i32>} : memref<2048xf32, #tpu.memory_space<vmem>>, vector<16xf32>,
      tpu.vector_store_idx %arg13[%get3A_31], %get3A_39 : memref<6144xf32, #tpu.memory_space<vmem>>[vector<16xi32>], vector<16xf32>,
      %scan3A_40 = arith.constant 0 : i32
      %scan3A_41 = arith.constant 1 : i32
      %scan3A_42 = arith.addi %scan3A_26, %scan3A_41 : i32
      %mul3A_43 = arith.constant 16 : i32
      %mul3A_44 = arith.muli %scan3A_42, %mul3A_43 : i32
      %get3A_45 = arith.index_cast %mul3A_44 : i32 to index
      %get3A_46 = tpu.vector_load %arg10[%get3A_45] {strides = array<i32>} : memref<2048xi32, #tpu.memory_space<vmem>>, vector<16xi32>,
      %mul3A_47 = arith.constant 16 : i32
      %mul3A_48 = arith.muli %scan3A_42, %mul3A_47 : i32
      %iota3A_49 = tpu.iota {dimensions = array<i32: 0>} : vector<16xi32>
      %add3A_50 = vector.broadcast %mul3A_48 : i32 to vector<16xi32>
      %add3A_51 = arith.addi %add3A_50, %iota3A_49 : vector<16xi32>
      tpu.vector_store_idx %arg12[%get3A_46], %add3A_51 : memref<6144xi32, #tpu.memory_space<vmem>>[vector<16xi32>], vector<16xi32>,
      %mul3A_52 = arith.constant 16 : i32
      %mul3A_53 = arith.muli %scan3A_42, %mul3A_52 : i32
      %get3A_54 = arith.index_cast %mul3A_53 : i32 to index
      %get3A_55 = tpu.vector_load %arg11[%get3A_54] {strides = array<i32>} : memref<2048xf32, #tpu.memory_space<vmem>>, vector<16xf32>,
      tpu.vector_store_idx %arg13[%get3A_46], %get3A_55 : memref<6144xf32, #tpu.memory_space<vmem>>[vector<16xi32>], vector<16xf32>,
      %scan3A_56 = arith.constant 0 : i32
      %scan3A_57 = arith.constant 2 : i32
      %scan3A_58 = arith.addi %scan3A_26, %scan3A_57 : i32
      %mul3A_59 = arith.constant 16 : i32
      %mul3A_60 = arith.muli %scan3A_58, %mul3A_59 : i32
      %get3A_61 = arith.index_cast %mul3A_60 : i32 to index
      %get3A_62 = tpu.vector_load %arg10[%get3A_61] {strides = array<i32>} : memref<2048xi32, #tpu.memory_space<vmem>>, vector<16xi32>,
      %mul3A_63 = arith.constant 16 : i32
      %mul3A_64 = arith.muli %scan3A_58, %mul3A_63 : i32
      %iota3A_65 = tpu.iota {dimensions = array<i32: 0>} : vector<16xi32>
      %add3A_66 = vector.broadcast %mul3A_64 : i32 to vector<16xi32>
      %add3A_67 = arith.addi %add3A_66, %iota3A_65 : vector<16xi32>
      tpu.vector_store_idx %arg12[%get3A_62], %add3A_67 : memref<6144xi32, #tpu.memory_space<vmem>>[vector<16xi32>], vector<16xi32>,
      %mul3A_68 = arith.constant 16 : i32
      %mul3A_69 = arith.muli %scan3A_58, %mul3A_68 : i32
      %get3A_70 = arith.index_cast %mul3A_69 : i32 to index
      %get3A_71 = tpu.vector_load %arg11[%get3A_70] {strides = array<i32>} : memref<2048xf32, #tpu.memory_space<vmem>>, vector<16xf32>,
      tpu.vector_store_idx %arg13[%get3A_62], %get3A_71 : memref<6144xf32, #tpu.memory_space<vmem>>[vector<16xi32>], vector<16xf32>,
      %scan3A_72 = arith.constant 0 : i32
      %scan3A_73 = arith.constant 3 : i32
      %scan3A_74 = arith.addi %scan3A_26, %scan3A_73 : i32
      %mul3A_75 = arith.constant 16 : i32
      %mul3A_76 = arith.muli %scan3A_74, %mul3A_75 : i32
      %get3A_77 = arith.index_cast %mul3A_76 : i32 to index
      %get3A_78 = tpu.vector_load %arg10[%get3A_77] {strides = array<i32>} : memref<2048xi32, #tpu.memory_space<vmem>>, vector<16xi32>,
      %mul3A_79 = arith.constant 16 : i32
      %mul3A_80 = arith.muli %scan3A_74, %mul3A_79 : i32
      %iota3A_81 = tpu.iota {dimensions = array<i32: 0>} : vector<16xi32>
      %add3A_82 = vector.broadcast %mul3A_80 : i32 to vector<16xi32>
      %add3A_83 = arith.addi %add3A_82, %iota3A_81 : vector<16xi32>
      tpu.vector_store_idx %arg12[%get3A_78], %add3A_83 : memref<6144xi32, #tpu.memory_space<vmem>>[vector<16xi32>], vector<16xi32>,
      %mul3A_84 = arith.constant 16 : i32
      %mul3A_85 = arith.muli %scan3A_74, %mul3A_84 : i32
      %get3A_86 = arith.index_cast %mul3A_85 : i32 to index
      %get3A_87 = tpu.vector_load %arg11[%get3A_86] {strides = array<i32>} : memref<2048xf32, #tpu.memory_space<vmem>>, vector<16xf32>,
      tpu.vector_store_idx %arg13[%get3A_78], %get3A_87 : memref<6144xf32, #tpu.memory_space<vmem>>[vector<16xi32>], vector<16xf32>,
      %scan3A_88 = arith.constant 0 : i32
      scf.yield %scan3A_88 : i32
    }
    %scan3A_21 = arith.constant 128 : i32
    %mul3A_22 = arith.constant 192 : i32
    %mul3A_23 = arith.muli %add3A, %mul3A_22 : i32
    %multiple_of3A = tpu.assume_multiple %mul3A_23, 8 : i32
    "tpu.region"() ({
      %run_scoped3A = tpu.sem_alloc : memref<!tpu.dma_semaphore, #tpu.memory_space<semaphore_mem>>
      %dma_start3A = tpu.memref_slice %arg13[%multiple_of3A] : memref<6144xf32, #tpu.memory_space<vmem>> -> memref<192xf32, #tpu.memory_space<vmem>>
      %dma_start3A_26 = tpu.memref_slice %arg9[%multiple_of3A] : memref<6144xf32, #tpu.memory_space<hbm>> -> memref<192xf32, #tpu.memory_space<hbm>>
      %dma_start3A_27 = tpu.memref_slice %arg9[%multiple_of3A] : memref<6144xf32, #tpu.memory_space<hbm>> -> memref<192xf32, #tpu.memory_space<hbm>>
      %dma_start3A_28 = tpu.memref_slice %arg13[%multiple_of3A] : memref<6144xf32, #tpu.memory_space<vmem>> -> memref<192xf32, #tpu.memory_space<vmem>>
      tpu.enqueue_dma source(%dma_start3A_28 : memref<192xf32, #tpu.memory_space<vmem>>) target(%dma_start3A_27 : memref<192xf32, #tpu.memory_space<hbm>>) target_semaphore(%run_scoped3A : memref<!tpu.dma_semaphore, #tpu.memory_space<semaphore_mem>>)
      %dma_wait3A = tpu.memref_slice %arg13[%multiple_of3A] : memref<6144xf32, #tpu.memory_space<vmem>> -> memref<192xf32, #tpu.memory_space<vmem>>
      %dma_wait3A_29 = tpu.memref_slice %arg9[%multiple_of3A] : memref<6144xf32, #tpu.memory_space<hbm>> -> memref<192xf32, #tpu.memory_space<hbm>>
      %dma_wait3A_30 = tpu.memref_slice %arg9[%multiple_of3A] : memref<6144xf32, #tpu.memory_space<hbm>> -> memref<192xf32, #tpu.memory_space<hbm>>
      %dma_wait3A_31 = tpu.memref_slice %arg13[%multiple_of3A] : memref<6144xf32, #tpu.memory_space<vmem>> -> memref<192xf32, #tpu.memory_space<vmem>>
      tpu.wait_dma2 semaphore(%run_scoped3A : memref<!tpu.dma_semaphore, #tpu.memory_space<semaphore_mem>>) src(%dma_wait3A_31 : memref<192xf32, #tpu.memory_space<vmem>>) dst(%dma_wait3A_30 : memref<192xf32, #tpu.memory_space<hbm>>)
      tpu.yield
    }) : () -> ()
    %get3A = arith.constant 0 : index
    %get3A_24 = tpu.vector_load %arg14[%get3A] {strides = array<i32>} : memref<16xi32, #tpu.memory_space<vmem>>, vector<16xi32>,
    %slice3A = vector.extract_strided_slice %get3A_24 {offsets = [0], sizes = [1], strides = [1]} : vector<16xi32> to vector<1xi32>
    %squeeze3A = vector.extract %slice3A[0] : i32 from vector<1xi32>
    %lt3A = arith.cmpi slt, %multiple_of3A, %squeeze3A : i32
    %convert_element_type3A = arith.extui %lt3A : i1 to i32
    %cond3A = arith.constant 0 : i32
    %cond3A_25 = arith.cmpi ne, %convert_element_type3A, %cond3A : i32
    scf.if %cond3A_25 {
      %add3A_26 = arith.constant 0 : i32
      %add3A_27 = arith.addi %multiple_of3A, %add3A_26 : i32
      %dma_start3A = tpu.memref_slice %arg12[%add3A_27] : memref<6144xi32, #tpu.memory_space<vmem>> -> memref<48xi32, #tpu.memory_space<vmem>>
      %dma_start3A_28 = arith.constant 0 : i32
      %dma_start3A_29 = arith.constant 0 : i32
      %dma_start3A_30 = tpu.memref_slice %arg2[%dma_start3A_28, %dma_start3A_29] : memref<2048x1024xf32, #tpu.memory_space<hbm>> -> memref<2048x1024xf32, #tpu.memory_space<hbm>>
      tpu.enqueue_indirect_dma source(%dma_start3A_30 : memref<2048x1024xf32, #tpu.memory_space<hbm>>) target(%arg15 : memref<48x1024xf32, #tpu.memory_space<vmem>>) offsets(%dma_start3A : memref<48xi32, #tpu.memory_space<vmem>>) semaphore(%arg17 : memref<!tpu.dma_semaphore, #tpu.memory_space<semaphore_mem>>)
      %add3A_31 = arith.constant 48 : i32
      %add3A_32 = arith.addi %multiple_of3A, %add3A_31 : i32
      %dma_start3A_33 = tpu.memref_slice %arg12[%add3A_32] : memref<6144xi32, #tpu.memory_space<vmem>> -> memref<48xi32, #tpu.memory_space<vmem>>
      %dma_start3A_34 = arith.constant 0 : i32
      %dma_start3A_35 = arith.constant 0 : i32
      %dma_start3A_36 = tpu.memref_slice %arg2[%dma_start3A_34, %dma_start3A_35] : memref<2048x1024xf32, #tpu.memory_space<hbm>> -> memref<2048x1024xf32, #tpu.memory_space<hbm>>
      tpu.enqueue_indirect_dma source(%dma_start3A_36 : memref<2048x1024xf32, #tpu.memory_space<hbm>>) target(%arg16 : memref<48x1024xf32, #tpu.memory_space<vmem>>) offsets(%dma_start3A_33 : memref<48xi32, #tpu.memory_space<vmem>>) semaphore(%arg18 : memref<!tpu.dma_semaphore, #tpu.memory_space<semaphore_mem>>)
      %dma_wait3A = tpu.memref_slice %arg12[%add3A_27] : memref<6144xi32, #tpu.memory_space<vmem>> -> memref<48xi32, #tpu.memory_space<vmem>>
      %dma_wait3A_37 = arith.constant 0 : i32
      %dma_wait3A_38 = arith.constant 0 : i32
      %dma_wait3A_39 = tpu.memref_slice %arg2[%dma_wait3A_37, %dma_wait3A_38] : memref<2048x1024xf32, #tpu.memory_space<hbm>> -> memref<2048x1024xf32, #tpu.memory_space<hbm>>
      tpu.wait_indirect_dma semaphore(%arg17 : memref<!tpu.dma_semaphore, #tpu.memory_space<semaphore_mem>>) src(%dma_wait3A_39 : memref<2048x1024xf32, #tpu.memory_space<hbm>>) dst(%arg15 : memref<48x1024xf32, #tpu.memory_space<vmem>>)
      %add3A_40 = arith.constant 0 : i32
      %add3A_41 = arith.addi %multiple_of3A, %add3A_40 : i32
      %dma_start3A_42 = arith.constant 0 : i32
      %dma_start3A_43 = tpu.memref_slice %arg8[%add3A_41, %dma_start3A_42] : memref<6144x1024xf32, #tpu.memory_space<hbm>> -> memref<48x1024xf32, #tpu.memory_space<hbm>>
      %dma_start3A_44 = arith.constant 0 : i32
      %dma_start3A_45 = tpu.memref_slice %arg8[%add3A_41, %dma_start3A_44] : memref<6144x1024xf32, #tpu.memory_space<hbm>> -> memref<48x1024xf32, #tpu.memory_space<hbm>>
      tpu.enqueue_dma source(%arg15 : memref<48x1024xf32, #tpu.memory_space<vmem>>) target(%dma_start3A_45 : memref<48x1024xf32, #tpu.memory_space<hbm>>) target_semaphore(%arg19 : memref<!tpu.dma_semaphore, #tpu.memory_space<semaphore_mem>>)
      %dma_wait3A_46 = arith.constant 0 : i32
      %dma_wait3A_47 = tpu.memref_slice %arg8[%add3A_41, %dma_wait3A_46] : memref<6144x1024xf32, #tpu.memory_space<hbm>> -> memref<48x1024xf32, #tpu.memory_space<hbm>>
      %dma_wait3A_48 = arith.constant 0 : i32
      %dma_wait3A_49 = tpu.memref_slice %arg8[%add3A_41, %dma_wait3A_48] : memref<6144x1024xf32, #tpu.memory_space<hbm>> -> memref<48x1024xf32, #tpu.memory_space<hbm>>
      tpu.wait_dma2 semaphore(%arg19 : memref<!tpu.dma_semaphore, #tpu.memory_space<semaphore_mem>>) src(%arg15 : memref<48x1024xf32, #tpu.memory_space<vmem>>) dst(%dma_wait3A_49 : memref<48x1024xf32, #tpu.memory_space<hbm>>)
      %add3A_50 = arith.constant 96 : i32
      %add3A_51 = arith.addi %multiple_of3A, %add3A_50 : i32
      %dma_start3A_52 = tpu.memref_slice %arg12[%add3A_51] : memref<6144xi32, #tpu.memory_space<vmem>> -> memref<48xi32, #tpu.memory_space<vmem>>
      %dma_start3A_53 = arith.constant 0 : i32
      %dma_start3A_54 = arith.constant 0 : i32
      %dma_start3A_55 = tpu.memref_slice %arg2[%dma_start3A_53, %dma_start3A_54] : memref<2048x1024xf32, #tpu.memory_space<hbm>> -> memref<2048x1024xf32, #tpu.memory_space<hbm>>
      tpu.enqueue_indirect_dma source(%dma_start3A_55 : memref<2048x1024xf32, #tpu.memory_space<hbm>>) target(%arg15 : memref<48x1024xf32, #tpu.memory_space<vmem>>) offsets(%dma_start3A_52 : memref<48xi32, #tpu.memory_space<vmem>>) semaphore(%arg17 : memref<!tpu.dma_semaphore, #tpu.memory_space<semaphore_mem>>)
      %dma_wait3A_56 = tpu.memref_slice %arg12[%add3A_32] : memref<6144xi32, #tpu.memory_space<vmem>> -> memref<48xi32, #tpu.memory_space<vmem>>
      %dma_wait3A_57 = arith.constant 0 : i32
      %dma_wait3A_58 = arith.constant 0 : i32
      %dma_wait3A_59 = tpu.memref_slice %arg2[%dma_wait3A_57, %dma_wait3A_58] : memref<2048x1024xf32, #tpu.memory_space<hbm>> -> memref<2048x1024xf32, #tpu.memory_space<hbm>>
      tpu.wait_indirect_dma semaphore(%arg18 : memref<!tpu.dma_semaphore, #tpu.memory_space<semaphore_mem>>) src(%dma_wait3A_59 : memref<2048x1024xf32, #tpu.memory_space<hbm>>) dst(%arg16 : memref<48x1024xf32, #tpu.memory_space<vmem>>)
      %add3A_60 = arith.constant 48 : i32
      %add3A_61 = arith.addi %multiple_of3A, %add3A_60 : i32
      %dma_start3A_62 = arith.constant 0 : i32
      %dma_start3A_63 = tpu.memref_slice %arg8[%add3A_61, %dma_start3A_62] : memref<6144x1024xf32, #tpu.memory_space<hbm>> -> memref<48x1024xf32, #tpu.memory_space<hbm>>
      %dma_start3A_64 = arith.constant 0 : i32
      %dma_start3A_65 = tpu.memref_slice %arg8[%add3A_61, %dma_start3A_64] : memref<6144x1024xf32, #tpu.memory_space<hbm>> -> memref<48x1024xf32, #tpu.memory_space<hbm>>
      tpu.enqueue_dma source(%arg16 : memref<48x1024xf32, #tpu.memory_space<vmem>>) target(%dma_start3A_65 : memref<48x1024xf32, #tpu.memory_space<hbm>>) target_semaphore(%arg20 : memref<!tpu.dma_semaphore, #tpu.memory_space<semaphore_mem>>)
      %dma_wait3A_66 = arith.constant 0 : i32
      %dma_wait3A_67 = tpu.memref_slice %arg8[%add3A_61, %dma_wait3A_66] : memref<6144x1024xf32, #tpu.memory_space<hbm>> -> memref<48x1024xf32, #tpu.memory_space<hbm>>
      %dma_wait3A_68 = arith.constant 0 : i32
      %dma_wait3A_69 = tpu.memref_slice %arg8[%add3A_61, %dma_wait3A_68] : memref<6144x1024xf32, #tpu.memory_space<hbm>> -> memref<48x1024xf32, #tpu.memory_space<hbm>>
      tpu.wait_dma2 semaphore(%arg20 : memref<!tpu.dma_semaphore, #tpu.memory_space<semaphore_mem>>) src(%arg16 : memref<48x1024xf32, #tpu.memory_space<vmem>>) dst(%dma_wait3A_69 : memref<48x1024xf32, #tpu.memory_space<hbm>>)
      %add3A_70 = arith.constant 144 : i32
      %add3A_71 = arith.addi %multiple_of3A, %add3A_70 : i32
      %dma_start3A_72 = tpu.memref_slice %arg12[%add3A_71] : memref<6144xi32, #tpu.memory_space<vmem>> -> memref<48xi32, #tpu.memory_space<vmem>>
      %dma_start3A_73 = arith.constant 0 : i32
      %dma_start3A_74 = arith.constant 0 : i32
      %dma_start3A_75 = tpu.memref_slice %arg2[%dma_start3A_73, %dma_start3A_74] : memref<2048x1024xf32, #tpu.memory_space<hbm>> -> memref<2048x1024xf32, #tpu.memory_space<hbm>>
      tpu.enqueue_indirect_dma source(%dma_start3A_75 : memref<2048x1024xf32, #tpu.memory_space<hbm>>) target(%arg16 : memref<48x1024xf32, #tpu.memory_space<vmem>>) offsets(%dma_start3A_72 : memref<48xi32, #tpu.memory_space<vmem>>) semaphore(%arg18 : memref<!tpu.dma_semaphore, #tpu.memory_space<semaphore_mem>>)
      %dma_wait3A_76 = tpu.memref_slice %arg12[%add3A_51] : memref<6144xi32, #tpu.memory_space<vmem>> -> memref<48xi32, #tpu.memory_space<vmem>>
      %dma_wait3A_77 = arith.constant 0 : i32
      %dma_wait3A_78 = arith.constant 0 : i32
      %dma_wait3A_79 = tpu.memref_slice %arg2[%dma_wait3A_77, %dma_wait3A_78] : memref<2048x1024xf32, #tpu.memory_space<hbm>> -> memref<2048x1024xf32, #tpu.memory_space<hbm>>
      tpu.wait_indirect_dma semaphore(%arg17 : memref<!tpu.dma_semaphore, #tpu.memory_space<semaphore_mem>>) src(%dma_wait3A_79 : memref<2048x1024xf32, #tpu.memory_space<hbm>>) dst(%arg15 : memref<48x1024xf32, #tpu.memory_space<vmem>>)
      %add3A_80 = arith.constant 96 : i32
      %add3A_81 = arith.addi %multiple_of3A, %add3A_80 : i32
      %dma_start3A_82 = arith.constant 0 : i32
      %dma_start3A_83 = tpu.memref_slice %arg8[%add3A_81, %dma_start3A_82] : memref<6144x1024xf32, #tpu.memory_space<hbm>> -> memref<48x1024xf32, #tpu.memory_space<hbm>>
      %dma_start3A_84 = arith.constant 0 : i32
      %dma_start3A_85 = tpu.memref_slice %arg8[%add3A_81, %dma_start3A_84] : memref<6144x1024xf32, #tpu.memory_space<hbm>> -> memref<48x1024xf32, #tpu.memory_space<hbm>>
      tpu.enqueue_dma source(%arg15 : memref<48x1024xf32, #tpu.memory_space<vmem>>) target(%dma_start3A_85 : memref<48x1024xf32, #tpu.memory_space<hbm>>) target_semaphore(%arg19 : memref<!tpu.dma_semaphore, #tpu.memory_space<semaphore_mem>>)
      %dma_wait3A_86 = tpu.memref_slice %arg12[%add3A_71] : memref<6144xi32, #tpu.memory_space<vmem>> -> memref<48xi32, #tpu.memory_space<vmem>>
      %dma_wait3A_87 = arith.constant 0 : i32
      %dma_wait3A_88 = arith.constant 0 : i32
      %dma_wait3A_89 = tpu.memref_slice %arg2[%dma_wait3A_87, %dma_wait3A_88] : memref<2048x1024xf32, #tpu.memory_space<hbm>> -> memref<2048x1024xf32, #tpu.memory_space<hbm>>
      tpu.wait_indirect_dma semaphore(%arg18 : memref<!tpu.dma_semaphore, #tpu.memory_space<semaphore_mem>>) src(%dma_wait3A_89 : memref<2048x1024xf32, #tpu.memory_space<hbm>>) dst(%arg16 : memref<48x1024xf32, #tpu.memory_space<vmem>>)
      %add3A_90 = arith.constant 144 : i32
      %add3A_91 = arith.addi %multiple_of3A, %add3A_90 : i32
      %dma_start3A_92 = arith.constant 0 : i32
      %dma_start3A_93 = tpu.memref_slice %arg8[%add3A_91, %dma_start3A_92] : memref<6144x1024xf32, #tpu.memory_space<hbm>> -> memref<48x1024xf32, #tpu.memory_space<hbm>>
      %dma_start3A_94 = arith.constant 0 : i32
      %dma_start3A_95 = tpu.memref_slice %arg8[%add3A_91, %dma_start3A_94] : memref<6144x1024xf32, #tpu.memory_space<hbm>> -> memref<48x1024xf32, #tpu.memory_space<hbm>>
      tpu.enqueue_dma source(%arg16 : memref<48x1024xf32, #tpu.memory_space<vmem>>) target(%dma_start3A_95 : memref<48x1024xf32, #tpu.memory_space<hbm>>) target_semaphore(%arg20 : memref<!tpu.dma_semaphore, #tpu.memory_space<semaphore_mem>>)
      %dma_wait3A_96 = arith.constant 0 : i32
      %dma_wait3A_97 = tpu.memref_slice %arg8[%add3A_81, %dma_wait3A_96] : memref<6144x1024xf32, #tpu.memory_space<hbm>> -> memref<48x1024xf32, #tpu.memory_space<hbm>>
      %dma_wait3A_98 = arith.constant 0 : i32
      %dma_wait3A_99 = tpu.memref_slice %arg8[%add3A_81, %dma_wait3A_98] : memref<6144x1024xf32, #tpu.memory_space<hbm>> -> memref<48x1024xf32, #tpu.memory_space<hbm>>
      tpu.wait_dma2 semaphore(%arg19 : memref<!tpu.dma_semaphore, #tpu.memory_space<semaphore_mem>>) src(%arg15 : memref<48x1024xf32, #tpu.memory_space<vmem>>) dst(%dma_wait3A_99 : memref<48x1024xf32, #tpu.memory_space<hbm>>)
      %dma_wait3A_100 = arith.constant 0 : i32
      %dma_wait3A_101 = tpu.memref_slice %arg8[%add3A_91, %dma_wait3A_100] : memref<6144x1024xf32, #tpu.memory_space<hbm>> -> memref<48x1024xf32, #tpu.memory_space<hbm>>
      %dma_wait3A_102 = arith.constant 0 : i32
      %dma_wait3A_103 = tpu.memref_slice %arg8[%add3A_91, %dma_wait3A_102] : memref<6144x1024xf32, #tpu.memory_space<hbm>> -> memref<48x1024xf32, #tpu.memory_space<hbm>>
      tpu.wait_dma2 semaphore(%arg20 : memref<!tpu.dma_semaphore, #tpu.memory_space<semaphore_mem>>) src(%arg16 : memref<48x1024xf32, #tpu.memory_space<vmem>>) dst(%dma_wait3A_103 : memref<48x1024xf32, #tpu.memory_space<hbm>>)
    } else {
    }
    return
  }
}

module attributes {stable_mosaic.version = 14 : i64} {
  func.func @_router_dispatch(%arg0: memref<2048x1024xf32, #tpu.memory_space<vmem>>, %arg1: memref<16x1024xf32, #tpu.memory_space<vmem>>, %arg2: memref<2048x1xi32, #tpu.memory_space<vmem>>, %arg3: memref<2048x1xi32, #tpu.memory_space<vmem>>, %arg4: memref<2048x1xf32, #tpu.memory_space<vmem>>, %arg5: memref<2048x1xf32, #tpu.memory_space<vmem>>, %arg6: memref<48x1xi32, #tpu.memory_space<vmem>>, %arg7: memref<48x1xi32, #tpu.memory_space<vmem>>, %arg8: memref<48x1xi32, #tpu.memory_space<vmem>>, %arg9: memref<16x1xi32, #tpu.memory_space<vmem>>, %arg10: memref<2048x16xf32, #tpu.memory_space<vmem>>, %arg11: memref<2048x16xf32, #tpu.memory_space<vmem>>) attributes {dimension_semantics = [], scalar_prefetch = 0 : i64, scratch_operands = 2 : i64, tpu.core_type = #tpu.core_type<tc>} {
    %get3A = arith.constant 0 : index
    %get3A_0 = arith.constant 0 : index
    %get3A_1 = vector.load %arg0[%get3A, %get3A_0] : memref<2048x1024xf32, #tpu.memory_space<vmem>>, vector<2048x1024xf32>
    %get3A_2 = arith.constant 0 : index
    %get3A_3 = arith.constant 0 : index
    %get3A_4 = vector.load %arg1[%get3A_2, %get3A_3] : memref<16x1024xf32, #tpu.memory_space<vmem>>, vector<16x1024xf32>
    %dot_general3A = arith.constant dense<0.000000e+00> : vector<2048x16xf32>
    %dot_general3A_5 = tpu.matmul %get3A_1, %get3A_4, %dot_general3A {dimension_numbers = #tpu.dot_dimension_numbers<[1], [1], [0], [0], [0, 0, 1, 0], [], []>, transpose_lhs_hint = false} : vector<2048x1024xf32>, vector<16x1024xf32>, vector<2048x16xf32> -> vector<2048x16xf32>
    %reduce_max3A = arith.constant dense<0xFF800000> : vector<2048xf32>
    %reduce_max3A_6 = vector.multi_reduction <maximumf>, %dot_general3A_5, %reduce_max3A [1] : vector<2048x16xf32> to vector<2048xf32>
    %broadcast_in_dim3A = vector.shape_cast %reduce_max3A_6 : vector<2048xf32> to vector<2048x1xf32>
    %sub3A = vector.broadcast %broadcast_in_dim3A : vector<2048x1xf32> to vector<2048x16xf32>
    %sub3A_7 = arith.subf %dot_general3A_5, %sub3A : vector<2048x16xf32>
    %exp3A = math.exp %sub3A_7 : vector<2048x16xf32>
    %reduce_sum3A = arith.constant dense<0.000000e+00> : vector<2048xf32>
    %reduce_sum3A_8 = vector.multi_reduction <add>, %exp3A, %reduce_sum3A [1] : vector<2048x16xf32> to vector<2048xf32>
    %broadcast_in_dim3A_9 = vector.shape_cast %reduce_sum3A_8 : vector<2048xf32> to vector<2048x1xf32>
    %div3A = vector.broadcast %broadcast_in_dim3A_9 : vector<2048x1xf32> to vector<2048x16xf32>
    %div3A_10 = arith.divf %exp3A, %div3A : vector<2048x16xf32>
    %iota3A = tpu.iota {dimensions = array<i32: 1>} : vector<2048x16xi32>
    %reduce_max3A_11 = arith.constant dense<0xFF800000> : vector<2048xf32>
    %reduce_max3A_12 = vector.multi_reduction <maximumf>, %div3A_10, %reduce_max3A_11 [1] : vector<2048x16xf32> to vector<2048xf32>
    %broadcast_in_dim3A_13 = vector.shape_cast %reduce_max3A_12 : vector<2048xf32> to vector<2048x1xf32>
    %eq3A = vector.broadcast %broadcast_in_dim3A_13 : vector<2048x1xf32> to vector<2048x16xf32>
    %eq3A_14 = arith.cmpf oeq, %div3A_10, %eq3A : vector<2048x16xf32>
    %jit3A = arith.constant 16 : i32
    %broadcast_in_dim3A_15 = vector.broadcast %jit3A : i32 to vector<2048x16xi32>
    %select_n3A = arith.select %eq3A_14, %iota3A, %broadcast_in_dim3A_15 : vector<2048x16xi1>, vector<2048x16xi32>
    %reduce_min3A = arith.constant dense<2147483647> : vector<2048xi32>
    %reduce_min3A_16 = vector.multi_reduction <minsi>, %select_n3A, %reduce_min3A [1] : vector<2048x16xi32> to vector<2048xi32>
    %broadcast_in_dim3A_17 = vector.shape_cast %reduce_min3A_16 : vector<2048xi32> to vector<2048x1xi32>
    %eq3A_18 = vector.broadcast %broadcast_in_dim3A_17 : vector<2048x1xi32> to vector<2048x16xi32>
    %eq3A_19 = arith.cmpi eq, %iota3A, %eq3A_18 : vector<2048x16xi32>
    %convert_element_type3A = arith.extui %eq3A_19 : vector<2048x16xi1> to vector<2048x16xi32>
    %convert_element_type3A_20 = arith.sitofp %convert_element_type3A : vector<2048x16xi32> to vector<2048x16xf32>
    %eq3A_21 = vector.broadcast %broadcast_in_dim3A_17 : vector<2048x1xi32> to vector<2048x16xi32>
    %eq3A_22 = arith.cmpi eq, %iota3A, %eq3A_21 : vector<2048x16xi32>
    %jit3A_23 = arith.constant 0xFF800000 : f32
    %broadcast_in_dim3A_24 = vector.broadcast %jit3A_23 : f32 to vector<2048x16xf32>
    %select_n3A_25 = arith.select %eq3A_22, %broadcast_in_dim3A_24, %div3A_10 : vector<2048x16xi1>, vector<2048x16xf32>
    %reduce_max3A_26 = arith.constant dense<0xFF800000> : vector<2048xf32>
    %reduce_max3A_27 = vector.multi_reduction <maximumf>, %select_n3A_25, %reduce_max3A_26 [1] : vector<2048x16xf32> to vector<2048xf32>
    %broadcast_in_dim3A_28 = vector.shape_cast %reduce_max3A_27 : vector<2048xf32> to vector<2048x1xf32>
    %eq3A_29 = vector.broadcast %broadcast_in_dim3A_28 : vector<2048x1xf32> to vector<2048x16xf32>
    %eq3A_30 = arith.cmpf oeq, %select_n3A_25, %eq3A_29 : vector<2048x16xf32>
    %jit3A_31 = arith.constant 16 : i32
    %broadcast_in_dim3A_32 = vector.broadcast %jit3A_31 : i32 to vector<2048x16xi32>
    %select_n3A_33 = arith.select %eq3A_30, %iota3A, %broadcast_in_dim3A_32 : vector<2048x16xi1>, vector<2048x16xi32>
    %reduce_min3A_34 = arith.constant dense<2147483647> : vector<2048xi32>
    %reduce_min3A_35 = vector.multi_reduction <minsi>, %select_n3A_33, %reduce_min3A_34 [1] : vector<2048x16xi32> to vector<2048xi32>
    %broadcast_in_dim3A_36 = vector.shape_cast %reduce_min3A_35 : vector<2048xi32> to vector<2048x1xi32>
    %eq3A_37 = vector.broadcast %broadcast_in_dim3A_36 : vector<2048x1xi32> to vector<2048x16xi32>
    %eq3A_38 = arith.cmpi eq, %iota3A, %eq3A_37 : vector<2048x16xi32>
    %convert_element_type3A_39 = arith.extui %eq3A_38 : vector<2048x16xi1> to vector<2048x16xi32>
    %convert_element_type3A_40 = arith.sitofp %convert_element_type3A_39 : vector<2048x16xi32> to vector<2048x16xf32>
    %add3A = arith.addf %broadcast_in_dim3A_13, %broadcast_in_dim3A_28 : vector<2048x1xf32>
    %div3A_41 = arith.divf %broadcast_in_dim3A_13, %add3A : vector<2048x1xf32>
    %swap3A = arith.constant 0 : index
    %swap3A_42 = arith.constant 0 : index
    %swap3A_43 = vector.load %arg4[%swap3A, %swap3A_42] : memref<2048x1xf32, #tpu.memory_space<vmem>>, vector<2048x1xf32>
    tpu.vector_store %arg4[%swap3A, %swap3A_42], %div3A_41 {strides = array<i32>} : memref<2048x1xf32, #tpu.memory_space<vmem>>, vector<2048x1xf32>,
    %div3A_44 = arith.divf %broadcast_in_dim3A_28, %add3A : vector<2048x1xf32>
    %swap3A_45 = arith.constant 0 : index
    %swap3A_46 = arith.constant 0 : index
    %swap3A_47 = vector.load %arg5[%swap3A_45, %swap3A_46] : memref<2048x1xf32, #tpu.memory_space<vmem>>, vector<2048x1xf32>
    tpu.vector_store %arg5[%swap3A_45, %swap3A_46], %div3A_44 {strides = array<i32>} : memref<2048x1xf32, #tpu.memory_space<vmem>>, vector<2048x1xf32>,
    %iota3A_48 = tpu.iota {dimensions = array<i32: 0>} : vector<128x128xi32>
    %iota3A_49 = tpu.iota {dimensions = array<i32: 1>} : vector<128x128xi32>
    %lt3A = arith.cmpi slt, %iota3A_49, %iota3A_48 : vector<128x128xi32>
    %convert_element_type3A_50 = arith.extui %lt3A : vector<128x128xi1> to vector<128x128xi32>
    %convert_element_type3A_51 = arith.sitofp %convert_element_type3A_50 : vector<128x128xi32> to vector<128x128xf32>
    %broadcast_in_dim3A_52 = arith.constant 0.000000e+00 : f32
    %broadcast_in_dim3A_53 = vector.broadcast %broadcast_in_dim3A_52 : f32 to vector<1x16xf32>
    %broadcast_in_dim3A_54 = arith.constant 0.000000e+00 : f32
    %broadcast_in_dim3A_55 = vector.broadcast %broadcast_in_dim3A_54 : f32 to vector<1x16xf32>
    %slice3A = vector.extract_strided_slice %convert_element_type3A_20 {offsets = [0, 0], sizes = [128, 16], strides = [1, 1]} : vector<2048x16xf32> to vector<128x16xf32>
    %slice3A_56 = vector.extract_strided_slice %convert_element_type3A_40 {offsets = [0, 0], sizes = [128, 16], strides = [1, 1]} : vector<2048x16xf32> to vector<128x16xf32>
    %dot_general3A_57 = arith.constant dense<0.000000e+00> : vector<128x16xf32>
    %dot_general3A_58 = tpu.matmul %convert_element_type3A_51, %slice3A, %dot_general3A_57 {dimension_numbers = #tpu.dot_dimension_numbers<[1], [0], [0], [1], [0, 0, 1, 1], [], []>, transpose_lhs_hint = false} : vector<128x128xf32>, vector<128x16xf32>, vector<128x16xf32> -> vector<128x16xf32>
    %add3A_59 = vector.broadcast %broadcast_in_dim3A_53 : vector<1x16xf32> to vector<128x16xf32>
    %add3A_60 = arith.addf %add3A_59, %dot_general3A_58 : vector<128x16xf32>
    %swap3A_61 = arith.constant 0 : index
    %swap3A_62 = arith.constant 0 : index
    %swap3A_63 = vector.load %arg10[%swap3A_61, %swap3A_62] : memref<2048x16xf32, #tpu.memory_space<vmem>>, vector<128x16xf32>
    tpu.vector_store %arg10[%swap3A_61, %swap3A_62], %add3A_60 {strides = array<i32>} : memref<2048x16xf32, #tpu.memory_space<vmem>>, vector<128x16xf32>,
    %dot_general3A_64 = arith.constant dense<0.000000e+00> : vector<128x16xf32>
    %dot_general3A_65 = tpu.matmul %convert_element_type3A_51, %slice3A_56, %dot_general3A_64 {dimension_numbers = #tpu.dot_dimension_numbers<[1], [0], [0], [1], [0, 0, 1, 1], [], []>, transpose_lhs_hint = false} : vector<128x128xf32>, vector<128x16xf32>, vector<128x16xf32> -> vector<128x16xf32>
    %add3A_66 = vector.broadcast %broadcast_in_dim3A_55 : vector<1x16xf32> to vector<128x16xf32>
    %add3A_67 = arith.addf %add3A_66, %dot_general3A_65 : vector<128x16xf32>
    %swap3A_68 = arith.constant 0 : index
    %swap3A_69 = arith.constant 0 : index
    %swap3A_70 = vector.load %arg11[%swap3A_68, %swap3A_69] : memref<2048x16xf32, #tpu.memory_space<vmem>>, vector<128x16xf32>
    tpu.vector_store %arg11[%swap3A_68, %swap3A_69], %add3A_67 {strides = array<i32>} : memref<2048x16xf32, #tpu.memory_space<vmem>>, vector<128x16xf32>,
    %reduce_sum3A_71 = arith.constant dense<0.000000e+00> : vector<16xf32>
    %reduce_sum3A_72 = vector.multi_reduction <add>, %slice3A, %reduce_sum3A_71 [0] : vector<128x16xf32> to vector<16xf32>
    %broadcast_in_dim3A_73 = vector.shape_cast %reduce_sum3A_72 : vector<16xf32> to vector<1x16xf32>
    %add3A_74 = arith.addf %broadcast_in_dim3A_53, %broadcast_in_dim3A_73 : vector<1x16xf32>
    %reduce_sum3A_75 = arith.constant dense<0.000000e+00> : vector<16xf32>
    %reduce_sum3A_76 = vector.multi_reduction <add>, %slice3A_56, %reduce_sum3A_75 [0] : vector<128x16xf32> to vector<16xf32>
    %broadcast_in_dim3A_77 = vector.shape_cast %reduce_sum3A_76 : vector<16xf32> to vector<1x16xf32>
    %add3A_78 = arith.addf %broadcast_in_dim3A_55, %broadcast_in_dim3A_77 : vector<1x16xf32>
    %slice3A_79 = vector.extract_strided_slice %convert_element_type3A_20 {offsets = [128, 0], sizes = [128, 16], strides = [1, 1]} : vector<2048x16xf32> to vector<128x16xf32>
    %slice3A_80 = vector.extract_strided_slice %convert_element_type3A_40 {offsets = [128, 0], sizes = [128, 16], strides = [1, 1]} : vector<2048x16xf32> to vector<128x16xf32>
    %dot_general3A_81 = arith.constant dense<0.000000e+00> : vector<128x16xf32>
    %dot_general3A_82 = tpu.matmul %convert_element_type3A_51, %slice3A_79, %dot_general3A_81 {dimension_numbers = #tpu.dot_dimension_numbers<[1], [0], [0], [1], [0, 0, 1, 1], [], []>, transpose_lhs_hint = false} : vector<128x128xf32>, vector<128x16xf32>, vector<128x16xf32> -> vector<128x16xf32>
    %add3A_83 = vector.broadcast %add3A_74 : vector<1x16xf32> to vector<128x16xf32>
    %add3A_84 = arith.addf %add3A_83, %dot_general3A_82 : vector<128x16xf32>
    %swap3A_85 = arith.constant 128 : index
    %swap3A_86 = arith.constant 0 : index
    %swap3A_87 = vector.load %arg10[%swap3A_85, %swap3A_86] : memref<2048x16xf32, #tpu.memory_space<vmem>>, vector<128x16xf32>
    tpu.vector_store %arg10[%swap3A_85, %swap3A_86], %add3A_84 {strides = array<i32>} : memref<2048x16xf32, #tpu.memory_space<vmem>>, vector<128x16xf32>,
    %dot_general3A_88 = arith.constant dense<0.000000e+00> : vector<128x16xf32>
    %dot_general3A_89 = tpu.matmul %convert_element_type3A_51, %slice3A_80, %dot_general3A_88 {dimension_numbers = #tpu.dot_dimension_numbers<[1], [0], [0], [1], [0, 0, 1, 1], [], []>, transpose_lhs_hint = false} : vector<128x128xf32>, vector<128x16xf32>, vector<128x16xf32> -> vector<128x16xf32>
    %add3A_90 = vector.broadcast %add3A_78 : vector<1x16xf32> to vector<128x16xf32>
    %add3A_91 = arith.addf %add3A_90, %dot_general3A_89 : vector<128x16xf32>
    %swap3A_92 = arith.constant 128 : index
    %swap3A_93 = arith.constant 0 : index
    %swap3A_94 = vector.load %arg11[%swap3A_92, %swap3A_93] : memref<2048x16xf32, #tpu.memory_space<vmem>>, vector<128x16xf32>
    tpu.vector_store %arg11[%swap3A_92, %swap3A_93], %add3A_91 {strides = array<i32>} : memref<2048x16xf32, #tpu.memory_space<vmem>>, vector<128x16xf32>,
    %reduce_sum3A_95 = arith.constant dense<0.000000e+00> : vector<16xf32>
    %reduce_sum3A_96 = vector.multi_reduction <add>, %slice3A_79, %reduce_sum3A_95 [0] : vector<128x16xf32> to vector<16xf32>
    %broadcast_in_dim3A_97 = vector.shape_cast %reduce_sum3A_96 : vector<16xf32> to vector<1x16xf32>
    %add3A_98 = arith.addf %add3A_74, %broadcast_in_dim3A_97 : vector<1x16xf32>
    %reduce_sum3A_99 = arith.constant dense<0.000000e+00> : vector<16xf32>
    %reduce_sum3A_100 = vector.multi_reduction <add>, %slice3A_80, %reduce_sum3A_99 [0] : vector<128x16xf32> to vector<16xf32>
    %broadcast_in_dim3A_101 = vector.shape_cast %reduce_sum3A_100 : vector<16xf32> to vector<1x16xf32>
    %add3A_102 = arith.addf %add3A_78, %broadcast_in_dim3A_101 : vector<1x16xf32>
    %slice3A_103 = vector.extract_strided_slice %convert_element_type3A_20 {offsets = [256, 0], sizes = [128, 16], strides = [1, 1]} : vector<2048x16xf32> to vector<128x16xf32>
    %slice3A_104 = vector.extract_strided_slice %convert_element_type3A_40 {offsets = [256, 0], sizes = [128, 16], strides = [1, 1]} : vector<2048x16xf32> to vector<128x16xf32>
    %dot_general3A_105 = arith.constant dense<0.000000e+00> : vector<128x16xf32>
    %dot_general3A_106 = tpu.matmul %convert_element_type3A_51, %slice3A_103, %dot_general3A_105 {dimension_numbers = #tpu.dot_dimension_numbers<[1], [0], [0], [1], [0, 0, 1, 1], [], []>, transpose_lhs_hint = false} : vector<128x128xf32>, vector<128x16xf32>, vector<128x16xf32> -> vector<128x16xf32>
    %add3A_107 = vector.broadcast %add3A_98 : vector<1x16xf32> to vector<128x16xf32>
    %add3A_108 = arith.addf %add3A_107, %dot_general3A_106 : vector<128x16xf32>
    %swap3A_109 = arith.constant 256 : index
    %swap3A_110 = arith.constant 0 : index
    %swap3A_111 = vector.load %arg10[%swap3A_109, %swap3A_110] : memref<2048x16xf32, #tpu.memory_space<vmem>>, vector<128x16xf32>
    tpu.vector_store %arg10[%swap3A_109, %swap3A_110], %add3A_108 {strides = array<i32>} : memref<2048x16xf32, #tpu.memory_space<vmem>>, vector<128x16xf32>,
    %dot_general3A_112 = arith.constant dense<0.000000e+00> : vector<128x16xf32>
    %dot_general3A_113 = tpu.matmul %convert_element_type3A_51, %slice3A_104, %dot_general3A_112 {dimension_numbers = #tpu.dot_dimension_numbers<[1], [0], [0], [1], [0, 0, 1, 1], [], []>, transpose_lhs_hint = false} : vector<128x128xf32>, vector<128x16xf32>, vector<128x16xf32> -> vector<128x16xf32>
    %add3A_114 = vector.broadcast %add3A_102 : vector<1x16xf32> to vector<128x16xf32>
    %add3A_115 = arith.addf %add3A_114, %dot_general3A_113 : vector<128x16xf32>
    %swap3A_116 = arith.constant 256 : index
    %swap3A_117 = arith.constant 0 : index
    %swap3A_118 = vector.load %arg11[%swap3A_116, %swap3A_117] : memref<2048x16xf32, #tpu.memory_space<vmem>>, vector<128x16xf32>
    tpu.vector_store %arg11[%swap3A_116, %swap3A_117], %add3A_115 {strides = array<i32>} : memref<2048x16xf32, #tpu.memory_space<vmem>>, vector<128x16xf32>,
    %reduce_sum3A_119 = arith.constant dense<0.000000e+00> : vector<16xf32>
    %reduce_sum3A_120 = vector.multi_reduction <add>, %slice3A_103, %reduce_sum3A_119 [0] : vector<128x16xf32> to vector<16xf32>
    %broadcast_in_dim3A_121 = vector.shape_cast %reduce_sum3A_120 : vector<16xf32> to vector<1x16xf32>
    %add3A_122 = arith.addf %add3A_98, %broadcast_in_dim3A_121 : vector<1x16xf32>
    %reduce_sum3A_123 = arith.constant dense<0.000000e+00> : vector<16xf32>
    %reduce_sum3A_124 = vector.multi_reduction <add>, %slice3A_104, %reduce_sum3A_123 [0] : vector<128x16xf32> to vector<16xf32>
    %broadcast_in_dim3A_125 = vector.shape_cast %reduce_sum3A_124 : vector<16xf32> to vector<1x16xf32>
    %add3A_126 = arith.addf %add3A_102, %broadcast_in_dim3A_125 : vector<1x16xf32>
    %slice3A_127 = vector.extract_strided_slice %convert_element_type3A_20 {offsets = [384, 0], sizes = [128, 16], strides = [1, 1]} : vector<2048x16xf32> to vector<128x16xf32>
    %slice3A_128 = vector.extract_strided_slice %convert_element_type3A_40 {offsets = [384, 0], sizes = [128, 16], strides = [1, 1]} : vector<2048x16xf32> to vector<128x16xf32>
    %dot_general3A_129 = arith.constant dense<0.000000e+00> : vector<128x16xf32>
    %dot_general3A_130 = tpu.matmul %convert_element_type3A_51, %slice3A_127, %dot_general3A_129 {dimension_numbers = #tpu.dot_dimension_numbers<[1], [0], [0], [1], [0, 0, 1, 1], [], []>, transpose_lhs_hint = false} : vector<128x128xf32>, vector<128x16xf32>, vector<128x16xf32> -> vector<128x16xf32>
    %add3A_131 = vector.broadcast %add3A_122 : vector<1x16xf32> to vector<128x16xf32>
    %add3A_132 = arith.addf %add3A_131, %dot_general3A_130 : vector<128x16xf32>
    %swap3A_133 = arith.constant 384 : index
    %swap3A_134 = arith.constant 0 : index
    %swap3A_135 = vector.load %arg10[%swap3A_133, %swap3A_134] : memref<2048x16xf32, #tpu.memory_space<vmem>>, vector<128x16xf32>
    tpu.vector_store %arg10[%swap3A_133, %swap3A_134], %add3A_132 {strides = array<i32>} : memref<2048x16xf32, #tpu.memory_space<vmem>>, vector<128x16xf32>,
    %dot_general3A_136 = arith.constant dense<0.000000e+00> : vector<128x16xf32>
    %dot_general3A_137 = tpu.matmul %convert_element_type3A_51, %slice3A_128, %dot_general3A_136 {dimension_numbers = #tpu.dot_dimension_numbers<[1], [0], [0], [1], [0, 0, 1, 1], [], []>, transpose_lhs_hint = false} : vector<128x128xf32>, vector<128x16xf32>, vector<128x16xf32> -> vector<128x16xf32>
    %add3A_138 = vector.broadcast %add3A_126 : vector<1x16xf32> to vector<128x16xf32>
    %add3A_139 = arith.addf %add3A_138, %dot_general3A_137 : vector<128x16xf32>
    %swap3A_140 = arith.constant 384 : index
    %swap3A_141 = arith.constant 0 : index
    %swap3A_142 = vector.load %arg11[%swap3A_140, %swap3A_141] : memref<2048x16xf32, #tpu.memory_space<vmem>>, vector<128x16xf32>
    tpu.vector_store %arg11[%swap3A_140, %swap3A_141], %add3A_139 {strides = array<i32>} : memref<2048x16xf32, #tpu.memory_space<vmem>>, vector<128x16xf32>,
    %reduce_sum3A_143 = arith.constant dense<0.000000e+00> : vector<16xf32>
    %reduce_sum3A_144 = vector.multi_reduction <add>, %slice3A_127, %reduce_sum3A_143 [0] : vector<128x16xf32> to vector<16xf32>
    %broadcast_in_dim3A_145 = vector.shape_cast %reduce_sum3A_144 : vector<16xf32> to vector<1x16xf32>
    %add3A_146 = arith.addf %add3A_122, %broadcast_in_dim3A_145 : vector<1x16xf32>
    %reduce_sum3A_147 = arith.constant dense<0.000000e+00> : vector<16xf32>
    %reduce_sum3A_148 = vector.multi_reduction <add>, %slice3A_128, %reduce_sum3A_147 [0] : vector<128x16xf32> to vector<16xf32>
    %broadcast_in_dim3A_149 = vector.shape_cast %reduce_sum3A_148 : vector<16xf32> to vector<1x16xf32>
    %add3A_150 = arith.addf %add3A_126, %broadcast_in_dim3A_149 : vector<1x16xf32>
    %slice3A_151 = vector.extract_strided_slice %convert_element_type3A_20 {offsets = [512, 0], sizes = [128, 16], strides = [1, 1]} : vector<2048x16xf32> to vector<128x16xf32>
    %slice3A_152 = vector.extract_strided_slice %convert_element_type3A_40 {offsets = [512, 0], sizes = [128, 16], strides = [1, 1]} : vector<2048x16xf32> to vector<128x16xf32>
    %dot_general3A_153 = arith.constant dense<0.000000e+00> : vector<128x16xf32>
    %dot_general3A_154 = tpu.matmul %convert_element_type3A_51, %slice3A_151, %dot_general3A_153 {dimension_numbers = #tpu.dot_dimension_numbers<[1], [0], [0], [1], [0, 0, 1, 1], [], []>, transpose_lhs_hint = false} : vector<128x128xf32>, vector<128x16xf32>, vector<128x16xf32> -> vector<128x16xf32>
    %add3A_155 = vector.broadcast %add3A_146 : vector<1x16xf32> to vector<128x16xf32>
    %add3A_156 = arith.addf %add3A_155, %dot_general3A_154 : vector<128x16xf32>
    %swap3A_157 = arith.constant 512 : index
    %swap3A_158 = arith.constant 0 : index
    %swap3A_159 = vector.load %arg10[%swap3A_157, %swap3A_158] : memref<2048x16xf32, #tpu.memory_space<vmem>>, vector<128x16xf32>
    tpu.vector_store %arg10[%swap3A_157, %swap3A_158], %add3A_156 {strides = array<i32>} : memref<2048x16xf32, #tpu.memory_space<vmem>>, vector<128x16xf32>,
    %dot_general3A_160 = arith.constant dense<0.000000e+00> : vector<128x16xf32>
    %dot_general3A_161 = tpu.matmul %convert_element_type3A_51, %slice3A_152, %dot_general3A_160 {dimension_numbers = #tpu.dot_dimension_numbers<[1], [0], [0], [1], [0, 0, 1, 1], [], []>, transpose_lhs_hint = false} : vector<128x128xf32>, vector<128x16xf32>, vector<128x16xf32> -> vector<128x16xf32>
    %add3A_162 = vector.broadcast %add3A_150 : vector<1x16xf32> to vector<128x16xf32>
    %add3A_163 = arith.addf %add3A_162, %dot_general3A_161 : vector<128x16xf32>
    %swap3A_164 = arith.constant 512 : index
    %swap3A_165 = arith.constant 0 : index
    %swap3A_166 = vector.load %arg11[%swap3A_164, %swap3A_165] : memref<2048x16xf32, #tpu.memory_space<vmem>>, vector<128x16xf32>
    tpu.vector_store %arg11[%swap3A_164, %swap3A_165], %add3A_163 {strides = array<i32>} : memref<2048x16xf32, #tpu.memory_space<vmem>>, vector<128x16xf32>,
    %reduce_sum3A_167 = arith.constant dense<0.000000e+00> : vector<16xf32>
    %reduce_sum3A_168 = vector.multi_reduction <add>, %slice3A_151, %reduce_sum3A_167 [0] : vector<128x16xf32> to vector<16xf32>
    %broadcast_in_dim3A_169 = vector.shape_cast %reduce_sum3A_168 : vector<16xf32> to vector<1x16xf32>
    %add3A_170 = arith.addf %add3A_146, %broadcast_in_dim3A_169 : vector<1x16xf32>
    %reduce_sum3A_171 = arith.constant dense<0.000000e+00> : vector<16xf32>
    %reduce_sum3A_172 = vector.multi_reduction <add>, %slice3A_152, %reduce_sum3A_171 [0] : vector<128x16xf32> to vector<16xf32>
    %broadcast_in_dim3A_173 = vector.shape_cast %reduce_sum3A_172 : vector<16xf32> to vector<1x16xf32>
    %add3A_174 = arith.addf %add3A_150, %broadcast_in_dim3A_173 : vector<1x16xf32>
    %slice3A_175 = vector.extract_strided_slice %convert_element_type3A_20 {offsets = [640, 0], sizes = [128, 16], strides = [1, 1]} : vector<2048x16xf32> to vector<128x16xf32>
    %slice3A_176 = vector.extract_strided_slice %convert_element_type3A_40 {offsets = [640, 0], sizes = [128, 16], strides = [1, 1]} : vector<2048x16xf32> to vector<128x16xf32>
    %dot_general3A_177 = arith.constant dense<0.000000e+00> : vector<128x16xf32>
    %dot_general3A_178 = tpu.matmul %convert_element_type3A_51, %slice3A_175, %dot_general3A_177 {dimension_numbers = #tpu.dot_dimension_numbers<[1], [0], [0], [1], [0, 0, 1, 1], [], []>, transpose_lhs_hint = false} : vector<128x128xf32>, vector<128x16xf32>, vector<128x16xf32> -> vector<128x16xf32>
    %add3A_179 = vector.broadcast %add3A_170 : vector<1x16xf32> to vector<128x16xf32>
    %add3A_180 = arith.addf %add3A_179, %dot_general3A_178 : vector<128x16xf32>
    %swap3A_181 = arith.constant 640 : index
    %swap3A_182 = arith.constant 0 : index
    %swap3A_183 = vector.load %arg10[%swap3A_181, %swap3A_182] : memref<2048x16xf32, #tpu.memory_space<vmem>>, vector<128x16xf32>
    tpu.vector_store %arg10[%swap3A_181, %swap3A_182], %add3A_180 {strides = array<i32>} : memref<2048x16xf32, #tpu.memory_space<vmem>>, vector<128x16xf32>,
    %dot_general3A_184 = arith.constant dense<0.000000e+00> : vector<128x16xf32>
    %dot_general3A_185 = tpu.matmul %convert_element_type3A_51, %slice3A_176, %dot_general3A_184 {dimension_numbers = #tpu.dot_dimension_numbers<[1], [0], [0], [1], [0, 0, 1, 1], [], []>, transpose_lhs_hint = false} : vector<128x128xf32>, vector<128x16xf32>, vector<128x16xf32> -> vector<128x16xf32>
    %add3A_186 = vector.broadcast %add3A_174 : vector<1x16xf32> to vector<128x16xf32>
    %add3A_187 = arith.addf %add3A_186, %dot_general3A_185 : vector<128x16xf32>
    %swap3A_188 = arith.constant 640 : index
    %swap3A_189 = arith.constant 0 : index
    %swap3A_190 = vector.load %arg11[%swap3A_188, %swap3A_189] : memref<2048x16xf32, #tpu.memory_space<vmem>>, vector<128x16xf32>
    tpu.vector_store %arg11[%swap3A_188, %swap3A_189], %add3A_187 {strides = array<i32>} : memref<2048x16xf32, #tpu.memory_space<vmem>>, vector<128x16xf32>,
    %reduce_sum3A_191 = arith.constant dense<0.000000e+00> : vector<16xf32>
    %reduce_sum3A_192 = vector.multi_reduction <add>, %slice3A_175, %reduce_sum3A_191 [0] : vector<128x16xf32> to vector<16xf32>
    %broadcast_in_dim3A_193 = vector.shape_cast %reduce_sum3A_192 : vector<16xf32> to vector<1x16xf32>
    %add3A_194 = arith.addf %add3A_170, %broadcast_in_dim3A_193 : vector<1x16xf32>
    %reduce_sum3A_195 = arith.constant dense<0.000000e+00> : vector<16xf32>
    %reduce_sum3A_196 = vector.multi_reduction <add>, %slice3A_176, %reduce_sum3A_195 [0] : vector<128x16xf32> to vector<16xf32>
    %broadcast_in_dim3A_197 = vector.shape_cast %reduce_sum3A_196 : vector<16xf32> to vector<1x16xf32>
    %add3A_198 = arith.addf %add3A_174, %broadcast_in_dim3A_197 : vector<1x16xf32>
    %slice3A_199 = vector.extract_strided_slice %convert_element_type3A_20 {offsets = [768, 0], sizes = [128, 16], strides = [1, 1]} : vector<2048x16xf32> to vector<128x16xf32>
    %slice3A_200 = vector.extract_strided_slice %convert_element_type3A_40 {offsets = [768, 0], sizes = [128, 16], strides = [1, 1]} : vector<2048x16xf32> to vector<128x16xf32>
    %dot_general3A_201 = arith.constant dense<0.000000e+00> : vector<128x16xf32>
    %dot_general3A_202 = tpu.matmul %convert_element_type3A_51, %slice3A_199, %dot_general3A_201 {dimension_numbers = #tpu.dot_dimension_numbers<[1], [0], [0], [1], [0, 0, 1, 1], [], []>, transpose_lhs_hint = false} : vector<128x128xf32>, vector<128x16xf32>, vector<128x16xf32> -> vector<128x16xf32>
    %add3A_203 = vector.broadcast %add3A_194 : vector<1x16xf32> to vector<128x16xf32>
    %add3A_204 = arith.addf %add3A_203, %dot_general3A_202 : vector<128x16xf32>
    %swap3A_205 = arith.constant 768 : index
    %swap3A_206 = arith.constant 0 : index
    %swap3A_207 = vector.load %arg10[%swap3A_205, %swap3A_206] : memref<2048x16xf32, #tpu.memory_space<vmem>>, vector<128x16xf32>
    tpu.vector_store %arg10[%swap3A_205, %swap3A_206], %add3A_204 {strides = array<i32>} : memref<2048x16xf32, #tpu.memory_space<vmem>>, vector<128x16xf32>,
    %dot_general3A_208 = arith.constant dense<0.000000e+00> : vector<128x16xf32>
    %dot_general3A_209 = tpu.matmul %convert_element_type3A_51, %slice3A_200, %dot_general3A_208 {dimension_numbers = #tpu.dot_dimension_numbers<[1], [0], [0], [1], [0, 0, 1, 1], [], []>, transpose_lhs_hint = false} : vector<128x128xf32>, vector<128x16xf32>, vector<128x16xf32> -> vector<128x16xf32>
    %add3A_210 = vector.broadcast %add3A_198 : vector<1x16xf32> to vector<128x16xf32>
    %add3A_211 = arith.addf %add3A_210, %dot_general3A_209 : vector<128x16xf32>
    %swap3A_212 = arith.constant 768 : index
    %swap3A_213 = arith.constant 0 : index
    %swap3A_214 = vector.load %arg11[%swap3A_212, %swap3A_213] : memref<2048x16xf32, #tpu.memory_space<vmem>>, vector<128x16xf32>
    tpu.vector_store %arg11[%swap3A_212, %swap3A_213], %add3A_211 {strides = array<i32>} : memref<2048x16xf32, #tpu.memory_space<vmem>>, vector<128x16xf32>,
    %reduce_sum3A_215 = arith.constant dense<0.000000e+00> : vector<16xf32>
    %reduce_sum3A_216 = vector.multi_reduction <add>, %slice3A_199, %reduce_sum3A_215 [0] : vector<128x16xf32> to vector<16xf32>
    %broadcast_in_dim3A_217 = vector.shape_cast %reduce_sum3A_216 : vector<16xf32> to vector<1x16xf32>
    %add3A_218 = arith.addf %add3A_194, %broadcast_in_dim3A_217 : vector<1x16xf32>
    %reduce_sum3A_219 = arith.constant dense<0.000000e+00> : vector<16xf32>
    %reduce_sum3A_220 = vector.multi_reduction <add>, %slice3A_200, %reduce_sum3A_219 [0] : vector<128x16xf32> to vector<16xf32>
    %broadcast_in_dim3A_221 = vector.shape_cast %reduce_sum3A_220 : vector<16xf32> to vector<1x16xf32>
    %add3A_222 = arith.addf %add3A_198, %broadcast_in_dim3A_221 : vector<1x16xf32>
    %slice3A_223 = vector.extract_strided_slice %convert_element_type3A_20 {offsets = [896, 0], sizes = [128, 16], strides = [1, 1]} : vector<2048x16xf32> to vector<128x16xf32>
    %slice3A_224 = vector.extract_strided_slice %convert_element_type3A_40 {offsets = [896, 0], sizes = [128, 16], strides = [1, 1]} : vector<2048x16xf32> to vector<128x16xf32>
    %dot_general3A_225 = arith.constant dense<0.000000e+00> : vector<128x16xf32>
    %dot_general3A_226 = tpu.matmul %convert_element_type3A_51, %slice3A_223, %dot_general3A_225 {dimension_numbers = #tpu.dot_dimension_numbers<[1], [0], [0], [1], [0, 0, 1, 1], [], []>, transpose_lhs_hint = false} : vector<128x128xf32>, vector<128x16xf32>, vector<128x16xf32> -> vector<128x16xf32>
    %add3A_227 = vector.broadcast %add3A_218 : vector<1x16xf32> to vector<128x16xf32>
    %add3A_228 = arith.addf %add3A_227, %dot_general3A_226 : vector<128x16xf32>
    %swap3A_229 = arith.constant 896 : index
    %swap3A_230 = arith.constant 0 : index
    %swap3A_231 = vector.load %arg10[%swap3A_229, %swap3A_230] : memref<2048x16xf32, #tpu.memory_space<vmem>>, vector<128x16xf32>
    tpu.vector_store %arg10[%swap3A_229, %swap3A_230], %add3A_228 {strides = array<i32>} : memref<2048x16xf32, #tpu.memory_space<vmem>>, vector<128x16xf32>,
    %dot_general3A_232 = arith.constant dense<0.000000e+00> : vector<128x16xf32>
    %dot_general3A_233 = tpu.matmul %convert_element_type3A_51, %slice3A_224, %dot_general3A_232 {dimension_numbers = #tpu.dot_dimension_numbers<[1], [0], [0], [1], [0, 0, 1, 1], [], []>, transpose_lhs_hint = false} : vector<128x128xf32>, vector<128x16xf32>, vector<128x16xf32> -> vector<128x16xf32>
    %add3A_234 = vector.broadcast %add3A_222 : vector<1x16xf32> to vector<128x16xf32>
    %add3A_235 = arith.addf %add3A_234, %dot_general3A_233 : vector<128x16xf32>
    %swap3A_236 = arith.constant 896 : index
    %swap3A_237 = arith.constant 0 : index
    %swap3A_238 = vector.load %arg11[%swap3A_236, %swap3A_237] : memref<2048x16xf32, #tpu.memory_space<vmem>>, vector<128x16xf32>
    tpu.vector_store %arg11[%swap3A_236, %swap3A_237], %add3A_235 {strides = array<i32>} : memref<2048x16xf32, #tpu.memory_space<vmem>>, vector<128x16xf32>,
    %reduce_sum3A_239 = arith.constant dense<0.000000e+00> : vector<16xf32>
    %reduce_sum3A_240 = vector.multi_reduction <add>, %slice3A_223, %reduce_sum3A_239 [0] : vector<128x16xf32> to vector<16xf32>
    %broadcast_in_dim3A_241 = vector.shape_cast %reduce_sum3A_240 : vector<16xf32> to vector<1x16xf32>
    %add3A_242 = arith.addf %add3A_218, %broadcast_in_dim3A_241 : vector<1x16xf32>
    %reduce_sum3A_243 = arith.constant dense<0.000000e+00> : vector<16xf32>
    %reduce_sum3A_244 = vector.multi_reduction <add>, %slice3A_224, %reduce_sum3A_243 [0] : vector<128x16xf32> to vector<16xf32>
    %broadcast_in_dim3A_245 = vector.shape_cast %reduce_sum3A_244 : vector<16xf32> to vector<1x16xf32>
    %add3A_246 = arith.addf %add3A_222, %broadcast_in_dim3A_245 : vector<1x16xf32>
    %slice3A_247 = vector.extract_strided_slice %convert_element_type3A_20 {offsets = [1024, 0], sizes = [128, 16], strides = [1, 1]} : vector<2048x16xf32> to vector<128x16xf32>
    %slice3A_248 = vector.extract_strided_slice %convert_element_type3A_40 {offsets = [1024, 0], sizes = [128, 16], strides = [1, 1]} : vector<2048x16xf32> to vector<128x16xf32>
    %dot_general3A_249 = arith.constant dense<0.000000e+00> : vector<128x16xf32>
    %dot_general3A_250 = tpu.matmul %convert_element_type3A_51, %slice3A_247, %dot_general3A_249 {dimension_numbers = #tpu.dot_dimension_numbers<[1], [0], [0], [1], [0, 0, 1, 1], [], []>, transpose_lhs_hint = false} : vector<128x128xf32>, vector<128x16xf32>, vector<128x16xf32> -> vector<128x16xf32>
    %add3A_251 = vector.broadcast %add3A_242 : vector<1x16xf32> to vector<128x16xf32>
    %add3A_252 = arith.addf %add3A_251, %dot_general3A_250 : vector<128x16xf32>
    %swap3A_253 = arith.constant 1024 : index
    %swap3A_254 = arith.constant 0 : index
    %swap3A_255 = vector.load %arg10[%swap3A_253, %swap3A_254] : memref<2048x16xf32, #tpu.memory_space<vmem>>, vector<128x16xf32>
    tpu.vector_store %arg10[%swap3A_253, %swap3A_254], %add3A_252 {strides = array<i32>} : memref<2048x16xf32, #tpu.memory_space<vmem>>, vector<128x16xf32>,
    %dot_general3A_256 = arith.constant dense<0.000000e+00> : vector<128x16xf32>
    %dot_general3A_257 = tpu.matmul %convert_element_type3A_51, %slice3A_248, %dot_general3A_256 {dimension_numbers = #tpu.dot_dimension_numbers<[1], [0], [0], [1], [0, 0, 1, 1], [], []>, transpose_lhs_hint = false} : vector<128x128xf32>, vector<128x16xf32>, vector<128x16xf32> -> vector<128x16xf32>
    %add3A_258 = vector.broadcast %add3A_246 : vector<1x16xf32> to vector<128x16xf32>
    %add3A_259 = arith.addf %add3A_258, %dot_general3A_257 : vector<128x16xf32>
    %swap3A_260 = arith.constant 1024 : index
    %swap3A_261 = arith.constant 0 : index
    %swap3A_262 = vector.load %arg11[%swap3A_260, %swap3A_261] : memref<2048x16xf32, #tpu.memory_space<vmem>>, vector<128x16xf32>
    tpu.vector_store %arg11[%swap3A_260, %swap3A_261], %add3A_259 {strides = array<i32>} : memref<2048x16xf32, #tpu.memory_space<vmem>>, vector<128x16xf32>,
    %reduce_sum3A_263 = arith.constant dense<0.000000e+00> : vector<16xf32>
    %reduce_sum3A_264 = vector.multi_reduction <add>, %slice3A_247, %reduce_sum3A_263 [0] : vector<128x16xf32> to vector<16xf32>
    %broadcast_in_dim3A_265 = vector.shape_cast %reduce_sum3A_264 : vector<16xf32> to vector<1x16xf32>
    %add3A_266 = arith.addf %add3A_242, %broadcast_in_dim3A_265 : vector<1x16xf32>
    %reduce_sum3A_267 = arith.constant dense<0.000000e+00> : vector<16xf32>
    %reduce_sum3A_268 = vector.multi_reduction <add>, %slice3A_248, %reduce_sum3A_267 [0] : vector<128x16xf32> to vector<16xf32>
    %broadcast_in_dim3A_269 = vector.shape_cast %reduce_sum3A_268 : vector<16xf32> to vector<1x16xf32>
    %add3A_270 = arith.addf %add3A_246, %broadcast_in_dim3A_269 : vector<1x16xf32>
    %slice3A_271 = vector.extract_strided_slice %convert_element_type3A_20 {offsets = [1152, 0], sizes = [128, 16], strides = [1, 1]} : vector<2048x16xf32> to vector<128x16xf32>
    %slice3A_272 = vector.extract_strided_slice %convert_element_type3A_40 {offsets = [1152, 0], sizes = [128, 16], strides = [1, 1]} : vector<2048x16xf32> to vector<128x16xf32>
    %dot_general3A_273 = arith.constant dense<0.000000e+00> : vector<128x16xf32>
    %dot_general3A_274 = tpu.matmul %convert_element_type3A_51, %slice3A_271, %dot_general3A_273 {dimension_numbers = #tpu.dot_dimension_numbers<[1], [0], [0], [1], [0, 0, 1, 1], [], []>, transpose_lhs_hint = false} : vector<128x128xf32>, vector<128x16xf32>, vector<128x16xf32> -> vector<128x16xf32>
    %add3A_275 = vector.broadcast %add3A_266 : vector<1x16xf32> to vector<128x16xf32>
    %add3A_276 = arith.addf %add3A_275, %dot_general3A_274 : vector<128x16xf32>
    %swap3A_277 = arith.constant 1152 : index
    %swap3A_278 = arith.constant 0 : index
    %swap3A_279 = vector.load %arg10[%swap3A_277, %swap3A_278] : memref<2048x16xf32, #tpu.memory_space<vmem>>, vector<128x16xf32>
    tpu.vector_store %arg10[%swap3A_277, %swap3A_278], %add3A_276 {strides = array<i32>} : memref<2048x16xf32, #tpu.memory_space<vmem>>, vector<128x16xf32>,
    %dot_general3A_280 = arith.constant dense<0.000000e+00> : vector<128x16xf32>
    %dot_general3A_281 = tpu.matmul %convert_element_type3A_51, %slice3A_272, %dot_general3A_280 {dimension_numbers = #tpu.dot_dimension_numbers<[1], [0], [0], [1], [0, 0, 1, 1], [], []>, transpose_lhs_hint = false} : vector<128x128xf32>, vector<128x16xf32>, vector<128x16xf32> -> vector<128x16xf32>
    %add3A_282 = vector.broadcast %add3A_270 : vector<1x16xf32> to vector<128x16xf32>
    %add3A_283 = arith.addf %add3A_282, %dot_general3A_281 : vector<128x16xf32>
    %swap3A_284 = arith.constant 1152 : index
    %swap3A_285 = arith.constant 0 : index
    %swap3A_286 = vector.load %arg11[%swap3A_284, %swap3A_285] : memref<2048x16xf32, #tpu.memory_space<vmem>>, vector<128x16xf32>
    tpu.vector_store %arg11[%swap3A_284, %swap3A_285], %add3A_283 {strides = array<i32>} : memref<2048x16xf32, #tpu.memory_space<vmem>>, vector<128x16xf32>,
    %reduce_sum3A_287 = arith.constant dense<0.000000e+00> : vector<16xf32>
    %reduce_sum3A_288 = vector.multi_reduction <add>, %slice3A_271, %reduce_sum3A_287 [0] : vector<128x16xf32> to vector<16xf32>
    %broadcast_in_dim3A_289 = vector.shape_cast %reduce_sum3A_288 : vector<16xf32> to vector<1x16xf32>
    %add3A_290 = arith.addf %add3A_266, %broadcast_in_dim3A_289 : vector<1x16xf32>
    %reduce_sum3A_291 = arith.constant dense<0.000000e+00> : vector<16xf32>
    %reduce_sum3A_292 = vector.multi_reduction <add>, %slice3A_272, %reduce_sum3A_291 [0] : vector<128x16xf32> to vector<16xf32>
    %broadcast_in_dim3A_293 = vector.shape_cast %reduce_sum3A_292 : vector<16xf32> to vector<1x16xf32>
    %add3A_294 = arith.addf %add3A_270, %broadcast_in_dim3A_293 : vector<1x16xf32>
    %slice3A_295 = vector.extract_strided_slice %convert_element_type3A_20 {offsets = [1280, 0], sizes = [128, 16], strides = [1, 1]} : vector<2048x16xf32> to vector<128x16xf32>
    %slice3A_296 = vector.extract_strided_slice %convert_element_type3A_40 {offsets = [1280, 0], sizes = [128, 16], strides = [1, 1]} : vector<2048x16xf32> to vector<128x16xf32>
    %dot_general3A_297 = arith.constant dense<0.000000e+00> : vector<128x16xf32>
    %dot_general3A_298 = tpu.matmul %convert_element_type3A_51, %slice3A_295, %dot_general3A_297 {dimension_numbers = #tpu.dot_dimension_numbers<[1], [0], [0], [1], [0, 0, 1, 1], [], []>, transpose_lhs_hint = false} : vector<128x128xf32>, vector<128x16xf32>, vector<128x16xf32> -> vector<128x16xf32>
    %add3A_299 = vector.broadcast %add3A_290 : vector<1x16xf32> to vector<128x16xf32>
    %add3A_300 = arith.addf %add3A_299, %dot_general3A_298 : vector<128x16xf32>
    %swap3A_301 = arith.constant 1280 : index
    %swap3A_302 = arith.constant 0 : index
    %swap3A_303 = vector.load %arg10[%swap3A_301, %swap3A_302] : memref<2048x16xf32, #tpu.memory_space<vmem>>, vector<128x16xf32>
    tpu.vector_store %arg10[%swap3A_301, %swap3A_302], %add3A_300 {strides = array<i32>} : memref<2048x16xf32, #tpu.memory_space<vmem>>, vector<128x16xf32>,
    %dot_general3A_304 = arith.constant dense<0.000000e+00> : vector<128x16xf32>
    %dot_general3A_305 = tpu.matmul %convert_element_type3A_51, %slice3A_296, %dot_general3A_304 {dimension_numbers = #tpu.dot_dimension_numbers<[1], [0], [0], [1], [0, 0, 1, 1], [], []>, transpose_lhs_hint = false} : vector<128x128xf32>, vector<128x16xf32>, vector<128x16xf32> -> vector<128x16xf32>
    %add3A_306 = vector.broadcast %add3A_294 : vector<1x16xf32> to vector<128x16xf32>
    %add3A_307 = arith.addf %add3A_306, %dot_general3A_305 : vector<128x16xf32>
    %swap3A_308 = arith.constant 1280 : index
    %swap3A_309 = arith.constant 0 : index
    %swap3A_310 = vector.load %arg11[%swap3A_308, %swap3A_309] : memref<2048x16xf32, #tpu.memory_space<vmem>>, vector<128x16xf32>
    tpu.vector_store %arg11[%swap3A_308, %swap3A_309], %add3A_307 {strides = array<i32>} : memref<2048x16xf32, #tpu.memory_space<vmem>>, vector<128x16xf32>,
    %reduce_sum3A_311 = arith.constant dense<0.000000e+00> : vector<16xf32>
    %reduce_sum3A_312 = vector.multi_reduction <add>, %slice3A_295, %reduce_sum3A_311 [0] : vector<128x16xf32> to vector<16xf32>
    %broadcast_in_dim3A_313 = vector.shape_cast %reduce_sum3A_312 : vector<16xf32> to vector<1x16xf32>
    %add3A_314 = arith.addf %add3A_290, %broadcast_in_dim3A_313 : vector<1x16xf32>
    %reduce_sum3A_315 = arith.constant dense<0.000000e+00> : vector<16xf32>
    %reduce_sum3A_316 = vector.multi_reduction <add>, %slice3A_296, %reduce_sum3A_315 [0] : vector<128x16xf32> to vector<16xf32>
    %broadcast_in_dim3A_317 = vector.shape_cast %reduce_sum3A_316 : vector<16xf32> to vector<1x16xf32>
    %add3A_318 = arith.addf %add3A_294, %broadcast_in_dim3A_317 : vector<1x16xf32>
    %slice3A_319 = vector.extract_strided_slice %convert_element_type3A_20 {offsets = [1408, 0], sizes = [128, 16], strides = [1, 1]} : vector<2048x16xf32> to vector<128x16xf32>
    %slice3A_320 = vector.extract_strided_slice %convert_element_type3A_40 {offsets = [1408, 0], sizes = [128, 16], strides = [1, 1]} : vector<2048x16xf32> to vector<128x16xf32>
    %dot_general3A_321 = arith.constant dense<0.000000e+00> : vector<128x16xf32>
    %dot_general3A_322 = tpu.matmul %convert_element_type3A_51, %slice3A_319, %dot_general3A_321 {dimension_numbers = #tpu.dot_dimension_numbers<[1], [0], [0], [1], [0, 0, 1, 1], [], []>, transpose_lhs_hint = false} : vector<128x128xf32>, vector<128x16xf32>, vector<128x16xf32> -> vector<128x16xf32>
    %add3A_323 = vector.broadcast %add3A_314 : vector<1x16xf32> to vector<128x16xf32>
    %add3A_324 = arith.addf %add3A_323, %dot_general3A_322 : vector<128x16xf32>
    %swap3A_325 = arith.constant 1408 : index
    %swap3A_326 = arith.constant 0 : index
    %swap3A_327 = vector.load %arg10[%swap3A_325, %swap3A_326] : memref<2048x16xf32, #tpu.memory_space<vmem>>, vector<128x16xf32>
    tpu.vector_store %arg10[%swap3A_325, %swap3A_326], %add3A_324 {strides = array<i32>} : memref<2048x16xf32, #tpu.memory_space<vmem>>, vector<128x16xf32>,
    %dot_general3A_328 = arith.constant dense<0.000000e+00> : vector<128x16xf32>
    %dot_general3A_329 = tpu.matmul %convert_element_type3A_51, %slice3A_320, %dot_general3A_328 {dimension_numbers = #tpu.dot_dimension_numbers<[1], [0], [0], [1], [0, 0, 1, 1], [], []>, transpose_lhs_hint = false} : vector<128x128xf32>, vector<128x16xf32>, vector<128x16xf32> -> vector<128x16xf32>
    %add3A_330 = vector.broadcast %add3A_318 : vector<1x16xf32> to vector<128x16xf32>
    %add3A_331 = arith.addf %add3A_330, %dot_general3A_329 : vector<128x16xf32>
    %swap3A_332 = arith.constant 1408 : index
    %swap3A_333 = arith.constant 0 : index
    %swap3A_334 = vector.load %arg11[%swap3A_332, %swap3A_333] : memref<2048x16xf32, #tpu.memory_space<vmem>>, vector<128x16xf32>
    tpu.vector_store %arg11[%swap3A_332, %swap3A_333], %add3A_331 {strides = array<i32>} : memref<2048x16xf32, #tpu.memory_space<vmem>>, vector<128x16xf32>,
    %reduce_sum3A_335 = arith.constant dense<0.000000e+00> : vector<16xf32>
    %reduce_sum3A_336 = vector.multi_reduction <add>, %slice3A_319, %reduce_sum3A_335 [0] : vector<128x16xf32> to vector<16xf32>
    %broadcast_in_dim3A_337 = vector.shape_cast %reduce_sum3A_336 : vector<16xf32> to vector<1x16xf32>
    %add3A_338 = arith.addf %add3A_314, %broadcast_in_dim3A_337 : vector<1x16xf32>
    %reduce_sum3A_339 = arith.constant dense<0.000000e+00> : vector<16xf32>
    %reduce_sum3A_340 = vector.multi_reduction <add>, %slice3A_320, %reduce_sum3A_339 [0] : vector<128x16xf32> to vector<16xf32>
    %broadcast_in_dim3A_341 = vector.shape_cast %reduce_sum3A_340 : vector<16xf32> to vector<1x16xf32>
    %add3A_342 = arith.addf %add3A_318, %broadcast_in_dim3A_341 : vector<1x16xf32>
    %slice3A_343 = vector.extract_strided_slice %convert_element_type3A_20 {offsets = [1536, 0], sizes = [128, 16], strides = [1, 1]} : vector<2048x16xf32> to vector<128x16xf32>
    %slice3A_344 = vector.extract_strided_slice %convert_element_type3A_40 {offsets = [1536, 0], sizes = [128, 16], strides = [1, 1]} : vector<2048x16xf32> to vector<128x16xf32>
    %dot_general3A_345 = arith.constant dense<0.000000e+00> : vector<128x16xf32>
    %dot_general3A_346 = tpu.matmul %convert_element_type3A_51, %slice3A_343, %dot_general3A_345 {dimension_numbers = #tpu.dot_dimension_numbers<[1], [0], [0], [1], [0, 0, 1, 1], [], []>, transpose_lhs_hint = false} : vector<128x128xf32>, vector<128x16xf32>, vector<128x16xf32> -> vector<128x16xf32>
    %add3A_347 = vector.broadcast %add3A_338 : vector<1x16xf32> to vector<128x16xf32>
    %add3A_348 = arith.addf %add3A_347, %dot_general3A_346 : vector<128x16xf32>
    %swap3A_349 = arith.constant 1536 : index
    %swap3A_350 = arith.constant 0 : index
    %swap3A_351 = vector.load %arg10[%swap3A_349, %swap3A_350] : memref<2048x16xf32, #tpu.memory_space<vmem>>, vector<128x16xf32>
    tpu.vector_store %arg10[%swap3A_349, %swap3A_350], %add3A_348 {strides = array<i32>} : memref<2048x16xf32, #tpu.memory_space<vmem>>, vector<128x16xf32>,
    %dot_general3A_352 = arith.constant dense<0.000000e+00> : vector<128x16xf32>
    %dot_general3A_353 = tpu.matmul %convert_element_type3A_51, %slice3A_344, %dot_general3A_352 {dimension_numbers = #tpu.dot_dimension_numbers<[1], [0], [0], [1], [0, 0, 1, 1], [], []>, transpose_lhs_hint = false} : vector<128x128xf32>, vector<128x16xf32>, vector<128x16xf32> -> vector<128x16xf32>
    %add3A_354 = vector.broadcast %add3A_342 : vector<1x16xf32> to vector<128x16xf32>
    %add3A_355 = arith.addf %add3A_354, %dot_general3A_353 : vector<128x16xf32>
    %swap3A_356 = arith.constant 1536 : index
    %swap3A_357 = arith.constant 0 : index
    %swap3A_358 = vector.load %arg11[%swap3A_356, %swap3A_357] : memref<2048x16xf32, #tpu.memory_space<vmem>>, vector<128x16xf32>
    tpu.vector_store %arg11[%swap3A_356, %swap3A_357], %add3A_355 {strides = array<i32>} : memref<2048x16xf32, #tpu.memory_space<vmem>>, vector<128x16xf32>,
    %reduce_sum3A_359 = arith.constant dense<0.000000e+00> : vector<16xf32>
    %reduce_sum3A_360 = vector.multi_reduction <add>, %slice3A_343, %reduce_sum3A_359 [0] : vector<128x16xf32> to vector<16xf32>
    %broadcast_in_dim3A_361 = vector.shape_cast %reduce_sum3A_360 : vector<16xf32> to vector<1x16xf32>
    %add3A_362 = arith.addf %add3A_338, %broadcast_in_dim3A_361 : vector<1x16xf32>
    %reduce_sum3A_363 = arith.constant dense<0.000000e+00> : vector<16xf32>
    %reduce_sum3A_364 = vector.multi_reduction <add>, %slice3A_344, %reduce_sum3A_363 [0] : vector<128x16xf32> to vector<16xf32>
    %broadcast_in_dim3A_365 = vector.shape_cast %reduce_sum3A_364 : vector<16xf32> to vector<1x16xf32>
    %add3A_366 = arith.addf %add3A_342, %broadcast_in_dim3A_365 : vector<1x16xf32>
    %slice3A_367 = vector.extract_strided_slice %convert_element_type3A_20 {offsets = [1664, 0], sizes = [128, 16], strides = [1, 1]} : vector<2048x16xf32> to vector<128x16xf32>
    %slice3A_368 = vector.extract_strided_slice %convert_element_type3A_40 {offsets = [1664, 0], sizes = [128, 16], strides = [1, 1]} : vector<2048x16xf32> to vector<128x16xf32>
    %dot_general3A_369 = arith.constant dense<0.000000e+00> : vector<128x16xf32>
    %dot_general3A_370 = tpu.matmul %convert_element_type3A_51, %slice3A_367, %dot_general3A_369 {dimension_numbers = #tpu.dot_dimension_numbers<[1], [0], [0], [1], [0, 0, 1, 1], [], []>, transpose_lhs_hint = false} : vector<128x128xf32>, vector<128x16xf32>, vector<128x16xf32> -> vector<128x16xf32>
    %add3A_371 = vector.broadcast %add3A_362 : vector<1x16xf32> to vector<128x16xf32>
    %add3A_372 = arith.addf %add3A_371, %dot_general3A_370 : vector<128x16xf32>
    %swap3A_373 = arith.constant 1664 : index
    %swap3A_374 = arith.constant 0 : index
    %swap3A_375 = vector.load %arg10[%swap3A_373, %swap3A_374] : memref<2048x16xf32, #tpu.memory_space<vmem>>, vector<128x16xf32>
    tpu.vector_store %arg10[%swap3A_373, %swap3A_374], %add3A_372 {strides = array<i32>} : memref<2048x16xf32, #tpu.memory_space<vmem>>, vector<128x16xf32>,
    %dot_general3A_376 = arith.constant dense<0.000000e+00> : vector<128x16xf32>
    %dot_general3A_377 = tpu.matmul %convert_element_type3A_51, %slice3A_368, %dot_general3A_376 {dimension_numbers = #tpu.dot_dimension_numbers<[1], [0], [0], [1], [0, 0, 1, 1], [], []>, transpose_lhs_hint = false} : vector<128x128xf32>, vector<128x16xf32>, vector<128x16xf32> -> vector<128x16xf32>
    %add3A_378 = vector.broadcast %add3A_366 : vector<1x16xf32> to vector<128x16xf32>
    %add3A_379 = arith.addf %add3A_378, %dot_general3A_377 : vector<128x16xf32>
    %swap3A_380 = arith.constant 1664 : index
    %swap3A_381 = arith.constant 0 : index
    %swap3A_382 = vector.load %arg11[%swap3A_380, %swap3A_381] : memref<2048x16xf32, #tpu.memory_space<vmem>>, vector<128x16xf32>
    tpu.vector_store %arg11[%swap3A_380, %swap3A_381], %add3A_379 {strides = array<i32>} : memref<2048x16xf32, #tpu.memory_space<vmem>>, vector<128x16xf32>,
    %reduce_sum3A_383 = arith.constant dense<0.000000e+00> : vector<16xf32>
    %reduce_sum3A_384 = vector.multi_reduction <add>, %slice3A_367, %reduce_sum3A_383 [0] : vector<128x16xf32> to vector<16xf32>
    %broadcast_in_dim3A_385 = vector.shape_cast %reduce_sum3A_384 : vector<16xf32> to vector<1x16xf32>
    %add3A_386 = arith.addf %add3A_362, %broadcast_in_dim3A_385 : vector<1x16xf32>
    %reduce_sum3A_387 = arith.constant dense<0.000000e+00> : vector<16xf32>
    %reduce_sum3A_388 = vector.multi_reduction <add>, %slice3A_368, %reduce_sum3A_387 [0] : vector<128x16xf32> to vector<16xf32>
    %broadcast_in_dim3A_389 = vector.shape_cast %reduce_sum3A_388 : vector<16xf32> to vector<1x16xf32>
    %add3A_390 = arith.addf %add3A_366, %broadcast_in_dim3A_389 : vector<1x16xf32>
    %slice3A_391 = vector.extract_strided_slice %convert_element_type3A_20 {offsets = [1792, 0], sizes = [128, 16], strides = [1, 1]} : vector<2048x16xf32> to vector<128x16xf32>
    %slice3A_392 = vector.extract_strided_slice %convert_element_type3A_40 {offsets = [1792, 0], sizes = [128, 16], strides = [1, 1]} : vector<2048x16xf32> to vector<128x16xf32>
    %dot_general3A_393 = arith.constant dense<0.000000e+00> : vector<128x16xf32>
    %dot_general3A_394 = tpu.matmul %convert_element_type3A_51, %slice3A_391, %dot_general3A_393 {dimension_numbers = #tpu.dot_dimension_numbers<[1], [0], [0], [1], [0, 0, 1, 1], [], []>, transpose_lhs_hint = false} : vector<128x128xf32>, vector<128x16xf32>, vector<128x16xf32> -> vector<128x16xf32>
    %add3A_395 = vector.broadcast %add3A_386 : vector<1x16xf32> to vector<128x16xf32>
    %add3A_396 = arith.addf %add3A_395, %dot_general3A_394 : vector<128x16xf32>
    %swap3A_397 = arith.constant 1792 : index
    %swap3A_398 = arith.constant 0 : index
    %swap3A_399 = vector.load %arg10[%swap3A_397, %swap3A_398] : memref<2048x16xf32, #tpu.memory_space<vmem>>, vector<128x16xf32>
    tpu.vector_store %arg10[%swap3A_397, %swap3A_398], %add3A_396 {strides = array<i32>} : memref<2048x16xf32, #tpu.memory_space<vmem>>, vector<128x16xf32>,
    %dot_general3A_400 = arith.constant dense<0.000000e+00> : vector<128x16xf32>
    %dot_general3A_401 = tpu.matmul %convert_element_type3A_51, %slice3A_392, %dot_general3A_400 {dimension_numbers = #tpu.dot_dimension_numbers<[1], [0], [0], [1], [0, 0, 1, 1], [], []>, transpose_lhs_hint = false} : vector<128x128xf32>, vector<128x16xf32>, vector<128x16xf32> -> vector<128x16xf32>
    %add3A_402 = vector.broadcast %add3A_390 : vector<1x16xf32> to vector<128x16xf32>
    %add3A_403 = arith.addf %add3A_402, %dot_general3A_401 : vector<128x16xf32>
    %swap3A_404 = arith.constant 1792 : index
    %swap3A_405 = arith.constant 0 : index
    %swap3A_406 = vector.load %arg11[%swap3A_404, %swap3A_405] : memref<2048x16xf32, #tpu.memory_space<vmem>>, vector<128x16xf32>
    tpu.vector_store %arg11[%swap3A_404, %swap3A_405], %add3A_403 {strides = array<i32>} : memref<2048x16xf32, #tpu.memory_space<vmem>>, vector<128x16xf32>,
    %reduce_sum3A_407 = arith.constant dense<0.000000e+00> : vector<16xf32>
    %reduce_sum3A_408 = vector.multi_reduction <add>, %slice3A_391, %reduce_sum3A_407 [0] : vector<128x16xf32> to vector<16xf32>
    %broadcast_in_dim3A_409 = vector.shape_cast %reduce_sum3A_408 : vector<16xf32> to vector<1x16xf32>
    %add3A_410 = arith.addf %add3A_386, %broadcast_in_dim3A_409 : vector<1x16xf32>
    %reduce_sum3A_411 = arith.constant dense<0.000000e+00> : vector<16xf32>
    %reduce_sum3A_412 = vector.multi_reduction <add>, %slice3A_392, %reduce_sum3A_411 [0] : vector<128x16xf32> to vector<16xf32>
    %broadcast_in_dim3A_413 = vector.shape_cast %reduce_sum3A_412 : vector<16xf32> to vector<1x16xf32>
    %add3A_414 = arith.addf %add3A_390, %broadcast_in_dim3A_413 : vector<1x16xf32>
    %slice3A_415 = vector.extract_strided_slice %convert_element_type3A_20 {offsets = [1920, 0], sizes = [128, 16], strides = [1, 1]} : vector<2048x16xf32> to vector<128x16xf32>
    %slice3A_416 = vector.extract_strided_slice %convert_element_type3A_40 {offsets = [1920, 0], sizes = [128, 16], strides = [1, 1]} : vector<2048x16xf32> to vector<128x16xf32>
    %dot_general3A_417 = arith.constant dense<0.000000e+00> : vector<128x16xf32>
    %dot_general3A_418 = tpu.matmul %convert_element_type3A_51, %slice3A_415, %dot_general3A_417 {dimension_numbers = #tpu.dot_dimension_numbers<[1], [0], [0], [1], [0, 0, 1, 1], [], []>, transpose_lhs_hint = false} : vector<128x128xf32>, vector<128x16xf32>, vector<128x16xf32> -> vector<128x16xf32>
    %add3A_419 = vector.broadcast %add3A_410 : vector<1x16xf32> to vector<128x16xf32>
    %add3A_420 = arith.addf %add3A_419, %dot_general3A_418 : vector<128x16xf32>
    %swap3A_421 = arith.constant 1920 : index
    %swap3A_422 = arith.constant 0 : index
    %swap3A_423 = vector.load %arg10[%swap3A_421, %swap3A_422] : memref<2048x16xf32, #tpu.memory_space<vmem>>, vector<128x16xf32>
    tpu.vector_store %arg10[%swap3A_421, %swap3A_422], %add3A_420 {strides = array<i32>} : memref<2048x16xf32, #tpu.memory_space<vmem>>, vector<128x16xf32>,
    %dot_general3A_424 = arith.constant dense<0.000000e+00> : vector<128x16xf32>
    %dot_general3A_425 = tpu.matmul %convert_element_type3A_51, %slice3A_416, %dot_general3A_424 {dimension_numbers = #tpu.dot_dimension_numbers<[1], [0], [0], [1], [0, 0, 1, 1], [], []>, transpose_lhs_hint = false} : vector<128x128xf32>, vector<128x16xf32>, vector<128x16xf32> -> vector<128x16xf32>
    %add3A_426 = vector.broadcast %add3A_414 : vector<1x16xf32> to vector<128x16xf32>
    %add3A_427 = arith.addf %add3A_426, %dot_general3A_425 : vector<128x16xf32>
    %swap3A_428 = arith.constant 1920 : index
    %swap3A_429 = arith.constant 0 : index
    %swap3A_430 = vector.load %arg11[%swap3A_428, %swap3A_429] : memref<2048x16xf32, #tpu.memory_space<vmem>>, vector<128x16xf32>
    tpu.vector_store %arg11[%swap3A_428, %swap3A_429], %add3A_427 {strides = array<i32>} : memref<2048x16xf32, #tpu.memory_space<vmem>>, vector<128x16xf32>,
    %reduce_sum3A_431 = arith.constant dense<0.000000e+00> : vector<16xf32>
    %reduce_sum3A_432 = vector.multi_reduction <add>, %slice3A_415, %reduce_sum3A_431 [0] : vector<128x16xf32> to vector<16xf32>
    %broadcast_in_dim3A_433 = vector.shape_cast %reduce_sum3A_432 : vector<16xf32> to vector<1x16xf32>
    %add3A_434 = arith.addf %add3A_410, %broadcast_in_dim3A_433 : vector<1x16xf32>
    %reduce_sum3A_435 = arith.constant dense<0.000000e+00> : vector<16xf32>
    %reduce_sum3A_436 = vector.multi_reduction <add>, %slice3A_416, %reduce_sum3A_435 [0] : vector<128x16xf32> to vector<16xf32>
    %broadcast_in_dim3A_437 = vector.shape_cast %reduce_sum3A_436 : vector<16xf32> to vector<1x16xf32>
    %add3A_438 = arith.addf %add3A_414, %broadcast_in_dim3A_437 : vector<1x16xf32>
    %add3A_439 = arith.addf %add3A_434, %add3A_438 : vector<1x16xf32>
    %add3A_440 = arith.constant 1.270000e+02 : f32
    %add3A_441 = vector.broadcast %add3A_440 : f32 to vector<1x16xf32>
    %add3A_442 = arith.addf %add3A_439, %add3A_441 : vector<1x16xf32>
    %mul3A = arith.constant 7.812500e-03 : f32
    %mul3A_443 = vector.broadcast %mul3A : f32 to vector<1x16xf32>
    %mul3A_444 = arith.mulf %add3A_442, %mul3A_443 : vector<1x16xf32>
    %floor3A = math.floor %mul3A_444 : vector<1x16xf32>
    %iota3A_445 = tpu.iota {dimensions = array<i32: 0>} : vector<16x16xi32>
    %iota3A_446 = tpu.iota {dimensions = array<i32: 1>} : vector<16x16xi32>
    %lt3A_447 = arith.cmpi slt, %iota3A_445, %iota3A_446 : vector<16x16xi32>
    %convert_element_type3A_448 = arith.extui %lt3A_447 : vector<16x16xi1> to vector<16x16xi32>
    %convert_element_type3A_449 = arith.sitofp %convert_element_type3A_448 : vector<16x16xi32> to vector<16x16xf32>
    %dot_general3A_450 = arith.constant dense<0.000000e+00> : vector<1x16xf32>
    %dot_general3A_451 = tpu.matmul %floor3A, %convert_element_type3A_449, %dot_general3A_450 {dimension_numbers = #tpu.dot_dimension_numbers<[1], [0], [0], [1], [0, 0, 1, 1], [], []>, transpose_lhs_hint = false} : vector<1x16xf32>, vector<16x16xf32>, vector<1x16xf32> -> vector<1x16xf32>
    %mul3A_452 = arith.constant 1.280000e+02 : f32
    %mul3A_453 = vector.broadcast %mul3A_452 : f32 to vector<1x16xf32>
    %mul3A_454 = arith.mulf %dot_general3A_451, %mul3A_453 : vector<1x16xf32>
    %reduce_sum3A_455 = vector.shape_cast %floor3A : vector<1x16xf32> to vector<1x1x16xf32>
    %reduce_sum3A_456 = arith.constant dense<0.000000e+00> : vector<1xf32>
    %reduce_sum3A_457 = vector.multi_reduction <add>, %reduce_sum3A_455, %reduce_sum3A_456 [1, 2] : vector<1x1x16xf32> to vector<1xf32>
    %reduce_sum3A_458 = vector.shape_cast %reduce_sum3A_457 : vector<1xf32> to vector<1x1x1xf32>
    %reduce_sum3A_459 = vector.extract %reduce_sum3A_458[0, 0, 0] : f32 from vector<1x1x1xf32>
    %get3A_460 = arith.constant 0 : index
    %get3A_461 = arith.constant 0 : index
    %get3A_462 = vector.load %arg10[%get3A_460, %get3A_461] : memref<2048x16xf32, #tpu.memory_space<vmem>>, vector<2048x16xf32>
    %add3A_463 = vector.broadcast %mul3A_454 : vector<1x16xf32> to vector<2048x16xf32>
    %add3A_464 = arith.addf %add3A_463, %get3A_462 : vector<2048x16xf32>
    %mul3A_465 = arith.mulf %convert_element_type3A_20, %add3A_464 : vector<2048x16xf32>
    %reduce_sum3A_466 = arith.constant dense<0.000000e+00> : vector<2048xf32>
    %reduce_sum3A_467 = vector.multi_reduction <add>, %mul3A_465, %reduce_sum3A_466 [1] : vector<2048x16xf32> to vector<2048xf32>
    %broadcast_in_dim3A_468 = vector.shape_cast %reduce_sum3A_467 : vector<2048xf32> to vector<2048x1xf32>
    %add3A_469 = arith.addf %mul3A_454, %add3A_434 : vector<1x16xf32>
    %get3A_470 = arith.constant 0 : index
    %get3A_471 = arith.constant 0 : index
    %get3A_472 = vector.load %arg11[%get3A_470, %get3A_471] : memref<2048x16xf32, #tpu.memory_space<vmem>>, vector<2048x16xf32>
    %add3A_473 = vector.broadcast %add3A_469 : vector<1x16xf32> to vector<2048x16xf32>
    %add3A_474 = arith.addf %add3A_473, %get3A_472 : vector<2048x16xf32>
    %mul3A_475 = arith.mulf %convert_element_type3A_40, %add3A_474 : vector<2048x16xf32>
    %reduce_sum3A_476 = arith.constant dense<0.000000e+00> : vector<2048xf32>
    %reduce_sum3A_477 = vector.multi_reduction <add>, %mul3A_475, %reduce_sum3A_476 [1] : vector<2048x16xf32> to vector<2048xf32>
    %broadcast_in_dim3A_478 = vector.shape_cast %reduce_sum3A_477 : vector<2048xf32> to vector<2048x1xf32>
    %convert_element_type3A_479 = arith.fptosi %broadcast_in_dim3A_468 : vector<2048x1xf32> to vector<2048x1xi32>
    %swap3A_480 = arith.constant 0 : index
    %swap3A_481 = arith.constant 0 : index
    %swap3A_482 = vector.load %arg2[%swap3A_480, %swap3A_481] : memref<2048x1xi32, #tpu.memory_space<vmem>>, vector<2048x1xi32>
    tpu.vector_store %arg2[%swap3A_480, %swap3A_481], %convert_element_type3A_479 {strides = array<i32>} : memref<2048x1xi32, #tpu.memory_space<vmem>>, vector<2048x1xi32>,
    %convert_element_type3A_483 = arith.fptosi %broadcast_in_dim3A_478 : vector<2048x1xf32> to vector<2048x1xi32>
    %swap3A_484 = arith.constant 0 : index
    %swap3A_485 = arith.constant 0 : index
    %swap3A_486 = vector.load %arg3[%swap3A_484, %swap3A_485] : memref<2048x1xi32, #tpu.memory_space<vmem>>, vector<2048x1xi32>
    tpu.vector_store %arg3[%swap3A_484, %swap3A_485], %convert_element_type3A_483 {strides = array<i32>} : memref<2048x1xi32, #tpu.memory_space<vmem>>, vector<2048x1xi32>,
    %iota3A_487 = tpu.iota {dimensions = array<i32: 0>} : vector<48x1xi32>
    %convert_element_type3A_488 = arith.sitofp %iota3A_487 : vector<48x1xi32> to vector<48x1xf32>
    %sub3A_489 = arith.constant 1.000000e+00 : f32
    %sub3A_490 = arith.subf %reduce_sum3A_459, %sub3A_489 : f32
    %min3A = vector.broadcast %sub3A_490 : f32 to vector<48x1xf32>
    %min3A_491 = arith.minimumf %convert_element_type3A_488, %min3A : vector<48x1xf32>
    %iota3A_492 = tpu.iota {dimensions = array<i32: 1>} : vector<48x16xi32>
    %convert_element_type3A_493 = arith.sitofp %iota3A_492 : vector<48x16xi32> to vector<48x16xf32>
    %ge3A = vector.broadcast %min3A_491 : vector<48x1xf32> to vector<48x16xf32>
    %ge3A_494 = vector.broadcast %dot_general3A_451 : vector<1x16xf32> to vector<48x16xf32>
    %ge3A_495 = arith.cmpf oge, %ge3A, %ge3A_494 : vector<48x16xf32>
    %add3A_496 = arith.addf %dot_general3A_451, %floor3A : vector<1x16xf32>
    %lt3A_497 = vector.broadcast %min3A_491 : vector<48x1xf32> to vector<48x16xf32>
    %lt3A_498 = vector.broadcast %add3A_496 : vector<1x16xf32> to vector<48x16xf32>
    %lt3A_499 = arith.cmpf olt, %lt3A_497, %lt3A_498 : vector<48x16xf32>
    %and3A = arith.andi %ge3A_495, %lt3A_499 : vector<48x16xi1>
    %convert_element_type3A_500 = arith.extui %and3A : vector<48x16xi1> to vector<48x16xi32>
    %convert_element_type3A_501 = arith.sitofp %convert_element_type3A_500 : vector<48x16xi32> to vector<48x16xf32>
    %mul3A_502 = arith.mulf %convert_element_type3A_493, %convert_element_type3A_501 : vector<48x16xf32>
    %reduce_sum3A_503 = arith.constant dense<0.000000e+00> : vector<48xf32>
    %reduce_sum3A_504 = vector.multi_reduction <add>, %mul3A_502, %reduce_sum3A_503 [1] : vector<48x16xf32> to vector<48xf32>
    %broadcast_in_dim3A_505 = vector.shape_cast %reduce_sum3A_504 : vector<48xf32> to vector<48x1xf32>
    %convert_element_type3A_506 = arith.fptosi %broadcast_in_dim3A_505 : vector<48x1xf32> to vector<48x1xi32>
    %swap3A_507 = arith.constant 0 : index
    %swap3A_508 = arith.constant 0 : index
    %swap3A_509 = vector.load %arg6[%swap3A_507, %swap3A_508] : memref<48x1xi32, #tpu.memory_space<vmem>>, vector<48x1xi32>
    tpu.vector_store %arg6[%swap3A_507, %swap3A_508], %convert_element_type3A_506 {strides = array<i32>} : memref<48x1xi32, #tpu.memory_space<vmem>>, vector<48x1xi32>,
    %convert_element_type3A_510 = arith.fptosi %min3A_491 : vector<48x1xf32> to vector<48x1xi32>
    %swap3A_511 = arith.constant 0 : index
    %swap3A_512 = arith.constant 0 : index
    %swap3A_513 = vector.load %arg7[%swap3A_511, %swap3A_512] : memref<48x1xi32, #tpu.memory_space<vmem>>, vector<48x1xi32>
    tpu.vector_store %arg7[%swap3A_511, %swap3A_512], %convert_element_type3A_510 {strides = array<i32>} : memref<48x1xi32, #tpu.memory_space<vmem>>, vector<48x1xi32>,
    %lt3A_514 = vector.broadcast %reduce_sum3A_459 : f32 to vector<48x1xf32>
    %lt3A_515 = arith.cmpf olt, %convert_element_type3A_488, %lt3A_514 : vector<48x1xf32>
    %convert_element_type3A_516 = arith.extui %lt3A_515 : vector<48x1xi1> to vector<48x1xi32>
    %swap3A_517 = arith.constant 0 : index
    %swap3A_518 = arith.constant 0 : index
    %swap3A_519 = vector.load %arg8[%swap3A_517, %swap3A_518] : memref<48x1xi32, #tpu.memory_space<vmem>>, vector<48x1xi32>
    tpu.vector_store %arg8[%swap3A_517, %swap3A_518], %convert_element_type3A_516 {strides = array<i32>} : memref<48x1xi32, #tpu.memory_space<vmem>>, vector<48x1xi32>,
    %broadcast_in_dim3A_520 = arith.constant 1.280000e+02 : f32
    %broadcast_in_dim3A_521 = vector.broadcast %broadcast_in_dim3A_520 : f32 to vector<16x1xf32>
    %convert_element_type3A_522 = arith.fptosi %broadcast_in_dim3A_521 : vector<16x1xf32> to vector<16x1xi32>
    %convert_element_type3A_523 = arith.fptosi %reduce_sum3A_459 : f32 to i32
    %mul3A_524 = vector.broadcast %convert_element_type3A_523 : i32 to vector<16x1xi32>
    %mul3A_525 = arith.muli %convert_element_type3A_522, %mul3A_524 : vector<16x1xi32>
    %swap3A_526 = arith.constant 0 : index
    %swap3A_527 = arith.constant 0 : index
    %swap3A_528 = vector.load %arg9[%swap3A_526, %swap3A_527] : memref<16x1xi32, #tpu.memory_space<vmem>>, vector<16x1xi32>
    tpu.vector_store %arg9[%swap3A_526, %swap3A_527], %mul3A_525 {strides = array<i32>} : memref<16x1xi32, #tpu.memory_space<vmem>>, vector<16x1xi32>,
    return
  }
}

module attributes {stable_mosaic.version = 14 : i64} {
  func.func @_shared_mm(%arg0: i32, %arg1: memref<512x1024xf32, #tpu.memory_space<vmem>>, %arg2: memref<512x1024xf32, #tpu.memory_space<vmem>>, %arg3: memref<1024x512xf32, #tpu.memory_space<vmem>>, %arg4: memref<512x1024xf32, #tpu.memory_space<vmem>>, %arg5: memref<1x1024xf32, #tpu.memory_space<vmem>>, %arg6: memref<512x1024xf32, #tpu.memory_space<vmem>>) attributes {dimension_semantics = [#tpu.dimension_semantics<arbitrary>], iteration_bounds = array<i64: 4>, scalar_prefetch = 0 : i64, scratch_operands = 0 : i64, tpu.core_type = #tpu.core_type<tc>, window_params = [{transform_indices = @transform_0, window_bounds = array<i64: 512, 1024>}, {pipeline_mode = #tpu.pipeline_mode<synchronous>, transform_indices = @transform_1, window_bounds = array<i64: 512, 1024>}, {pipeline_mode = #tpu.pipeline_mode<synchronous>, transform_indices = @transform_2, window_bounds = array<i64: 1024, 512>}, {pipeline_mode = #tpu.pipeline_mode<synchronous>, transform_indices = @transform_3, window_bounds = array<i64: 512, 1024>}, {pipeline_mode = #tpu.pipeline_mode<synchronous>, transform_indices = @transform_4, window_bounds = array<i64: 1, 1024>}, {transform_indices = @transform_5, window_bounds = array<i64: 512, 1024>}]} {
    %get3A = arith.constant 0 : index
    %get3A_0 = arith.constant 0 : index
    %get3A_1 = vector.load %arg1[%get3A, %get3A_0] : memref<512x1024xf32, #tpu.memory_space<vmem>>, vector<512x1024xf32>
    %convert_element_type3A = arith.truncf %get3A_1 : vector<512x1024xf32> to vector<512x1024xbf16>
    %get3A_2 = arith.constant 0 : index
    %get3A_3 = arith.constant 0 : index
    %get3A_4 = vector.load %arg2[%get3A_2, %get3A_3] : memref<512x1024xf32, #tpu.memory_space<vmem>>, vector<512x1024xf32>
    %convert_element_type3A_5 = arith.truncf %get3A_4 : vector<512x1024xf32> to vector<512x1024xbf16>
    %dot_general3A = arith.constant dense<0.000000e+00> : vector<512x512xf32>
    %dot_general3A_6 = tpu.matmul %convert_element_type3A, %convert_element_type3A_5, %dot_general3A {dimension_numbers = #tpu.dot_dimension_numbers<[1], [1], [0], [0], [0, 0, 1, 0], [], []>, transpose_lhs_hint = false} : vector<512x1024xbf16>, vector<512x1024xbf16>, vector<512x512xf32> -> vector<512x512xf32>
    %get3A_7 = arith.constant 0 : index
    %get3A_8 = arith.constant 0 : index
    %get3A_9 = vector.load %arg4[%get3A_7, %get3A_8] : memref<512x1024xf32, #tpu.memory_space<vmem>>, vector<512x1024xf32>
    %convert_element_type3A_10 = arith.truncf %get3A_9 : vector<512x1024xf32> to vector<512x1024xbf16>
    %dot_general3A_11 = arith.constant dense<0.000000e+00> : vector<512x512xf32>
    %dot_general3A_12 = tpu.matmul %convert_element_type3A, %convert_element_type3A_10, %dot_general3A_11 {dimension_numbers = #tpu.dot_dimension_numbers<[1], [1], [0], [0], [0, 0, 1, 0], [], []>, transpose_lhs_hint = false} : vector<512x1024xbf16>, vector<512x1024xbf16>, vector<512x512xf32> -> vector<512x512xf32>
    %logistic3A = arith.negf %dot_general3A_6 : vector<512x512xf32>
    %logistic3A_13 = math.exp %logistic3A : vector<512x512xf32>
    %logistic3A_14 = arith.constant 1.000000e+00 : f32
    %logistic3A_15 = vector.broadcast %logistic3A_14 : f32 to vector<512x512xf32>
    %logistic3A_16 = arith.addf %logistic3A_15, %logistic3A_13 : vector<512x512xf32>
    %logistic3A_17 = arith.divf %logistic3A_15, %logistic3A_16 : vector<512x512xf32>
    %mul3A = arith.mulf %dot_general3A_6, %logistic3A_17 : vector<512x512xf32>
    %mul3A_18 = arith.mulf %mul3A, %dot_general3A_12 : vector<512x512xf32>
    %convert_element_type3A_19 = arith.truncf %mul3A_18 : vector<512x512xf32> to vector<512x512xbf16>
    %get3A_20 = arith.constant 0 : index
    %get3A_21 = arith.constant 0 : index
    %get3A_22 = vector.load %arg3[%get3A_20, %get3A_21] : memref<1024x512xf32, #tpu.memory_space<vmem>>, vector<1024x512xf32>
    %convert_element_type3A_23 = arith.truncf %get3A_22 : vector<1024x512xf32> to vector<1024x512xbf16>
    %dot_general3A_24 = arith.constant dense<0.000000e+00> : vector<512x1024xf32>
    %dot_general3A_25 = tpu.matmul %convert_element_type3A_19, %convert_element_type3A_23, %dot_general3A_24 {dimension_numbers = #tpu.dot_dimension_numbers<[1], [1], [0], [0], [0, 0, 1, 0], [], []>, transpose_lhs_hint = false} : vector<512x512xbf16>, vector<1024x512xbf16>, vector<512x1024xf32> -> vector<512x1024xf32>
    %get3A_26 = arith.constant 0 : index
    %get3A_27 = arith.constant 0 : index
    %get3A_28 = vector.load %arg5[%get3A_26, %get3A_27] : memref<1x1024xf32, #tpu.memory_space<vmem>>, vector<1x1024xf32>
    %dot_general3A_29 = arith.constant dense<0.000000e+00> : vector<512x1xf32>
    %dot_general3A_30 = tpu.matmul %get3A_1, %get3A_28, %dot_general3A_29 {dimension_numbers = #tpu.dot_dimension_numbers<[1], [1], [0], [0], [0, 0, 1, 0], [], []>, transpose_lhs_hint = false} : vector<512x1024xf32>, vector<1x1024xf32>, vector<512x1xf32> -> vector<512x1xf32>
    %logistic3A_31 = arith.negf %dot_general3A_30 : vector<512x1xf32>
    %logistic3A_32 = math.exp %logistic3A_31 : vector<512x1xf32>
    %logistic3A_33 = arith.constant 1.000000e+00 : f32
    %logistic3A_34 = vector.broadcast %logistic3A_33 : f32 to vector<512x1xf32>
    %logistic3A_35 = arith.addf %logistic3A_34, %logistic3A_32 : vector<512x1xf32>
    %logistic3A_36 = arith.divf %logistic3A_34, %logistic3A_35 : vector<512x1xf32>
    %mul3A_37 = vector.broadcast %logistic3A_36 : vector<512x1xf32> to vector<512x1024xf32>
    %mul3A_38 = arith.mulf %mul3A_37, %dot_general3A_25 : vector<512x1024xf32>
    %swap3A = arith.constant 0 : index
    %swap3A_39 = arith.constant 0 : index
    %swap3A_40 = vector.load %arg6[%swap3A, %swap3A_39] : memref<512x1024xf32, #tpu.memory_space<vmem>>, vector<512x1024xf32>
    tpu.vector_store %arg6[%swap3A, %swap3A_39], %mul3A_38 {strides = array<i32>} : memref<512x1024xf32, #tpu.memory_space<vmem>>, vector<512x1024xf32>,
    return
  }
  func.func @transform_0(%arg0: i32) -> (i32, i32) {
    %c0_i32 = arith.constant 0 : i32
    %c0_i32_0 = arith.constant 0 : i32
    return %arg0, %c0_i32 : i32, i32
  }
  func.func @transform_1(%arg0: i32) -> (i32, i32) {
    %c0_i32 = arith.constant 0 : i32
    %c0_i32_0 = arith.constant 0 : i32
    %c0_i32_1 = arith.constant 0 : i32
    return %c0_i32, %c0_i32_0 : i32, i32
  }
  func.func @transform_2(%arg0: i32) -> (i32, i32) {
    %c0_i32 = arith.constant 0 : i32
    %c0_i32_0 = arith.constant 0 : i32
    %c0_i32_1 = arith.constant 0 : i32
    return %c0_i32, %c0_i32_0 : i32, i32
  }
  func.func @transform_3(%arg0: i32) -> (i32, i32) {
    %c0_i32 = arith.constant 0 : i32
    %c0_i32_0 = arith.constant 0 : i32
    %c0_i32_1 = arith.constant 0 : i32
    return %c0_i32, %c0_i32_0 : i32, i32
  }
  func.func @transform_4(%arg0: i32) -> (i32, i32) {
    %c0_i32 = arith.constant 0 : i32
    %c0_i32_0 = arith.constant 0 : i32
    %c0_i32_1 = arith.constant 0 : i32
    return %c0_i32, %c0_i32_0 : i32, i32
  }
  func.func @transform_5(%arg0: i32) -> (i32, i32) {
    %c0_i32 = arith.constant 0 : i32
    %c0_i32_0 = arith.constant 0 : i32
    return %arg0, %c0_i32 : i32, i32
  }
}

module attributes {stable_mosaic.version = 14 : i64} {
  func.func @_moe_mm(%arg0: i32, %arg1: memref<48xi32, #tpu.memory_space<smem>>, %arg2: memref<48xi32, #tpu.memory_space<smem>>, %arg3: memref<48xi32, #tpu.memory_space<smem>>, %arg4: memref<128x1024xf32, #tpu.memory_space<vmem>>, %arg5: memref<1x512x1024xf32, #tpu.memory_space<vmem>>, %arg6: memref<1x1024x512xf32, #tpu.memory_space<vmem>>, %arg7: memref<1x512x1024xf32, #tpu.memory_space<vmem>>, %arg8: memref<128x1xf32, #tpu.memory_space<vmem>>, %arg9: memref<128x1024xf32, #tpu.memory_space<vmem>>) attributes {dimension_semantics = [#tpu.dimension_semantics<arbitrary>], iteration_bounds = array<i64: 48>, scalar_prefetch = 3 : i64, scratch_operands = 0 : i64, tpu.core_type = #tpu.core_type<tc>, window_params = [{transform_indices = @transform_0, window_bounds = array<i64: 128, 1024>}, {transform_indices = @transform_1, window_bounds = array<i64: 1, 512, 1024>}, {transform_indices = @transform_2, window_bounds = array<i64: 1, 1024, 512>}, {transform_indices = @transform_3, window_bounds = array<i64: 1, 512, 1024>}, {transform_indices = @transform_4, window_bounds = array<i64: 128, 1>}, {transform_indices = @transform_5, window_bounds = array<i64: 128, 1024>}]} {
    %add3A = arith.constant 0 : i32
    %add3A_0 = arith.addi %arg0, %add3A : i32
    %get3A = arith.index_cast %add3A_0 : i32 to index
    %get3A_1 = memref.load %arg3[%get3A] : memref<48xi32, #tpu.memory_space<smem>>
    %eq3A = arith.constant 1 : i32
    %eq3A_2 = arith.cmpi eq, %get3A_1, %eq3A : i32
    %convert_element_type3A = arith.extui %eq3A_2 : i1 to i32
    %cond3A = arith.constant 0 : i32
    %cond3A_3 = arith.cmpi ne, %convert_element_type3A, %cond3A : i32
    scf.if %cond3A_3 {
      %get3A_4 = arith.constant 0 : index
      %get3A_5 = arith.constant 0 : index
      %get3A_6 = vector.load %arg4[%get3A_4, %get3A_5] : memref<128x1024xf32, #tpu.memory_space<vmem>>, vector<128x1024xf32>
      %convert_element_type3A_7 = arith.truncf %get3A_6 : vector<128x1024xf32> to vector<128x1024xbf16>
      %get3A_8 = arith.constant 0 : index
      %get3A_9 = arith.constant 0 : index
      %get3A_10 = arith.constant 0 : index
      %get3A_11 = vector.load %arg5[%get3A_8, %get3A_9, %get3A_10] : memref<1x512x1024xf32, #tpu.memory_space<vmem>>, vector<1x512x1024xf32>
      %get3A_12 = vector.shape_cast %get3A_11 : vector<1x512x1024xf32> to vector<512x1024xf32>
      %convert_element_type3A_13 = arith.truncf %get3A_12 : vector<512x1024xf32> to vector<512x1024xbf16>
      %dot_general3A = arith.constant dense<0.000000e+00> : vector<128x512xf32>
      %dot_general3A_14 = tpu.matmul %convert_element_type3A_7, %convert_element_type3A_13, %dot_general3A {dimension_numbers = #tpu.dot_dimension_numbers<[1], [1], [0], [0], [0, 0, 1, 0], [], []>, transpose_lhs_hint = false} : vector<128x1024xbf16>, vector<512x1024xbf16>, vector<128x512xf32> -> vector<128x512xf32>
      %get3A_15 = arith.constant 0 : index
      %get3A_16 = arith.constant 0 : index
      %get3A_17 = arith.constant 0 : index
      %get3A_18 = vector.load %arg7[%get3A_15, %get3A_16, %get3A_17] : memref<1x512x1024xf32, #tpu.memory_space<vmem>>, vector<1x512x1024xf32>
      %get3A_19 = vector.shape_cast %get3A_18 : vector<1x512x1024xf32> to vector<512x1024xf32>
      %convert_element_type3A_20 = arith.truncf %get3A_19 : vector<512x1024xf32> to vector<512x1024xbf16>
      %dot_general3A_21 = arith.constant dense<0.000000e+00> : vector<128x512xf32>
      %dot_general3A_22 = tpu.matmul %convert_element_type3A_7, %convert_element_type3A_20, %dot_general3A_21 {dimension_numbers = #tpu.dot_dimension_numbers<[1], [1], [0], [0], [0, 0, 1, 0], [], []>, transpose_lhs_hint = false} : vector<128x1024xbf16>, vector<512x1024xbf16>, vector<128x512xf32> -> vector<128x512xf32>
      %logistic3A = arith.negf %dot_general3A_14 : vector<128x512xf32>
      %logistic3A_23 = math.exp %logistic3A : vector<128x512xf32>
      %logistic3A_24 = arith.constant 1.000000e+00 : f32
      %logistic3A_25 = vector.broadcast %logistic3A_24 : f32 to vector<128x512xf32>
      %logistic3A_26 = arith.addf %logistic3A_25, %logistic3A_23 : vector<128x512xf32>
      %logistic3A_27 = arith.divf %logistic3A_25, %logistic3A_26 : vector<128x512xf32>
      %mul3A = arith.mulf %dot_general3A_14, %logistic3A_27 : vector<128x512xf32>
      %mul3A_28 = arith.mulf %mul3A, %dot_general3A_22 : vector<128x512xf32>
      %convert_element_type3A_29 = arith.truncf %mul3A_28 : vector<128x512xf32> to vector<128x512xbf16>
      %get3A_30 = arith.constant 0 : index
      %get3A_31 = arith.constant 0 : index
      %get3A_32 = arith.constant 0 : index
      %get3A_33 = vector.load %arg6[%get3A_30, %get3A_31, %get3A_32] : memref<1x1024x512xf32, #tpu.memory_space<vmem>>, vector<1x1024x512xf32>
      %get3A_34 = vector.shape_cast %get3A_33 : vector<1x1024x512xf32> to vector<1024x512xf32>
      %convert_element_type3A_35 = arith.truncf %get3A_34 : vector<1024x512xf32> to vector<1024x512xbf16>
      %dot_general3A_36 = arith.constant dense<0.000000e+00> : vector<128x1024xf32>
      %dot_general3A_37 = tpu.matmul %convert_element_type3A_29, %convert_element_type3A_35, %dot_general3A_36 {dimension_numbers = #tpu.dot_dimension_numbers<[1], [1], [0], [0], [0, 0, 1, 0], [], []>, transpose_lhs_hint = false} : vector<128x512xbf16>, vector<1024x512xbf16>, vector<128x1024xf32> -> vector<128x1024xf32>
      %get3A_38 = arith.constant 0 : index
      %get3A_39 = arith.constant 0 : index
      %get3A_40 = vector.load %arg8[%get3A_38, %get3A_39] : memref<128x1xf32, #tpu.memory_space<vmem>>, vector<128x1xf32>
      %mul3A_41 = vector.broadcast %get3A_40 : vector<128x1xf32> to vector<128x1024xf32>
      %mul3A_42 = arith.mulf %dot_general3A_37, %mul3A_41 : vector<128x1024xf32>
      %swap3A = arith.constant 0 : index
      %swap3A_43 = arith.constant 0 : index
      %swap3A_44 = vector.load %arg9[%swap3A, %swap3A_43] : memref<128x1024xf32, #tpu.memory_space<vmem>>, vector<128x1024xf32>
      tpu.vector_store %arg9[%swap3A, %swap3A_43], %mul3A_42 {strides = array<i32>} : memref<128x1024xf32, #tpu.memory_space<vmem>>, vector<128x1024xf32>,
    } else {
    }
    return
  }
  func.func @transform_0(%arg0: i32, %arg1: memref<48xi32, #tpu.memory_space<smem>>, %arg2: memref<48xi32, #tpu.memory_space<smem>>, %arg3: memref<48xi32, #tpu.memory_space<smem>>) -> (i32, i32) {
    %get3A = arith.index_cast %arg0 : i32 to index
    %get3A_0 = memref.load %arg2[%get3A] : memref<48xi32, #tpu.memory_space<smem>>
    %c0_i32 = arith.constant 0 : i32
    %c0_i32_1 = arith.constant 0 : i32
    return %get3A_0, %c0_i32 : i32, i32
  }
  func.func @transform_1(%arg0: i32, %arg1: memref<48xi32, #tpu.memory_space<smem>>, %arg2: memref<48xi32, #tpu.memory_space<smem>>, %arg3: memref<48xi32, #tpu.memory_space<smem>>) -> (i32, i32, i32) {
    %get3A = arith.index_cast %arg0 : i32 to index
    %get3A_0 = memref.load %arg1[%get3A] : memref<48xi32, #tpu.memory_space<smem>>
    %c0_i32 = arith.constant 0 : i32
    %c0_i32_1 = arith.constant 0 : i32
    %c0_i32_2 = arith.constant 0 : i32
    return %get3A_0, %c0_i32, %c0_i32_1 : i32, i32, i32
  }
  func.func @transform_2(%arg0: i32, %arg1: memref<48xi32, #tpu.memory_space<smem>>, %arg2: memref<48xi32, #tpu.memory_space<smem>>, %arg3: memref<48xi32, #tpu.memory_space<smem>>) -> (i32, i32, i32) {
    %get3A = arith.index_cast %arg0 : i32 to index
    %get3A_0 = memref.load %arg1[%get3A] : memref<48xi32, #tpu.memory_space<smem>>
    %c0_i32 = arith.constant 0 : i32
    %c0_i32_1 = arith.constant 0 : i32
    %c0_i32_2 = arith.constant 0 : i32
    return %get3A_0, %c0_i32, %c0_i32_1 : i32, i32, i32
  }
  func.func @transform_3(%arg0: i32, %arg1: memref<48xi32, #tpu.memory_space<smem>>, %arg2: memref<48xi32, #tpu.memory_space<smem>>, %arg3: memref<48xi32, #tpu.memory_space<smem>>) -> (i32, i32, i32) {
    %get3A = arith.index_cast %arg0 : i32 to index
    %get3A_0 = memref.load %arg1[%get3A] : memref<48xi32, #tpu.memory_space<smem>>
    %c0_i32 = arith.constant 0 : i32
    %c0_i32_1 = arith.constant 0 : i32
    %c0_i32_2 = arith.constant 0 : i32
    return %get3A_0, %c0_i32, %c0_i32_1 : i32, i32, i32
  }
  func.func @transform_4(%arg0: i32, %arg1: memref<48xi32, #tpu.memory_space<smem>>, %arg2: memref<48xi32, #tpu.memory_space<smem>>, %arg3: memref<48xi32, #tpu.memory_space<smem>>) -> (i32, i32) {
    %get3A = arith.index_cast %arg0 : i32 to index
    %get3A_0 = memref.load %arg2[%get3A] : memref<48xi32, #tpu.memory_space<smem>>
    %c0_i32 = arith.constant 0 : i32
    %c0_i32_1 = arith.constant 0 : i32
    return %get3A_0, %c0_i32 : i32, i32
  }
  func.func @transform_5(%arg0: i32, %arg1: memref<48xi32, #tpu.memory_space<smem>>, %arg2: memref<48xi32, #tpu.memory_space<smem>>, %arg3: memref<48xi32, #tpu.memory_space<smem>>) -> (i32, i32) {
    %c0_i32 = arith.constant 0 : i32
    %c0_i32_0 = arith.constant 0 : i32
    return %arg0, %c0_i32 : i32, i32
  }
}

module attributes {stable_mosaic.version = 14 : i64} {
  func.func @_final_add(%arg0: i32, %arg1: memref<512x1024xf32, #tpu.memory_space<vmem>>, %arg2: memref<512x1024xf32, #tpu.memory_space<vmem>>, %arg3: memref<512x1024xf32, #tpu.memory_space<vmem>>, %arg4: memref<512x1024xf32, #tpu.memory_space<vmem>>) attributes {dimension_semantics = [#tpu.dimension_semantics<arbitrary>], iteration_bounds = array<i64: 4>, scalar_prefetch = 0 : i64, scratch_operands = 0 : i64, tpu.core_type = #tpu.core_type<tc>, window_params = [{transform_indices = @transform_0, window_bounds = array<i64: 512, 1024>}, {transform_indices = @transform_1, window_bounds = array<i64: 512, 1024>}, {transform_indices = @transform_2, window_bounds = array<i64: 512, 1024>}, {transform_indices = @transform_3, window_bounds = array<i64: 512, 1024>}]} {
    %get3A = arith.constant 0 : index
    %get3A_0 = arith.constant 0 : index
    %get3A_1 = vector.load %arg2[%get3A, %get3A_0] : memref<512x1024xf32, #tpu.memory_space<vmem>>, vector<512x1024xf32>
    %get3A_2 = arith.constant 0 : index
    %get3A_3 = arith.constant 0 : index
    %get3A_4 = vector.load %arg3[%get3A_2, %get3A_3] : memref<512x1024xf32, #tpu.memory_space<vmem>>, vector<512x1024xf32>
    %add3A = arith.addf %get3A_1, %get3A_4 : vector<512x1024xf32>
    %get3A_5 = arith.constant 0 : index
    %get3A_6 = arith.constant 0 : index
    %get3A_7 = vector.load %arg1[%get3A_5, %get3A_6] : memref<512x1024xf32, #tpu.memory_space<vmem>>, vector<512x1024xf32>
    %add3A_8 = arith.addf %add3A, %get3A_7 : vector<512x1024xf32>
    %swap3A = arith.constant 0 : index
    %swap3A_9 = arith.constant 0 : index
    %swap3A_10 = vector.load %arg4[%swap3A, %swap3A_9] : memref<512x1024xf32, #tpu.memory_space<vmem>>, vector<512x1024xf32>
    tpu.vector_store %arg4[%swap3A, %swap3A_9], %add3A_8 {strides = array<i32>} : memref<512x1024xf32, #tpu.memory_space<vmem>>, vector<512x1024xf32>,
    return
  }
  func.func @transform_0(%arg0: i32) -> (i32, i32) {
    %c0_i32 = arith.constant 0 : i32
    %c0_i32_0 = arith.constant 0 : i32
    return %arg0, %c0_i32 : i32, i32
  }
  func.func @transform_1(%arg0: i32) -> (i32, i32) {
    %c0_i32 = arith.constant 0 : i32
    %c0_i32_0 = arith.constant 0 : i32
    return %arg0, %c0_i32 : i32, i32
  }
  func.func @transform_2(%arg0: i32) -> (i32, i32) {
    %c0_i32 = arith.constant 0 : i32
    %c0_i32_0 = arith.constant 0 : i32
    return %arg0, %c0_i32 : i32, i32
  }
  func.func @transform_3(%arg0: i32) -> (i32, i32) {
    %c0_i32 = arith.constant 0 : i32
    %c0_i32_0 = arith.constant 0 : i32
    return %arg0, %c0_i32 : i32, i32
  }
}

</mosaic_0001>

<sc_bundles>
// kernel: kernel.11.cloned.1.call-start
scs
__scs_entry_jumppad:
0x0: {  	(pc) =	sbr.rel $0x88, $3  }
0x1: {  	(tag) =	ssettag $0x0;
	lr =	simm.s32 $0x1  }
0x2: {  	[smem:$0x3F98] =	sst lr;
	_ =	strace $0xD0000000  }
0x3: {  	_ = 	snop  }
0x4: {  	_ = 	snop  }
0x5: {  	_ = 	snop  }
0x6: {  	_ = 	snop  }
0x7: {  	_ = 	snop  }
__scs_overlays_trampoline_lowered:
0x8: {  	[smem:$0x3FA7] =	sst s0  }
0x9: {  	[smem:$0x3FA8] =	sst s1  }
0xa: {  	[smem:$0x3FA9] =	sst s2  }
0xb: {  	[smem:$0x3FAA] =	sst s3  }
0xc: {  	[smem:$0x3FAB] =	sst s4  }
0xd: {  	[smem:$0x3FAC] =	sst s5  }
0xe: {  	[smem:$0x3FAD] =	sst s6  }
0xf: {  	[smem:$0x3FAE] =	sst s7  }
0x10: {  	[smem:$0x3FAF] =	sst s8  }
0x11: {  	[smem:$0x3FB0] =	sst s9;
	s0 =	simm.s32 @!p0 $0x0  }
0x12: {  	s1 =	sld [smem:$0x3F96];
	s0 =	simm.s32 @p0 $0x1  }
0x13: {  	[smem:$0x3FB1] =	sst s0;
	s0 =	simm.s32 @!p1 $0x0  }
0x14: {  	s2 =	sld [smem:$0x3F95];
	s0 =	simm.s32 @p1 $0x1  }
0x15: {  	[smem:$0x3FB2] =	sst s0;
	s0 =	simm.s32 @!p2 $0x0  }
0x16: {  	s3 =	sld [smem:$0x3FDB];
	s0 =	simm.s32 @p2 $0x1  }
0x17: {  	s4 =	simm.s32 $0x1BF5;
	[smem:$0x3FB4] =	sst s0  }
0x18: {  	s0 =	sld [smem:$0x3F97];
	_ =	swait.ge [sflag:s4], $0x0  }
0x19: {  	s7 =	sld [smem:$0x3F98]  }
0x1a: {  	s8 =	sadd.s32 $0xFFFFE003, lr  }
0x1b: {  	s9 =	sadd.s32 $0xFFFFFEF7, lr;
	s5 =	simm.s32 $0xFFFFFFFF;
	p2 =	slt.u32 s8, $0xFFFFF086  }
0x1c: {  	p1 =	slt.u32 s9, $0xF7A;
	s5 =	simm.s32 @!p2 $0x0  }
0x1d: {  	s5 =	simm.s32 @p1 $0x1;
	p0 =	seq.s32 s7, s2  }
0x1e: {  	s7 =	smul.u32 @!p0 $0xF7A, s2;
	p2 =	seq.s32 @!p0 s5, $0x0  }
0x1f: {  	s9 =	smul.u32 $0xF7A, s1;
	s8 =	simm.s32 @!p0 $0x1BF5;
	p2 =	por !p2, p0  }
0x20: {  	[sflag:s8] =	ssyncset.s32 @!p0 $0xFFFFF086;
	s6 =	sadd.s32 @!p0 s3, s7;
	s7 =	simm.s32 @!p0 $0x108  }
0x21: {  	s3 =	sadd.s32 s3, s9;
	s6 =	sadd.s32 @!p0 $0x88, s6;
	s7 =	simm.s32 @p2 $0x1082  }
0x22: {  	[simem:s7], [sflag:s8] =	dma.local @!p0 [hbm:s6], $0xF7A  }
0x23: {  	s9 =	sor.u32 $0xD0000000, s2;
	s6 =	simm.s32 $0x108;
	_ =	swait.ge @!p0 [sflag:s8], $0x0  }
0x24: {  	s3 =	sadd.s32 $0x88, s3;
	s6 =	simm.s32 @!p1 $0x1082;
	[sflag:s4] =	ssyncset.s32 $0xFFFFF086  }
0x25: {  	[simem:s6], [sflag:s4] =	dma.local [hbm:s3], $0xF7A  }
0x26: {  	[smem:$0x3F98] =	sst s1;
	(tag) =	ssettag s2;
	_ =	strace s9  }
0x27: {  	s1 =	sld [smem:$0x3FA8]  }
0x28: {  	s2 =	sld [smem:$0x3FA9]  }
0x29: {  	s4 =	sld [smem:$0x3FAB]  }
0x2a: {  	p0 =	seq.s32 s5, $0x0;
	s5 =	sld [smem:$0x3FAC]  }
0x2b: {  	s6 =	sld [smem:$0x3FAD]  }
0x2c: {  	s7 =	sld [smem:$0x3FAE]  }
0x2d: {  	s3 =	simm.s32 $0x108;
	s8 =	sld [smem:$0x3FAF]  }
0x2e: {  	s3 =	simm.s32 @!p0 $0x1082;
	s9 =	sld [smem:$0x3FB0]  }
0x2f: {  	lr =	sadd.s32 s0, s3;
	s0 =	sld [smem:$0x3FA7]  }
0x30: {  	s3 =	sld [smem:$0x3FAA]  }
0x31: {  	[smem:$0x3FB3] =	sst s10  }
0x32: {  	s10 =	sld [smem:$0x3FB1];
	_ =	sdelay $0x3  }
0x33: {  	p0 =	seq.s32 s10, $0x1;
	s10 =	sld [smem:$0x3FB3];
	_ =	sdelay $0x3  }
0x34: {  	[smem:$0x3FB3] =	sst s10  }
0x35: {  	s10 =	sld [smem:$0x3FB2];
	_ =	sdelay $0x3  }
0x36: {  	p1 =	seq.s32 s10, $0x1;
	s10 =	sld [smem:$0x3FB3];
	_ =	sdelay $0x3  }
0x37: {  	[smem:$0x3FB3] =	sst s10  }
0x38: {  	s10 =	sld [smem:$0x3FB4]  }
0x39: {  	_ = 	snop;
	(pc) =	sbr.ind lr, $3  }
0x3a: {  	_ = 	snop  }
0x3b: {  	_ = 	snop  }
0x3c: {  	p2 =	seq.s32 s10, $0x1;
	s10 =	sld [smem:$0x3FB3]  }
0x3d: {  	_ =	shalt  }
0x3e: {  	_ =	shalt  }
0x3f: {  	_ =	shalt  }
0x40: {  	_ =	shalt  }
0x41: {  	_ =	shalt  }
0x42: {  	_ =	shalt  }
0x43: {  	_ =	shalt  }
0x44: {  	_ =	shalt  }
0x45: {  	_ =	shalt  }
0x46: {  	_ =	shalt  }
0x47: {  	_ =	shalt  }
0x48: {  	_ =	shalt  }
0x49: {  	_ =	shalt  }
0x4a: {  	_ =	shalt  }
0x4b: {  	_ =	shalt  }
0x4c: {  	_ =	shalt  }
0x4d: {  	_ =	shalt  }
0x4e: {  	_ =	shalt  }
0x4f: {  	_ =	shalt  }
0x50: {  	_ =	shalt  }
0x51: {  	_ =	shalt  }
0x52: {  	_ =	shalt  }
0x53: {  	_ =	shalt  }
0x54: {  	_ =	shalt  }
0x55: {  	_ =	shalt  }
0x56: {  	_ =	shalt  }
0x57: {  	_ =	shalt  }
0x58: {  	_ =	shalt  }
0x59: {  	_ =	shalt  }
0x5a: {  	_ =	shalt  }
0x5b: {  	_ =	shalt  }
0x5c: {  	_ =	shalt  }
0x5d: {  	_ =	shalt  }
0x5e: {  	_ =	shalt  }
0x5f: {  	_ =	shalt  }
0x60: {  	_ =	shalt  }
0x61: {  	_ =	shalt  }
0x62: {  	_ =	shalt  }
0x63: {  	_ =	shalt  }
0x64: {  	_ =	shalt  }
0x65: {  	_ =	shalt  }
0x66: {  	_ =	shalt  }
0x67: {  	_ =	shalt  }
0x68: {  	_ =	shalt  }
0x69: {  	_ =	shalt  }
0x6a: {  	_ =	shalt  }
0x6b: {  	_ =	shalt  }
0x6c: {  	_ =	shalt  }
0x6d: {  	_ =	shalt  }
0x6e: {  	_ =	shalt  }
0x6f: {  	_ =	shalt  }
0x70: {  	_ =	shalt  }
0x71: {  	_ =	shalt  }
0x72: {  	_ =	shalt  }
0x73: {  	_ =	shalt  }
0x74: {  	_ =	shalt  }
0x75: {  	_ =	shalt  }
0x76: {  	_ =	shalt  }
0x77: {  	_ =	shalt  }
0x78: {  	_ =	shalt  }
0x79: {  	_ =	shalt  }
0x7a: {  	_ =	shalt  }
0x7b: {  	_ =	shalt  }
0x7c: {  	_ =	shalt  }
0x7d: {  	_ =	shalt  }
0x7e: {  	_ =	shalt  }
0x7f: {  	_ =	shalt  }
0x80: {  	_ =	shalt  }
0x81: {  	_ =	shalt  }
0x82: {  	_ =	shalt  }
0x83: {  	_ =	shalt  }
0x84: {  	_ =	shalt  }
0x85: {  	_ =	shalt  }
0x86: {  	_ =	shalt  }
0x87: {  	_ =	shalt  }
.Lfunc_end0:
.L_simem_size_0:
called_computation.1_lowered:
.L_overlay_start_0:
0x88: {  	s2 =	sld [smem:$0x3FD9]  }
0x89: {  	s3 =	sld [smem:$0x3FFE];
	_ =	sdelay $0x1  }
0x8a: {  	s1 =	srdreg.scid  }
0x8b: {  	s0 =	sand.u32 $0x1, s1  }
0x8c: {  	s17 =	sshll.u32 s0, $0xA;
	s2 =	sadd.s32 s3, s2  }
0x8d: {  	s2 =	sadd.s32 s2, s17  }
0x8e: {  	[smem:$0x3FBF] =	sst s2  }
0x8f: {  	_ = 	snop  }
0x90: {  	s2 =	sld [smem:$0x3FD0];
	(tm) =	ssettm $0x1  }
0x91: {  	s18 =	sld [smem:$0x3FFB];
	_ =	sdelay $0x3  }
0x92: {  	_ =	strace s18  }
0x93: {  	s3 =	sld [smem:$0x3FFC];
	_ =	sdelay $0x3  }
0x94: {  	_ =	strace s3  }
0x95: {  	s3 =	sld [smem:$0x3FFD];
	_ =	sdelay $0x3  }
0x96: {  	_ =	strace s3  }
0x97: {  	_ =	strace $0x8FFFFFFF  }
0x98: {  	s19 =	sld [smem:$0x3FDB];
	_ =	sdelay $0x1  }
0x99: {  	s4 =	simm.s32 $_scs_section_size  }
0x9a: {  	s5 =	simm.s32 $_size__tile_overlayer_lowered;
	s6 =	simm.s32 $_tile_overlayer_lowered  }
0x9b: {  	s22 =	simm.s32 $0x1BFF;
	s21 =	sshll.u32 s6, $0x1;
	s3 =	sadd.s32 s4, s19  }
0x9c: {  	s7 =	simm.s32 $0x0;
	s20 =	sshll.u32 s5, $0x1;
	s5 =	sadd.s32 s21, s3  }
0x9d: {  	[timem:s7], [sflag:s22] =	dma.local [hbm:s5], s20  }
0x9e: {  	_ =	swait.ge [sflag:s22], s20  }
0x9f: {  	s4 =	ssub.s32 $0x0, s20;
	[sflag:s22] =	ssyncset.done $0x0  }
0xa0: {  	[sflag:s22] =	ssyncadd.s32 s4;
	_ =	sdelay $0x1  }
0xa1: {  	s23 =	simm.s32 $0x1B8B  }
0xa2: {  	_ =	swait.ge [sflag:s23], $0x1  }
0xa3: {  	[sflag:s23] =	ssyncset.done $0x0  }
0xa4: {  	s25 =	simm.s32 $0x1B8E;
	s24 =	sld [smem:$0x3FFE];
	[sflag:s23] =	ssyncadd.s32 $0xFFFFFFFF  }
0xa5: {  	s26 =	simm.s32 $execute0_lowered;
	[smem:$0x3FD2] =	sst s25  }
0xa6: {  	s5 =	sshll.u32 s26, $0x1;
	_ =	strace $0x80000049;
	[dreg:$0x1] =	wrdreg $0xFFFFFFFF  }
0xa7: {  	s28 =	simm.s32 $_size_execute0_lowered;
	s3 =	sadd.s32 s3, s5;
	[dreg:$0x0] =	wrdreg $0x0  }
0xa8: {  	s5 =	sshll.u32 s28, $0x1;
	[dreg:$0x2] =	wrdreg s3  }
0xa9: {  	[dreg:$0x3] =	wrdreg s5  }
0xaa: {  	[dreg:$0x4] =	wrdreg $0xC0  }
0xab: {  	_ =	task [dreg:s7], $0x5FFFF  }
0xac: {  	[dreg:$0x1] =	wrdreg $0xFFFFFFFF  }
0xad: {  	[dreg:$0x0] =	wrdreg $0x60  }
0xae: {  	[dreg:$0x2] =	wrdreg s24  }
0xaf: {  	[dreg:$0x3] =	wrdreg s2  }
0xb0: {  	[dreg:$0x4] =	wrdreg $0x9  }
0xb1: {  	_ =	task.clear_ibuf [dreg:s7], $0x5FFFF;
	_ =	strace $0x90000049  }
0xb2: {  	s29 =	simm.s32 $0x9;
	_ =	strace $0x8000004B  }
0xb3: {  	_ =	swait.ge [sflag:s29], $0x1  }
0xb4: {  	[sflag:s29] =	ssyncadd.s32 $0xFFFFFFFF  }
0xb5: {  	_ =	strace $0x9000004B  }
0xb6: {  	_ =	sfence  }
0xb7: {  	s30 =	sld [smem:$0x0];
	_ =	sdelay $0x2  }
0xb8: {  	s31 =	sshll.u32 s1, $0xD;
	s1 =	sshrl.u32 s1, $0x2  }
0xb9: {  	s3 =	sand.u32 $0x4000, s31;
	s1 =	sadd.s32 s1, s30  }
0xba: {  	s0 =	sor.u32 s3, s0;
	s1 =	sshll.u32 s1, $0x11  }
0xbb: {  	s0 =	sor.u32 s1, s0  }
0xbc: {  	s0 =	sadd.s32 $0x8F2B, s0  }
0xbd: {  	[sflag:s0] =	ssyncadd.remote.s32 $0x1  }
0xbe: {  	_ =	sfence.sel $0xFFFF  }
0xbf: {  	[dreg:$0x0] =	wrdreg $0xFFFFFFFF;
	(pc) =	sbr.abs _section_cstart, $3  }
0xc0: {  	[dreg:$0x1] =	wrdreg $0xFFFFFFFF  }
0xc1: {  	_ =	task.clear_ibuf [dreg:s7], $0x2FFFF;
	_ =	strace $0x9FFFFFFF  }
0xc2: {  	(tm) =	ssettm $0x7FFFFFFF  }
0xc3: {  	_ =	shalt  }
tec
execute0_lowered:
.L_overlay_start_1:
0x0: {  	(tag) =	ssettag $0x1  }
0x1: {  	s0 =	rddreg [dreg:$0x0]  }
0x2: {  	s1 =	rddreg [dreg:$0x1]  }
0x3: {  	s2 =	srdreg.scid;
	s3 =	stileid.u32;
	s26 =	simm.s32 $0x40  }
0x4: {  	s19 =	simm.s32 $0x1;
	s20 =	simm.s32 $0x3;
	s21 =	simm.s32 $0x2  }
0x5: {  	s28 =	simm.s32 $0x1880;
	s29 =	simm.s32 $0x2080;
	s30 =	simm.s32 $0x2880  }
0x6: {  	s31 =	simm.s32 $0x3080;
	s11 =	simm.s32 $0x5080;
	s12 =	simm.s32 $0x5880  }
0x7: {  	s13 =	simm.s32 $0x6080;
	s14 =	simm.s32 $0x6880;
	s15 =	simm.s32 $0x7080  }
0x8: {  	s16 =	simm.s32 $0x7880;
	s17 =	simm.s32 $0x8880;
	s18 =	simm.s32 $0x9080  }
0x9: {  	s10 =	simm.s32 $0x9880;
	s4 =	sand.u32 $0x1, s2;
	s2 =	simm.s32 $0x0  }
0xa: {  	s3 =	sshll.u32 s3, $0x7;
	s7 =	sadd.s32 $0x400, s0;
	s5 =	sshll.u32 s4, $0x6  }
0xb: {  	[smem:$0x7FF] =	sst s2;
	s4 =	ssub.s32 $0x2, s4;
	s5 =	sor.u32 s5, s3  }
0xc: {  	_ =	strace $0x8000004A;
	s3 =	sadd.s32 $0xC0A00, s0;
	s22 =	sshrl.u32 s4, $0x1  }
0xd: {  	[dreg:$0x8] =	wrdreg s26;
	s26 =	simm.s32 $0x80;
	s6 =	sshrl.u32 s5, $0x3  }
0xe: {  	s9 =	sshll.u32 s5, $0x7;
	s4 =	ssub.s32 s4, s22;
	s8 =	sadd.s32 s0, s6  }
0xf: {  	s22 =	simm.s32 $0x4;
	s5 =	sadd.s32 s1, s9;
	[dreg:$0x9] =	wrdreg s8  }
0x10: {  	s23 =	sor.u32 $0x1000, s9;
	s24 =	sadd.s32 s7, s9;
	[dreg:$0x4] =	wrdreg s5  }
0x11: {  	s6 =	sadd.s32 $0xC0C00, s0;
	s8 =	sadd.s32 $0x200, s8;
	[dreg:$0x6] =	wrdreg s24  }
0x12: {  	s9 =	simm.s32 $0x8080;
	s1 =	sadd.s32 s1, s23;
	[dreg:$0x3] =	wrdreg s8  }
0x13: {  	v2 =	vlaneseq.u32;
	s5 =	sadd.s32 $0xC0B00, s0;
	s25 =	sadd.s32 s7, s23;
	[dreg:$0x5] =	wrdreg s1  }
0x14: {  	vm0 =	vmmov $0xffff;
	v1 =	vshrl.u32 v2, $0x3;
	s7 =	sadd.s32 $0xC0D00, s0;
	[dreg:$0x7] =	wrdreg s25;
	s8 =	smax.u32 s4, $0x1  }
0x15: {  	v0 =	vand.u32 $0x7, v2;
	v2 =	vor.u32 $0x8, v2;
	v1 =	vmul.u32 $0x8, v1;
	s25 =	simm.s32 $0x1080;
	s1 =	simm.s32 $0x4080;
	s4 =	simm.s32 $0x4880  }
.LBB2_1:
0x16: {  	s23 =	rddreg [dreg:$0x9];
	s0 =	simm.s32 $0x5  }
0x17: {  	[tilespmem:s2], [sflag:$0x5] =	stream.linear.gather [hbm4b:s23+s2], $0x40, $0x38;
	[tilespmem:$0x10080] =	vst v63  }
0x18: {  	_ =	swait.ge [sflag:s0], $0x40  }
0x19: {  	s23 =	rddreg [dreg:$0x3];
	[sflag:s0] =	ssyncset.done $0x0  }
0x1a: {  	s24 =	rddreg [dreg:$0x8];
	[sflag:s0] =	ssyncadd.s32 $0xFFFFFFC0  }
0x1b: {  	[tilespmem:s24], [sflag:$0x5] =	stream.linear.gather [hbm4b:s23+s2], $0x40, $0x38;
	[tilespmem:$0x10080] =	vst v63  }
0x1c: {  	_ =	swait.ge [sflag:s0], $0x40  }
0x1d: {  	[sflag:s0] =	ssyncset.done $0x0  }
0x1e: {  	[sflag:s0] =	ssyncadd.s32 $0xFFFFFFC0  }
0x1f: {  	v3 =	vld [tilespmem:$0x0];
	_ =	sdelay $0x4  }
0x20: {  	v4 =	vshll.u32 v3, $0x3  }
0x21: {  	v3 =	vand.u32 $0x7, v3;
	v4 =	vand.u32 $0xFFFFFFC0, v4  }
0x22: {  	v3 =	vor.u32 v3, v4  }
0x23: {  	v4 =	vperm.xlane v3, v0;
	_ =	sdelay $0x1  }
0x24: {  	v4 =	vadd.s32 v1, v4;
	_ =	sdelay $0x4  }
0x25: {  	[tilespmem:s26], [sflag:$0x1] =	stream.indirect_vreg.gather [hbm4b:s3+s2], $0x80, v4, vm0, $0xb8;
	[tilespmem:$0x10080] =	vst v63  }
0x26: {  	s24 =	simm.s32 $0x880;
	v3 =	vperm.xlane v3, v2  }
0x27: {  	[tilespmem:s24], [sflag:$0x1] =	stream.indirect_vreg.gather [hbm4b:s5+s2], $0x80, v4, vm0, $0xb8;
	[tilespmem:$0x10080] =	vst v63  }
0x28: {  	v3 =	vadd.s32 v1, v3  }
0x29: {  	[tilespmem:s25], [sflag:$0x1] =	stream.indirect_vreg.gather [hbm4b:s6+s2], $0x80, v4, vm0, $0xb8;
	[tilespmem:$0x10080] =	vst v63  }
0x2a: {  	_ = 	snop  }
0x2b: {  	[tilespmem:s28], [sflag:$0x1] =	stream.indirect_vreg.gather [hbm4b:s7+s2], $0x80, v4, vm0, $0xb8;
	[tilespmem:$0x10080] =	vst v63  }
0x2c: {  	_ = 	snop  }
0x2d: {  	[tilespmem:s29], [sflag:$0x1] =	stream.indirect_vreg.gather [hbm4b:s3+s2], $0x80, v3, vm0, $0xb8;
	[tilespmem:$0x10080] =	vst v63  }
0x2e: {  	_ = 	snop  }
0x2f: {  	[tilespmem:s30], [sflag:$0x1] =	stream.indirect_vreg.gather [hbm4b:s5+s2], $0x80, v3, vm0, $0xb8;
	[tilespmem:$0x10080] =	vst v63  }
0x30: {  	_ = 	snop  }
0x31: {  	[tilespmem:s31], [sflag:$0x1] =	stream.indirect_vreg.gather [hbm4b:s6+s2], $0x80, v3, vm0, $0xb8;
	[tilespmem:$0x10080] =	vst v63  }
0x32: {  	s0 =	simm.s32 $0x3880  }
0x33: {  	[tilespmem:s0], [sflag:$0x1] =	stream.indirect_vreg.gather [hbm4b:s7+s2], $0x80, v3, vm0, $0xb8;
	[tilespmem:$0x10080] =	vst v63  }
0x34: {  	v3 =	vld [tilespmem:$0x10];
	_ =	sdelay $0x4  }
0x35: {  	v57 =	vshll.u32 v3, $0x3  }
0x36: {  	v3 =	vand.u32 $0x7, v3;
	v4 =	vand.u32 $0xFFFFFFC0, v57  }
0x37: {  	v3 =	vor.u32 v3, v4  }
0x38: {  	v4 =	vperm.xlane v3, v0;
	_ =	sdelay $0x1  }
0x39: {  	v4 =	vadd.s32 v1, v4;
	_ =	sdelay $0x4  }
0x3a: {  	[tilespmem:s1], [sflag:$0x1] =	stream.indirect_vreg.gather [hbm4b:s3+s2], $0x80, v4, vm0, $0xb8;
	[tilespmem:$0x10080] =	vst v63  }
0x3b: {  	v3 =	vperm.xlane v3, v2  }
0x3c: {  	[tilespmem:s4], [sflag:$0x1] =	stream.indirect_vreg.gather [hbm4b:s5+s2], $0x80, v4, vm0, $0xb8;
	[tilespmem:$0x10080] =	vst v63  }
0x3d: {  	v3 =	vadd.s32 v1, v3  }
0x3e: {  	[tilespmem:s11], [sflag:$0x1] =	stream.indirect_vreg.gather [hbm4b:s6+s2], $0x80, v4, vm0, $0xb8;
	[tilespmem:$0x10080] =	vst v63  }
0x3f: {  	_ = 	snop  }
0x40: {  	[tilespmem:s12], [sflag:$0x1] =	stream.indirect_vreg.gather [hbm4b:s7+s2], $0x80, v4, vm0, $0xb8;
	[tilespmem:$0x10080] =	vst v63  }
0x41: {  	_ = 	snop  }
0x42: {  	[tilespmem:s13], [sflag:$0x1] =	stream.indirect_vreg.gather [hbm4b:s3+s2], $0x80, v3, vm0, $0xb8;
	[tilespmem:$0x10080] =	vst v63  }
0x43: {  	_ = 	snop  }
0x44: {  	[tilespmem:s14], [sflag:$0x1] =	stream.indirect_vreg.gather [hbm4b:s5+s2], $0x80, v3, vm0, $0xb8;
	[tilespmem:$0x10080] =	vst v63  }
0x45: {  	_ = 	snop  }
0x46: {  	[tilespmem:s15], [sflag:$0x1] =	stream.indirect_vreg.gather [hbm4b:s6+s2], $0x80, v3, vm0, $0xb8;
	[tilespmem:$0x10080] =	vst v63  }
0x47: {  	_ = 	snop  }
0x48: {  	[tilespmem:s16], [sflag:$0x1] =	stream.indirect_vreg.gather [hbm4b:s7+s2], $0x80, v3, vm0, $0xb8;
	[tilespmem:$0x10080] =	vst v63  }
0x49: {  	v3 =	vld [tilespmem:$0x20];
	_ =	sdelay $0x4  }
0x4a: {  	v58 =	vshll.u32 v3, $0x3  }
0x4b: {  	v3 =	vand.u32 $0x7, v3;
	v4 =	vand.u32 $0xFFFFFFC0, v58  }
0x4c: {  	v3 =	vor.u32 v3, v4  }
0x4d: {  	v4 =	vperm.xlane v3, v0;
	_ =	sdelay $0x1  }
0x4e: {  	v4 =	vadd.s32 v1, v4;
	_ =	sdelay $0x4  }
0x4f: {  	[tilespmem:s9], [sflag:$0x2] =	stream.indirect_vreg.gather [hbm4b:s3+s2], $0x80, v4, vm0, $0xb8;
	[tilespmem:$0x10080] =	vst v63  }
0x50: {  	v3 =	vperm.xlane v3, v2  }
0x51: {  	[tilespmem:s17], [sflag:$0x2] =	stream.indirect_vreg.gather [hbm4b:s5+s2], $0x80, v4, vm0, $0xb8;
	[tilespmem:$0x10080] =	vst v63  }
0x52: {  	v3 =	vadd.s32 v1, v3  }
0x53: {  	[tilespmem:s18], [sflag:$0x2] =	stream.indirect_vreg.gather [hbm4b:s6+s2], $0x80, v4, vm0, $0xb8;
	[tilespmem:$0x10080] =	vst v63  }
0x54: {  	_ = 	snop  }
0x55: {  	[tilespmem:s10], [sflag:$0x2] =	stream.indirect_vreg.gather [hbm4b:s7+s2], $0x80, v4, vm0, $0xb8;
	[tilespmem:$0x10080] =	vst v63  }
0x56: {  	s23 =	simm.s32 $0xA080  }
0x57: {  	[tilespmem:s23], [sflag:$0x2] =	stream.indirect_vreg.gather [hbm4b:s3+s2], $0x80, v3, vm0, $0xb8;
	[tilespmem:$0x10080] =	vst v63  }
0x58: {  	s23 =	simm.s32 $0xA880  }
0x59: {  	[tilespmem:s23], [sflag:$0x2] =	stream.indirect_vreg.gather [hbm4b:s5+s2], $0x80, v3, vm0, $0xb8;
	[tilespmem:$0x10080] =	vst v63  }
0x5a: {  	s23 =	simm.s32 $0xB080  }
0x5b: {  	[tilespmem:s23], [sflag:$0x2] =	stream.indirect_vreg.gather [hbm4b:s6+s2], $0x80, v3, vm0, $0xb8;
	[tilespmem:$0x10080] =	vst v63  }
0x5c: {  	s23 =	simm.s32 $0xB880  }
0x5d: {  	[tilespmem:s23], [sflag:$0x2] =	stream.indirect_vreg.gather [hbm4b:s7+s2], $0x80, v3, vm0, $0xb8;
	[tilespmem:$0x10080] =	vst v63  }
0x5e: {  	v3 =	vld [tilespmem:$0x30];
	_ =	sdelay $0x4  }
0x5f: {  	v59 =	vshll.u32 v3, $0x3  }
0x60: {  	v3 =	vand.u32 $0x7, v3;
	v4 =	vand.u32 $0xFFFFFFC0, v59  }
0x61: {  	v3 =	vor.u32 v3, v4  }
0x62: {  	v4 =	vperm.xlane v3, v0;
	_ =	sdelay $0x1  }
0x63: {  	v4 =	vadd.s32 v1, v4;
	_ =	sdelay $0x3  }
0x64: {  	s23 =	simm.s32 $0xC080  }
0x65: {  	[tilespmem:s23], [sflag:$0x2] =	stream.indirect_vreg.gather [hbm4b:s3+s2], $0x80, v4, vm0, $0xb8;
	[tilespmem:$0x10080] =	vst v63  }
0x66: {  	v3 =	vperm.xlane v3, v2;
	s23 =	simm.s32 $0xC880  }
0x67: {  	[tilespmem:s23], [sflag:$0x2] =	stream.indirect_vreg.gather [hbm4b:s5+s2], $0x80, v4, vm0, $0xb8;
	[tilespmem:$0x10080] =	vst v63  }
0x68: {  	v3 =	vadd.s32 v1, v3;
	s23 =	simm.s32 $0xD080  }
0x69: {  	[tilespmem:s23], [sflag:$0x2] =	stream.indirect_vreg.gather [hbm4b:s6+s2], $0x80, v4, vm0, $0xb8;
	[tilespmem:$0x10080] =	vst v63  }
0x6a: {  	s23 =	simm.s32 $0xD880  }
0x6b: {  	[tilespmem:s23], [sflag:$0x2] =	stream.indirect_vreg.gather [hbm4b:s7+s2], $0x80, v4, vm0, $0xb8;
	[tilespmem:$0x10080] =	vst v63  }
0x6c: {  	s23 =	simm.s32 $0xE080  }
0x6d: {  	[tilespmem:s23], [sflag:$0x2] =	stream.indirect_vreg.gather [hbm4b:s3+s2], $0x80, v3, vm0, $0xb8;
	[tilespmem:$0x10080] =	vst v63  }
0x6e: {  	s23 =	simm.s32 $0xE880  }
0x6f: {  	[tilespmem:s23], [sflag:$0x2] =	stream.indirect_vreg.gather [hbm4b:s5+s2], $0x80, v3, vm0, $0xb8;
	[tilespmem:$0x10080] =	vst v63  }
0x70: {  	s23 =	simm.s32 $0xF080  }
0x71: {  	[tilespmem:s23], [sflag:$0x2] =	stream.indirect_vreg.gather [hbm4b:s6+s2], $0x80, v3, vm0, $0xb8;
	[tilespmem:$0x10080] =	vst v63  }
0x72: {  	s23 =	simm.s32 $0xF880  }
0x73: {  	[tilespmem:s23], [sflag:$0x2] =	stream.indirect_vreg.gather [hbm4b:s7+s2], $0x80, v3, vm0, $0xb8;
	[tilespmem:$0x10080] =	vst v63  }
0x74: {  	_ =	swait.ge [sflag:s19], $0x8000  }
0x75: {  	[sflag:s19] =	ssyncset.done $0x0  }
0x76: {  	s23 =	rddreg [dreg:$0x4];
	[sflag:s19] =	ssyncadd.s32 $0xFFFF8000  }
0x77: {  	[hbm4b:s23+s2] =	stream.linear.scatter [tilespmem:s26], [sflag:$0x3], $0x8000, $0x38;
	[tilespmem:$0x10080] =	vst v63  }
0x78: {  	_ =	swait.ge [sflag:s20], $0x8000  }
0x79: {  	[sflag:s20] =	ssyncset.done $0x0  }
0x7a: {  	[sflag:s20] =	ssyncadd.s32 $0xFFFF8000  }
0x7b: {  	v3 =	vld [tilespmem:$0x40];
	_ =	sdelay $0x4  }
0x7c: {  	v60 =	vshll.u32 v3, $0x3  }
0x7d: {  	v3 =	vand.u32 $0x7, v3;
	v4 =	vand.u32 $0xFFFFFFC0, v60  }
0x7e: {  	v3 =	vor.u32 v3, v4  }
0x7f: {  	v4 =	vperm.xlane v3, v0;
	_ =	sdelay $0x1  }
0x80: {  	v4 =	vadd.s32 v1, v4;
	_ =	sdelay $0x4  }
0x81: {  	[tilespmem:s26], [sflag:$0x1] =	stream.indirect_vreg.gather [hbm4b:s3+s2], $0x80, v4, vm0, $0xb8;
	[tilespmem:$0x10080] =	vst v63  }
0x82: {  	v3 =	vperm.xlane v3, v2  }
0x83: {  	[tilespmem:s24], [sflag:$0x1] =	stream.indirect_vreg.gather [hbm4b:s5+s2], $0x80, v4, vm0, $0xb8;
	[tilespmem:$0x10080] =	vst v63  }
0x84: {  	v3 =	vadd.s32 v1, v3  }
0x85: {  	[tilespmem:s25], [sflag:$0x1] =	stream.indirect_vreg.gather [hbm4b:s6+s2], $0x80, v4, vm0, $0xb8;
	[tilespmem:$0x10080] =	vst v63  }
0x86: {  	_ = 	snop  }
0x87: {  	[tilespmem:s28], [sflag:$0x1] =	stream.indirect_vreg.gather [hbm4b:s7+s2], $0x80, v4, vm0, $0xb8;
	[tilespmem:$0x10080] =	vst v63  }
0x88: {  	_ = 	snop  }
0x89: {  	[tilespmem:s29], [sflag:$0x1] =	stream.indirect_vreg.gather [hbm4b:s3+s2], $0x80, v3, vm0, $0xb8;
	[tilespmem:$0x10080] =	vst v63  }
0x8a: {  	_ = 	snop  }
0x8b: {  	[tilespmem:s30], [sflag:$0x1] =	stream.indirect_vreg.gather [hbm4b:s5+s2], $0x80, v3, vm0, $0xb8;
	[tilespmem:$0x10080] =	vst v63  }
0x8c: {  	_ = 	snop  }
0x8d: {  	[tilespmem:s31], [sflag:$0x1] =	stream.indirect_vreg.gather [hbm4b:s6+s2], $0x80, v3, vm0, $0xb8;
	[tilespmem:$0x10080] =	vst v63  }
0x8e: {  	_ = 	snop  }
0x8f: {  	[tilespmem:s0], [sflag:$0x1] =	stream.indirect_vreg.gather [hbm4b:s7+s2], $0x80, v3, vm0, $0xb8;
	[tilespmem:$0x10080] =	vst v63  }
0x90: {  	v3 =	vld [tilespmem:$0x50];
	_ =	sdelay $0x4  }
0x91: {  	v61 =	vshll.u32 v3, $0x3  }
0x92: {  	v3 =	vand.u32 $0x7, v3;
	v4 =	vand.u32 $0xFFFFFFC0, v61  }
0x93: {  	v3 =	vor.u32 v3, v4  }
0x94: {  	v4 =	vperm.xlane v3, v0;
	_ =	sdelay $0x1  }
0x95: {  	v4 =	vadd.s32 v1, v4;
	_ =	sdelay $0x4  }
0x96: {  	[tilespmem:s1], [sflag:$0x1] =	stream.indirect_vreg.gather [hbm4b:s3+s2], $0x80, v4, vm0, $0xb8;
	[tilespmem:$0x10080] =	vst v63  }
0x97: {  	v3 =	vperm.xlane v3, v2  }
0x98: {  	[tilespmem:s4], [sflag:$0x1] =	stream.indirect_vreg.gather [hbm4b:s5+s2], $0x80, v4, vm0, $0xb8;
	[tilespmem:$0x10080] =	vst v63  }
0x99: {  	v3 =	vadd.s32 v1, v3  }
0x9a: {  	[tilespmem:s11], [sflag:$0x1] =	stream.indirect_vreg.gather [hbm4b:s6+s2], $0x80, v4, vm0, $0xb8;
	[tilespmem:$0x10080] =	vst v63  }
0x9b: {  	_ = 	snop  }
0x9c: {  	[tilespmem:s12], [sflag:$0x1] =	stream.indirect_vreg.gather [hbm4b:s7+s2], $0x80, v4, vm0, $0xb8;
	[tilespmem:$0x10080] =	vst v63  }
0x9d: {  	_ = 	snop  }
0x9e: {  	[tilespmem:s13], [sflag:$0x1] =	stream.indirect_vreg.gather [hbm4b:s3+s2], $0x80, v3, vm0, $0xb8;
	[tilespmem:$0x10080] =	vst v63  }
0x9f: {  	_ = 	snop  }
0xa0: {  	[tilespmem:s14], [sflag:$0x1] =	stream.indirect_vreg.gather [hbm4b:s5+s2], $0x80, v3, vm0, $0xb8;
	[tilespmem:$0x10080] =	vst v63  }
0xa1: {  	_ = 	snop  }
0xa2: {  	[tilespmem:s15], [sflag:$0x1] =	stream.indirect_vreg.gather [hbm4b:s6+s2], $0x80, v3, vm0, $0xb8;
	[tilespmem:$0x10080] =	vst v63  }
0xa3: {  	_ = 	snop  }
0xa4: {  	[tilespmem:s16], [sflag:$0x1] =	stream.indirect_vreg.gather [hbm4b:s7+s2], $0x80, v3, vm0, $0xb8;
	[tilespmem:$0x10080] =	vst v63  }
0xa5: {  	_ =	swait.ge [sflag:s21], $0x8000  }
0xa6: {  	[sflag:s21] =	ssyncset.done $0x0  }
0xa7: {  	s0 =	rddreg [dreg:$0x5];
	[sflag:s21] =	ssyncadd.s32 $0xFFFF8000  }
0xa8: {  	[hbm4b:s0+s2] =	stream.linear.scatter [tilespmem:s9], [sflag:$0x4], $0x8000, $0x38;
	[tilespmem:$0x10080] =	vst v63  }
0xa9: {  	_ =	swait.ge [sflag:s22], $0x8000  }
0xaa: {  	[sflag:s22] =	ssyncset.done $0x0  }
0xab: {  	[sflag:s22] =	ssyncadd.s32 $0xFFFF8000  }
0xac: {  	v3 =	vld [tilespmem:$0x60];
	_ =	sdelay $0x4  }
0xad: {  	v62 =	vshll.u32 v3, $0x3  }
0xae: {  	v3 =	vand.u32 $0x7, v3;
	v4 =	vand.u32 $0xFFFFFFC0, v62  }
0xaf: {  	v3 =	vor.u32 v3, v4  }
0xb0: {  	v4 =	vperm.xlane v3, v0;
	_ =	sdelay $0x1  }
0xb1: {  	v4 =	vadd.s32 v1, v4;
	_ =	sdelay $0x4  }
0xb2: {  	[tilespmem:s9], [sflag:$0x2] =	stream.indirect_vreg.gather [hbm4b:s3+s2], $0x80, v4, vm0, $0xb8;
	[tilespmem:$0x10080] =	vst v63  }
0xb3: {  	v3 =	vperm.xlane v3, v2  }
0xb4: {  	[tilespmem:s17], [sflag:$0x2] =	stream.indirect_vreg.gather [hbm4b:s5+s2], $0x80, v4, vm0, $0xb8;
	[tilespmem:$0x10080] =	vst v63  }
0xb5: {  	v3 =	vadd.s32 v1, v3  }
0xb6: {  	[tilespmem:s18], [sflag:$0x2] =	stream.indirect_vreg.gather [hbm4b:s6+s2], $0x80, v4, vm0, $0xb8;
	[tilespmem:$0x10080] =	vst v63  }
0xb7: {  	_ = 	snop  }
0xb8: {  	[tilespmem:s10], [sflag:$0x2] =	stream.indirect_vreg.gather [hbm4b:s7+s2], $0x80, v4, vm0, $0xb8;
	[tilespmem:$0x10080] =	vst v63  }
0xb9: {  	s23 =	simm.s32 $0xA080  }
0xba: {  	[tilespmem:s23], [sflag:$0x2] =	stream.indirect_vreg.gather [hbm4b:s3+s2], $0x80, v3, vm0, $0xb8;
	[tilespmem:$0x10080] =	vst v63  }
0xbb: {  	s24 =	simm.s32 $0xA880  }
0xbc: {  	[tilespmem:s24], [sflag:$0x2] =	stream.indirect_vreg.gather [hbm4b:s5+s2], $0x80, v3, vm0, $0xb8;
	[tilespmem:$0x10080] =	vst v63  }
0xbd: {  	s23 =	simm.s32 $0xB080  }
0xbe: {  	[tilespmem:s23], [sflag:$0x2] =	stream.indirect_vreg.gather [hbm4b:s6+s2], $0x80, v3, vm0, $0xb8;
	[tilespmem:$0x10080] =	vst v63  }
0xbf: {  	s24 =	simm.s32 $0xB880  }
0xc0: {  	[tilespmem:s24], [sflag:$0x2] =	stream.indirect_vreg.gather [hbm4b:s7+s2], $0x80, v3, vm0, $0xb8;
	[tilespmem:$0x10080] =	vst v63  }
0xc1: {  	v3 =	vld [tilespmem:$0x70];
	_ =	sdelay $0x4  }
0xc2: {  	v63 =	vshll.u32 v3, $0x3  }
0xc3: {  	v3 =	vand.u32 $0x7, v3;
	v4 =	vand.u32 $0xFFFFFFC0, v63  }
0xc4: {  	v3 =	vor.u32 v3, v4  }
0xc5: {  	v4 =	vperm.xlane v3, v0;
	_ =	sdelay $0x1  }
0xc6: {  	v4 =	vadd.s32 v1, v4;
	_ =	sdelay $0x3  }
0xc7: {  	s23 =	simm.s32 $0xC080  }
0xc8: {  	[tilespmem:s23], [sflag:$0x2] =	stream.indirect_vreg.gather [hbm4b:s3+s2], $0x80, v4, vm0, $0xb8;
	[tilespmem:$0x10080] =	vst v63  }
0xc9: {  	s24 =	simm.s32 $0xC880;
	v3 =	vperm.xlane v3, v2  }
0xca: {  	[tilespmem:s24], [sflag:$0x2] =	stream.indirect_vreg.gather [hbm4b:s5+s2], $0x80, v4, vm0, $0xb8;
	[tilespmem:$0x10080] =	vst v63  }
0xcb: {  	v3 =	vadd.s32 v1, v3;
	s23 =	simm.s32 $0xD080  }
0xcc: {  	[tilespmem:s23], [sflag:$0x2] =	stream.indirect_vreg.gather [hbm4b:s6+s2], $0x80, v4, vm0, $0xb8;
	[tilespmem:$0x10080] =	vst v63  }
0xcd: {  	s24 =	simm.s32 $0xD880  }
0xce: {  	[tilespmem:s24], [sflag:$0x2] =	stream.indirect_vreg.gather [hbm4b:s7+s2], $0x80, v4, vm0, $0xb8;
	[tilespmem:$0x10080] =	vst v63  }
0xcf: {  	s23 =	simm.s32 $0xE080  }
0xd0: {  	[tilespmem:s23], [sflag:$0x2] =	stream.indirect_vreg.gather [hbm4b:s3+s2], $0x80, v3, vm0, $0xb8;
	[tilespmem:$0x10080] =	vst v63  }
0xd1: {  	s24 =	simm.s32 $0xE880  }
0xd2: {  	[tilespmem:s24], [sflag:$0x2] =	stream.indirect_vreg.gather [hbm4b:s5+s2], $0x80, v3, vm0, $0xb8;
	[tilespmem:$0x10080] =	vst v63  }
0xd3: {  	s23 =	simm.s32 $0xF080  }
0xd4: {  	[tilespmem:s23], [sflag:$0x2] =	stream.indirect_vreg.gather [hbm4b:s6+s2], $0x80, v3, vm0, $0xb8;
	[tilespmem:$0x10080] =	vst v63  }
0xd5: {  	s24 =	simm.s32 $0xF880  }
0xd6: {  	[tilespmem:s24], [sflag:$0x2] =	stream.indirect_vreg.gather [hbm4b:s7+s2], $0x80, v3, vm0, $0xb8;
	[tilespmem:$0x10080] =	vst v63  }
0xd7: {  	_ =	swait.ge [sflag:s19], $0x8000  }
0xd8: {  	[sflag:s19] =	ssyncset.done $0x0  }
0xd9: {  	s0 =	rddreg [dreg:$0x6];
	[sflag:s19] =	ssyncadd.s32 $0xFFFF8000  }
0xda: {  	[hbm4b:s0+s2] =	stream.linear.scatter [tilespmem:s26], [sflag:$0x3], $0x8000, $0x38;
	[tilespmem:$0x10080] =	vst v63  }
0xdb: {  	_ =	swait.ge [sflag:s21], $0x8000  }
0xdc: {  	[sflag:s21] =	ssyncset.done $0x0  }
0xdd: {  	s24 =	rddreg [dreg:$0x7];
	[sflag:s21] =	ssyncadd.s32 $0xFFFF8000  }
0xde: {  	[hbm4b:s24+s2] =	stream.linear.scatter [tilespmem:s9], [sflag:$0x4], $0x8000, $0x38;
	[tilespmem:$0x10080] =	vst v63  }
0xdf: {  	p0 =	sne.s32 s8, $0x1;
	_ =	swait.ge [sflag:s20], $0x8000  }
.Ltmp0:
0xe0: {  	[sflag:s20] =	ssyncset.done $0x0;
	(pc) =	sbr.rel @p0 .LBB2_1-.Ltmp0, $4  }
0xe1: {  	[sflag:s20] =	ssyncadd.s32 $0xFFFF8000  }
0xe2: {  	_ =	swait.ge [sflag:s22], $0x8000  }
0xe3: {  	[sflag:s22] =	ssyncset.done $0x0  }
0xe4: {  	s8 =	sadd.s32 $0xFFFFFFFF, s8;
	[sflag:s22] =	ssyncadd.s32 $0xFFFF8000  }
0xe5: {  	_ =	sfence.sel $0x180000  }
0xe6: {  	[bflag:$0x0] =	sbarrier.arrive $0xFFFF  }
0xe7: {  	_ =	strace $0x9000004A  }
0xe8: {  	s0 =	stileid.u32;
	[bflag:$0x2] =	sbarrier.arrive $0xFFFF  }
0xe9: {  	p0 =	sne.s32 s0, $0x0;
	s0 =	rddreg [dreg:$0x2]  }
0xea: {  	s0 =	sadd.s32 @!p0 $0x100000, s0  }
0xeb: {  	[sflag:s0] =	ssyncadd.tile.s32 @!p0 $0x1;
	_ =	shalt  }
.Lfunc_end2:
_tile_overlayer_lowered:
.L_overlay_start_2:
0xec: {  	(tag) =	ssettag $0x2  }
0xed: {  	s0 =	rddreg [dreg:$0x0];
	s2 =	stileid.u32  }
0xee: {  	s1 =	rddreg [dreg:$0x1];
	p0 =	sne.s32 s2, $0x0  }
0xef: {  	s3 =	rddreg [dreg:$0x2];
	[bflag:$0x3] =	sbarrier.arrive $0xFFFF;
	s2 =	simm.s32 @!p0 $0x1C05  }
0xf0: {  	[timem:s3], [sflag:s2] =	dma.local @!p0 [hbm:s0], s1  }
0xf1: {  	s0 =	simm.s32 @!p0 $0x5  }
0xf2: {  	_ =	swait.ge @!p0 [sflag:s0], s1  }
0xf3: {  	s1 =	ssub.s32 @!p0 $0x0, s1;
	[sflag:s0] =	ssyncset.done @!p0 $0x0  }
0xf4: {  	[sflag:s0] =	ssyncadd.s32 @!p0 s1  }
0xf5: {  	[bflag:$0x3] =	sbarrier.arrive $0xFFFF  }
0xf6: {  	_ =	shalt  }

// kernel: kernel.8.cloned.1.call-start
scs
__scs_entry_jumppad:
0x0: {  	(pc) =	sbr.rel $0x88, $3  }
0x1: {  	(tag) =	ssettag $0x0;
	lr =	simm.s32 $0x1  }
0x2: {  	[smem:$0x3F98] =	sst lr;
	_ =	strace $0xD0000000  }
0x3: {  	_ = 	snop  }
0x4: {  	_ = 	snop  }
0x5: {  	_ = 	snop  }
0x6: {  	_ = 	snop  }
0x7: {  	_ = 	snop  }
__scs_overlays_trampoline_lowered:
0x8: {  	[smem:$0x3FA7] =	sst s0  }
0x9: {  	[smem:$0x3FA8] =	sst s1  }
0xa: {  	[smem:$0x3FA9] =	sst s2  }
0xb: {  	[smem:$0x3FAA] =	sst s3  }
0xc: {  	[smem:$0x3FAB] =	sst s4  }
0xd: {  	[smem:$0x3FAC] =	sst s5  }
0xe: {  	[smem:$0x3FAD] =	sst s6  }
0xf: {  	[smem:$0x3FAE] =	sst s7  }
0x10: {  	[smem:$0x3FAF] =	sst s8  }
0x11: {  	[smem:$0x3FB0] =	sst s9;
	s0 =	simm.s32 @!p0 $0x0  }
0x12: {  	s1 =	sld [smem:$0x3F96];
	s0 =	simm.s32 @p0 $0x1  }
0x13: {  	[smem:$0x3FB1] =	sst s0;
	s0 =	simm.s32 @!p1 $0x0  }
0x14: {  	s2 =	sld [smem:$0x3F95];
	s0 =	simm.s32 @p1 $0x1  }
0x15: {  	[smem:$0x3FB2] =	sst s0;
	s0 =	simm.s32 @!p2 $0x0  }
0x16: {  	s3 =	sld [smem:$0x3FDB];
	s0 =	simm.s32 @p2 $0x1  }
0x17: {  	s4 =	simm.s32 $0x1BF5;
	[smem:$0x3FB4] =	sst s0  }
0x18: {  	s0 =	sld [smem:$0x3F97];
	_ =	swait.ge [sflag:s4], $0x0  }
0x19: {  	s7 =	sld [smem:$0x3F98]  }
0x1a: {  	s8 =	sadd.s32 $0xFFFFE003, lr  }
0x1b: {  	s9 =	sadd.s32 $0xFFFFFEF7, lr;
	s5 =	simm.s32 $0xFFFFFFFF;
	p2 =	slt.u32 s8, $0xFFFFF086  }
0x1c: {  	p1 =	slt.u32 s9, $0xF7A;
	s5 =	simm.s32 @!p2 $0x0  }
0x1d: {  	s5 =	simm.s32 @p1 $0x1;
	p0 =	seq.s32 s7, s2  }
0x1e: {  	s7 =	smul.u32 @!p0 $0xF7A, s2;
	p2 =	seq.s32 @!p0 s5, $0x0  }
0x1f: {  	s9 =	smul.u32 $0xF7A, s1;
	s8 =	simm.s32 @!p0 $0x1BF5;
	p2 =	por !p2, p0  }
0x20: {  	[sflag:s8] =	ssyncset.s32 @!p0 $0xFFFFF086;
	s6 =	sadd.s32 @!p0 s3, s7;
	s7 =	simm.s32 @!p0 $0x108  }
0x21: {  	s3 =	sadd.s32 s3, s9;
	s6 =	sadd.s32 @!p0 $0x88, s6;
	s7 =	simm.s32 @p2 $0x1082  }
0x22: {  	[simem:s7], [sflag:s8] =	dma.local @!p0 [hbm:s6], $0xF7A  }
0x23: {  	s9 =	sor.u32 $0xD0000000, s2;
	s6 =	simm.s32 $0x108;
	_ =	swait.ge @!p0 [sflag:s8], $0x0  }
0x24: {  	s3 =	sadd.s32 $0x88, s3;
	s6 =	simm.s32 @!p1 $0x1082;
	[sflag:s4] =	ssyncset.s32 $0xFFFFF086  }
0x25: {  	[simem:s6], [sflag:s4] =	dma.local [hbm:s3], $0xF7A  }
0x26: {  	[smem:$0x3F98] =	sst s1;
	(tag) =	ssettag s2;
	_ =	strace s9  }
0x27: {  	s1 =	sld [smem:$0x3FA8]  }
0x28: {  	s2 =	sld [smem:$0x3FA9]  }
0x29: {  	s4 =	sld [smem:$0x3FAB]  }
0x2a: {  	p0 =	seq.s32 s5, $0x0;
	s5 =	sld [smem:$0x3FAC]  }
0x2b: {  	s6 =	sld [smem:$0x3FAD]  }
0x2c: {  	s7 =	sld [smem:$0x3FAE]  }
0x2d: {  	s3 =	simm.s32 $0x108;
	s8 =	sld [smem:$0x3FAF]  }
0x2e: {  	s3 =	simm.s32 @!p0 $0x1082;
	s9 =	sld [smem:$0x3FB0]  }
0x2f: {  	lr =	sadd.s32 s0, s3;
	s0 =	sld [smem:$0x3FA7]  }
0x30: {  	s3 =	sld [smem:$0x3FAA]  }
0x31: {  	[smem:$0x3FB3] =	sst s10  }
0x32: {  	s10 =	sld [smem:$0x3FB1];
	_ =	sdelay $0x3  }
0x33: {  	p0 =	seq.s32 s10, $0x1;
	s10 =	sld [smem:$0x3FB3];
	_ =	sdelay $0x3  }
0x34: {  	[smem:$0x3FB3] =	sst s10  }
0x35: {  	s10 =	sld [smem:$0x3FB2];
	_ =	sdelay $0x3  }
0x36: {  	p1 =	seq.s32 s10, $0x1;
	s10 =	sld [smem:$0x3FB3];
	_ =	sdelay $0x3  }
0x37: {  	[smem:$0x3FB3] =	sst s10  }
0x38: {  	s10 =	sld [smem:$0x3FB4]  }
0x39: {  	_ = 	snop;
	(pc) =	sbr.ind lr, $3  }
0x3a: {  	_ = 	snop  }
0x3b: {  	_ = 	snop  }
0x3c: {  	p2 =	seq.s32 s10, $0x1;
	s10 =	sld [smem:$0x3FB3]  }
0x3d: {  	_ =	shalt  }
0x3e: {  	_ =	shalt  }
0x3f: {  	_ =	shalt  }
0x40: {  	_ =	shalt  }
0x41: {  	_ =	shalt  }
0x42: {  	_ =	shalt  }
0x43: {  	_ =	shalt  }
0x44: {  	_ =	shalt  }
0x45: {  	_ =	shalt  }
0x46: {  	_ =	shalt  }
0x47: {  	_ =	shalt  }
0x48: {  	_ =	shalt  }
0x49: {  	_ =	shalt  }
0x4a: {  	_ =	shalt  }
0x4b: {  	_ =	shalt  }
0x4c: {  	_ =	shalt  }
0x4d: {  	_ =	shalt  }
0x4e: {  	_ =	shalt  }
0x4f: {  	_ =	shalt  }
0x50: {  	_ =	shalt  }
0x51: {  	_ =	shalt  }
0x52: {  	_ =	shalt  }
0x53: {  	_ =	shalt  }
0x54: {  	_ =	shalt  }
0x55: {  	_ =	shalt  }
0x56: {  	_ =	shalt  }
0x57: {  	_ =	shalt  }
0x58: {  	_ =	shalt  }
0x59: {  	_ =	shalt  }
0x5a: {  	_ =	shalt  }
0x5b: {  	_ =	shalt  }
0x5c: {  	_ =	shalt  }
0x5d: {  	_ =	shalt  }
0x5e: {  	_ =	shalt  }
0x5f: {  	_ =	shalt  }
0x60: {  	_ =	shalt  }
0x61: {  	_ =	shalt  }
0x62: {  	_ =	shalt  }
0x63: {  	_ =	shalt  }
0x64: {  	_ =	shalt  }
0x65: {  	_ =	shalt  }
0x66: {  	_ =	shalt  }
0x67: {  	_ =	shalt  }
0x68: {  	_ =	shalt  }
0x69: {  	_ =	shalt  }
0x6a: {  	_ =	shalt  }
0x6b: {  	_ =	shalt  }
0x6c: {  	_ =	shalt  }
0x6d: {  	_ =	shalt  }
0x6e: {  	_ =	shalt  }
0x6f: {  	_ =	shalt  }
0x70: {  	_ =	shalt  }
0x71: {  	_ =	shalt  }
0x72: {  	_ =	shalt  }
0x73: {  	_ =	shalt  }
0x74: {  	_ =	shalt  }
0x75: {  	_ =	shalt  }
0x76: {  	_ =	shalt  }
0x77: {  	_ =	shalt  }
0x78: {  	_ =	shalt  }
0x79: {  	_ =	shalt  }
0x7a: {  	_ =	shalt  }
0x7b: {  	_ =	shalt  }
0x7c: {  	_ =	shalt  }
0x7d: {  	_ =	shalt  }
0x7e: {  	_ =	shalt  }
0x7f: {  	_ =	shalt  }
0x80: {  	_ =	shalt  }
0x81: {  	_ =	shalt  }
0x82: {  	_ =	shalt  }
0x83: {  	_ =	shalt  }
0x84: {  	_ =	shalt  }
0x85: {  	_ =	shalt  }
0x86: {  	_ =	shalt  }
0x87: {  	_ =	shalt  }
.Lfunc_end0:
.L_simem_size_0:
called_computation_lowered:
.L_overlay_start_0:
0x88: {  	s2 =	sld [smem:$0x3FD9]  }
0x89: {  	s3 =	sld [smem:$0x3FFE];
	_ =	sdelay $0x1  }
0x8a: {  	s1 =	srdreg.scid  }
0x8b: {  	s0 =	sand.u32 $0x1, s1  }
0x8c: {  	s17 =	sshll.u32 s0, $0xA;
	s2 =	sadd.s32 s3, s2  }
0x8d: {  	s2 =	sadd.s32 s2, s17  }
0x8e: {  	[smem:$0x3FBF] =	sst s2  }
0x8f: {  	_ = 	snop  }
0x90: {  	s2 =	sld [smem:$0x3FC9]  }
0x91: {  	s18 =	sld [smem:$0x3FD0];
	(tm) =	ssettm $0x1  }
0x92: {  	s4 =	sld [smem:$0x3FFB];
	_ =	sdelay $0x3  }
0x93: {  	_ =	strace s4  }
0x94: {  	s4 =	sld [smem:$0x3FFC];
	_ =	sdelay $0x3  }
0x95: {  	_ =	strace s4  }
0x96: {  	s4 =	sld [smem:$0x3FFD];
	_ =	sdelay $0x3  }
0x97: {  	_ =	strace s4  }
0x98: {  	_ =	strace $0x8FFFFFFF  }
0x99: {  	s19 =	sld [smem:$0x3FDB];
	_ =	sdelay $0x1  }
0x9a: {  	s5 =	simm.s32 $_scs_section_size  }
0x9b: {  	s6 =	simm.s32 $_size__tile_overlayer_lowered;
	s7 =	simm.s32 $_tile_overlayer_lowered  }
0x9c: {  	s22 =	simm.s32 $0x1BFF;
	s21 =	sshll.u32 s7, $0x1;
	s4 =	sadd.s32 s5, s19  }
0x9d: {  	s8 =	simm.s32 $0x0;
	s20 =	sshll.u32 s6, $0x1;
	s6 =	sadd.s32 s21, s4  }
0x9e: {  	[timem:s8], [sflag:s22] =	dma.local [hbm:s6], s20  }
0x9f: {  	_ =	swait.ge [sflag:s22], s20  }
0xa0: {  	s5 =	ssub.s32 $0x0, s20;
	[sflag:s22] =	ssyncset.done $0x0  }
0xa1: {  	[sflag:s22] =	ssyncadd.s32 s5;
	_ =	sdelay $0x1  }
0xa2: {  	s23 =	simm.s32 $0x1B8B  }
0xa3: {  	_ =	swait.ge [sflag:s23], $0x1  }
0xa4: {  	[sflag:s23] =	ssyncset.done $0x0  }
0xa5: {  	s25 =	simm.s32 $0x1B8E;
	s24 =	sld [smem:$0x3FFE];
	[sflag:s23] =	ssyncadd.s32 $0xFFFFFFFF  }
0xa6: {  	s26 =	simm.s32 $execute0_lowered;
	[smem:$0x3FD2] =	sst s25  }
0xa7: {  	s6 =	sshll.u32 s26, $0x1;
	_ =	strace $0x80000046;
	[dreg:$0x1] =	wrdreg $0xFFFFFFFF  }
0xa8: {  	s28 =	simm.s32 $_size_execute0_lowered;
	s4 =	sadd.s32 s4, s6;
	[dreg:$0x0] =	wrdreg $0x0  }
0xa9: {  	s6 =	sshll.u32 s28, $0x1;
	[dreg:$0x2] =	wrdreg s4  }
0xaa: {  	[dreg:$0x3] =	wrdreg s6  }
0xab: {  	[dreg:$0x4] =	wrdreg $0xC0  }
0xac: {  	_ =	task [dreg:s8], $0x5FFFF  }
0xad: {  	[dreg:$0x1] =	wrdreg $0xFFFFFFFF  }
0xae: {  	[dreg:$0x0] =	wrdreg $0x60  }
0xaf: {  	[dreg:$0x2] =	wrdreg s2  }
0xb0: {  	[dreg:$0x3] =	wrdreg s24  }
0xb1: {  	[dreg:$0x4] =	wrdreg s18  }
0xb2: {  	[dreg:$0x5] =	wrdreg $0x9  }
0xb3: {  	_ =	task.clear_ibuf [dreg:s8], $0x6FFFF;
	_ =	strace $0x90000046  }
0xb4: {  	s29 =	simm.s32 $0x9;
	_ =	strace $0x80000048  }
0xb5: {  	_ =	swait.ge [sflag:s29], $0x1  }
0xb6: {  	[sflag:s29] =	ssyncadd.s32 $0xFFFFFFFF  }
0xb7: {  	_ =	strace $0x90000048  }
0xb8: {  	_ =	sfence  }
0xb9: {  	s30 =	sld [smem:$0x0];
	_ =	sdelay $0x2  }
0xba: {  	s31 =	sshll.u32 s1, $0xD;
	s1 =	sshrl.u32 s1, $0x2  }
0xbb: {  	s3 =	sand.u32 $0x4000, s31;
	s1 =	sadd.s32 s1, s30  }
0xbc: {  	s0 =	sor.u32 s3, s0;
	s1 =	sshll.u32 s1, $0x11  }
0xbd: {  	s0 =	sor.u32 s1, s0  }
0xbe: {  	s0 =	sadd.s32 $0x8F2B, s0  }
0xbf: {  	[sflag:s0] =	ssyncadd.remote.s32 $0x1  }
0xc0: {  	_ =	sfence.sel $0xFFFF  }
0xc1: {  	[dreg:$0x0] =	wrdreg $0xFFFFFFFF;
	(pc) =	sbr.abs _section_cstart, $3  }
0xc2: {  	[dreg:$0x1] =	wrdreg $0xFFFFFFFF  }
0xc3: {  	_ =	task.clear_ibuf [dreg:s8], $0x2FFFF;
	_ =	strace $0x9FFFFFFF  }
0xc4: {  	(tm) =	ssettm $0x7FFFFFFF  }
0xc5: {  	_ =	shalt  }
tec
execute0_lowered:
.L_overlay_start_1:
0x0: {  	(tag) =	ssettag $0x1  }
0x1: {  	s16 =	rddreg [dreg:$0x0]  }
0x2: {  	s5 =	rddreg [dreg:$0x1]  }
0x3: {  	s0 =	rddreg [dreg:$0x2];
	s4 =	simm.s32 $0x0;
	s2 =	srdreg.scid  }
0x4: {  	s3 =	stileid.u32;
	s28 =	simm.s32 $0x2800;
	s31 =	simm.s32 $0x0  }
0x5: {  	s29 =	simm.s32 $0x7080;
	s17 =	simm.s32 $0x8080;
	s18 =	simm.s32 $0x8880  }
0x6: {  	[smem:$0x7FF] =	sst s4;
	s2 =	sand.u32 $0x1, s2;
	s3 =	sshll.u32 s3, $0x1  }
0x7: {  	s6 =	sadd.s32 $0x200, s5;
	s8 =	sadd.s32 $0x600, s5;
	s9 =	sadd.s32 $0x800, s5  }
0x8: {  	s1 =	sadd.s32 $0xA00, s5;
	s12 =	sadd.s32 $0x100, s16;
	s13 =	sadd.s32 $0x200, s16  }
0x9: {  	s14 =	sadd.s32 $0x300, s16;
	_ =	strace $0x80000047;
	s3 =	sor.u32 s2, s3  }
0xa: {  	[dreg:$0x4] =	wrdreg s6;
	s2 =	ssub.s32 $0x2, s2;
	s30 =	smul.u32 $0xC0, s3  }
0xb: {  	s6 =	sadd.s32 $0x400, s5;
	s10 =	sshrl.u32 s2, $0x1;
	s20 =	smul.u32 $0x6000, s3  }
0xc: {  	s2 =	ssub.s32 s2, s10;
	s19 =	sshrl.u32 s30, $0x3;
	s11 =	sadd.s32 $0x2800, s30  }
0xd: {  	s21 =	sor.u32 $0x30, s30;
	s22 =	sadd.s32 $0x60, s30;
	s15 =	sadd.s32 $0x90, s30  }
0xe: {  	s10 =	sadd.s32 s0, s19;
	s0 =	sadd.s32 s1, s20;
	[dreg:$0x9] =	wrdreg s21  }
0xf: {  	s23 =	sshll.u32 s21, $0x7;
	[dreg:$0xa] =	wrdreg s22;
	s24 =	sshll.u32 s22, $0x7  }
0x10: {  	[dreg:$0xb] =	wrdreg s15;
	s26 =	sshll.u32 s15, $0x7;
	s22 =	smax.u32 s2, $0x1  }
.Ltmp0:
0x11: {  	s20 =	simm.s32 $0x9880;
	[dreg:$0x5] =	wrdreg s0;
	(pc) =	sbr.rel .LBB2_1-.Ltmp0, $4  }
0x12: {  	s21 =	simm.s32 $0xA880;
	s0 =	sadd.s32 s1, s23;
	[dreg:$0xc] =	wrdreg s22  }
0x13: {  	v0 =	vlaneseq.u32;
	s25 =	sadd.s32 s1, s24;
	s24 =	simm.s32 $0x5;
	[dreg:$0x6] =	wrdreg s0  }
0x14: {  	v1 =	vimm.f32 $0.0e+00;
	vm0 =	vmmov $0xffff;
	v3 =	vshrl.u32 v0, $0x3;
	s23 =	simm.s32 $0x9080;
	[dreg:$0x7] =	wrdreg s25;
	s0 =	sadd.s32 s1, s26  }
0x15: {  	v2 =	vand.u32 $0x7, v0;
	v4 =	vor.u32 $0x8, v0;
	v3 =	vmul.u32 $0x8, v3;
	s25 =	simm.s32 $0x800;
	s26 =	simm.s32 $0x1000;
	[dreg:$0x8] =	wrdreg s0  }
.LBB2_9:
0x16: {  	s31 =	sadd.s32 $0x1, s31  }
0x17: {  	p0 =	sne.s32 s31, s22  }
.Ltmp1:
0x18: {  	_ = 	snop;
	(pc) =	sbr.rel @!p0 .LBB2_10-.Ltmp1, $1  }
0x19: {  	_ =	sdelay $0x3  }
.LBB2_1:
0x1a: {  	s0 =	simm.s32 $0x4000  }
0x1b: {  	[tilespmem:s0], [sflag:$0x5] =	stream.linear.gather [hbm4b:s9+s4], $0x80, $0x38;
	[tilespmem:$0x1C080] =	vst v63  }
0x1c: {  	_ =	swait.ge [sflag:s24], $0x80  }
0x1d: {  	v5 =	vor.u32 s4, v0;
	[sflag:s24] =	ssyncset.done $0x0  }
0x1e: {  	s2 =	simm.s32 $0x1020;
	s3 =	simm.s32 $0x10;
	v5 =	vand.u32 $0x7CF, v5;
	[sflag:s24] =	ssyncadd.s32 $0xFFFFFF80  }
0x1f: {  	s0 =	simm.s32 $0x2820;
	[tilespmem:s2+$0xFFFFFFE0] =	vst v5;
	v5 =	vor.u32 s3, v0  }
0x20: {  	s15 =	simm.s32 $0x20;
	[tilespmem:s0+$0xFFFFFFE0] =	vst v1;
	v5 =	vand.u32 $0x7DF, v5  }
0x21: {  	[tilespmem:s2+$0xFFFFFFF0] =	vst v5;
	v5 =	vor.u32 s15, v0  }
0x22: {  	s19 =	simm.s32 $0x30;
	[tilespmem:s0+$0xFFFFFFF0] =	vst v1;
	v5 =	vand.u32 $0x7EF, v5  }
0x23: {  	[tilespmem:s2+$0x0] =	vst v5;
	v5 =	vor.u32 s19, v0  }
0x24: {  	s3 =	simm.s32 $0x0;
	s19 =	simm.s32 $0x40;
	[tilespmem:s0+$0x0] =	vst v1;
	v5 =	vand.u32 $0x7FF, v5  }
.LBB2_2:
0x25: {  	v6 =	vor.u32 s19, v0;
	[tilespmem:s2+$0x10] =	vst v5  }
0x26: {  	s5 =	sadd.s32 $0x10, s19;
	s2 =	sadd.s32 $0x40, s2;
	s3 =	sadd.s32 $0x4, s3;
	v5 =	vand.u32 $0x7CF, v6;
	[tilespmem:s0+$0x10] =	vst v1  }
0x27: {  	s0 =	sadd.s32 $0x40, s0;
	p0 =	slt.u32 s3, $0x17C;
	[tilespmem:s2+$0xFFFFFFE0] =	vst v5;
	v5 =	vor.u32 s5, v0  }
.Ltmp2:
0x28: {  	s5 =	sadd.s32 $0x20, s19;
	[tilespmem:s0+$0xFFFFFFE0] =	vst v1;
	v5 =	vand.u32 $0x7DF, v5;
	(pc) =	sbr.rel @p0 .LBB2_2-.Ltmp2, $4  }
0x29: {  	[tilespmem:s2+$0xFFFFFFF0] =	vst v5;
	v5 =	vor.u32 s5, v0  }
0x2a: {  	s5 =	sadd.s32 $0x30, s19;
	[tilespmem:s0+$0xFFFFFFF0] =	vst v1;
	v5 =	vand.u32 $0x7EF, v5  }
0x2b: {  	[tilespmem:s2+$0x0] =	vst v5;
	v5 =	vor.u32 s5, v0  }
0x2c: {  	s19 =	sadd.s32 $0x40, s19;
	[tilespmem:s0+$0x0] =	vst v1;
	v5 =	vand.u32 $0x7FF, v5  }
0x2d: {  	[tilespmem:s2+$0x10] =	vst v5  }
0x2e: {  	s19 =	rddreg [dreg:$0x1];
	[tilespmem:s0+$0x10] =	vst v1;
	s0 =	simm.s32 $0x0  }
0x2f: {  	[tilespmem:s0], [sflag:$0x5] =	stream.linear.gather [hbm4b:s19+s0], $0x800, $0x38;
	[tilespmem:$0x1C080] =	vst v63  }
0x30: {  	_ =	swait.ge [sflag:s24], $0x800  }
0x31: {  	[sflag:s24] =	ssyncset.done $0x0  }
0x32: {  	[sflag:s24] =	ssyncadd.s32 $0xFFFFF800  }
0x33: {  	[tilespmem:s25], [sflag:$0x5] =	stream.linear.gather [hbm4b:s6+s0], $0x800, $0x38;
	[tilespmem:$0x1C080] =	vst v63  }
0x34: {  	_ =	swait.ge [sflag:s24], $0x800  }
0x35: {  	s2 =	simm.s32 $0xFFFFFFFC;
	[sflag:s24] =	ssyncset.done $0x0  }
0x36: {  	s3 =	simm.s32 $0x20;
	s19 =	simm.s32 $0x820;
	[sflag:s24] =	ssyncadd.s32 $0xFFFFF800  }
.LBB2_4:
0x37: {  	v5 =	vld [tilespmem:s3+$0xFFFFFFE0];
	_ =	sdelay $0x6  }
0x38: {  	v6 =	vor.u32 s0, v0  }
0x39: {  	[tilespmem:v5+s26+$0x0] =	vst.idx.msk $0xffff, v6  }
0x3a: {  	v6 =	vld [tilespmem:s19+$0xFFFFFFE0];
	_ =	sdelay $0x4  }
0x3b: {  	[tilespmem:v5+s28+$0x0] =	vst.idx.msk $0xffff, v6  }
0x3c: {  	v5 =	vld [tilespmem:s3+$0xFFFFFFF0];
	_ =	sdelay $0x5  }
0x3d: {  	s5 =	sadd.s32 $0x10, s0  }
0x3e: {  	v6 =	vor.u32 s5, v0  }
0x3f: {  	[tilespmem:v5+s26+$0x0] =	vst.idx.msk $0xffff, v6  }
0x40: {  	v6 =	vld [tilespmem:s19+$0xFFFFFFF0];
	_ =	sdelay $0x4  }
0x41: {  	[tilespmem:v5+s28+$0x0] =	vst.idx.msk $0xffff, v6  }
0x42: {  	v5 =	vld [tilespmem:s3+$0x0];
	_ =	sdelay $0x5  }
0x43: {  	s7 =	sadd.s32 $0x20, s0  }
0x44: {  	v6 =	vor.u32 s7, v0  }
0x45: {  	[tilespmem:v5+s26+$0x0] =	vst.idx.msk $0xffff, v6  }
0x46: {  	v6 =	vld [tilespmem:s19+$0x0];
	_ =	sdelay $0x4  }
0x47: {  	[tilespmem:v5+s28+$0x0] =	vst.idx.msk $0xffff, v6  }
0x48: {  	v5 =	vld [tilespmem:s3+$0x10];
	_ =	sdelay $0x5  }
0x49: {  	s15 =	sadd.s32 $0x30, s0  }
0x4a: {  	v6 =	vor.u32 s15, v0  }
0x4b: {  	s2 =	sadd.s32 $0x4, s2;
	[tilespmem:v5+s26+$0x0] =	vst.idx.msk $0xffff, v6  }
0x4c: {  	p0 =	slt.u32 s2, $0x7C;
	v6 =	vld [tilespmem:s19+$0x10]  }
.Ltmp3:
0x4d: {  	_ = 	snop;
	(pc) =	sbr.rel @p0 .LBB2_4-.Ltmp3, $2  }
0x4e: {  	_ =	sdelay $0x2  }
0x4f: {  	s0 =	sadd.s32 $0x40, s0;
	s3 =	sadd.s32 $0x40, s3;
	s19 =	sadd.s32 $0x40, s19;
	[tilespmem:v5+s28+$0x0] =	vst.idx.msk $0xffff, v6  }
0x50: {  	s0 =	simm.s32 $0x0;
	s2 =	rddreg [dreg:$0x4]  }
0x51: {  	[tilespmem:s0], [sflag:$0x5] =	stream.linear.gather [hbm4b:s2+s0], $0x800, $0x38;
	[tilespmem:$0x1C080] =	vst v63  }
0x52: {  	_ =	swait.ge [sflag:s24], $0x800  }
0x53: {  	[sflag:s24] =	ssyncset.done $0x0  }
0x54: {  	[sflag:s24] =	ssyncadd.s32 $0xFFFFF800  }
0x55: {  	[tilespmem:s25], [sflag:$0x5] =	stream.linear.gather [hbm4b:s8+s0], $0x800, $0x38;
	[tilespmem:$0x1C080] =	vst v63  }
0x56: {  	_ =	swait.ge [sflag:s24], $0x800  }
0x57: {  	s3 =	simm.s32 $0x20;
	[sflag:s24] =	ssyncset.done $0x0  }
0x58: {  	s19 =	simm.s32 $0x820;
	s2 =	simm.s32 $0xFFFFFFFC;
	[sflag:s24] =	ssyncadd.s32 $0xFFFFF800  }
.LBB2_6:
0x59: {  	v5 =	vld [tilespmem:s3+$0xFFFFFFE0];
	_ =	sdelay $0x6  }
0x5a: {  	v6 =	vor.u32 s0, v0  }
0x5b: {  	[tilespmem:v5+s26+$0x0] =	vst.idx.msk $0xffff, v6  }
0x5c: {  	v6 =	vld [tilespmem:s19+$0xFFFFFFE0];
	_ =	sdelay $0x4  }
0x5d: {  	[tilespmem:v5+s28+$0x0] =	vst.idx.msk $0xffff, v6  }
0x5e: {  	v5 =	vld [tilespmem:s3+$0xFFFFFFF0];
	_ =	sdelay $0x5  }
0x5f: {  	s5 =	sadd.s32 $0x10, s0  }
0x60: {  	v6 =	vor.u32 s5, v0  }
0x61: {  	[tilespmem:v5+s26+$0x0] =	vst.idx.msk $0xffff, v6  }
0x62: {  	v6 =	vld [tilespmem:s19+$0xFFFFFFF0];
	_ =	sdelay $0x4  }
0x63: {  	[tilespmem:v5+s28+$0x0] =	vst.idx.msk $0xffff, v6  }
0x64: {  	v5 =	vld [tilespmem:s3+$0x0];
	_ =	sdelay $0x5  }
0x65: {  	s7 =	sadd.s32 $0x20, s0  }
0x66: {  	v6 =	vor.u32 s7, v0  }
0x67: {  	[tilespmem:v5+s26+$0x0] =	vst.idx.msk $0xffff, v6  }
0x68: {  	v6 =	vld [tilespmem:s19+$0x0];
	_ =	sdelay $0x4  }
0x69: {  	[tilespmem:v5+s28+$0x0] =	vst.idx.msk $0xffff, v6  }
0x6a: {  	v5 =	vld [tilespmem:s3+$0x10];
	_ =	sdelay $0x5  }
0x6b: {  	s15 =	sadd.s32 $0x30, s0  }
0x6c: {  	v6 =	vor.u32 s15, v0  }
0x6d: {  	s2 =	sadd.s32 $0x4, s2;
	[tilespmem:v5+s26+$0x0] =	vst.idx.msk $0xffff, v6  }
0x6e: {  	p0 =	slt.u32 s2, $0x7C;
	v6 =	vld [tilespmem:s19+$0x10]  }
.Ltmp4:
0x6f: {  	_ = 	snop;
	(pc) =	sbr.rel @p0 .LBB2_6-.Ltmp4, $2  }
0x70: {  	_ =	sdelay $0x2  }
0x71: {  	s0 =	sadd.s32 $0x40, s0;
	s3 =	sadd.s32 $0x40, s3;
	s19 =	sadd.s32 $0x40, s19;
	[tilespmem:v5+s28+$0x0] =	vst.idx.msk $0xffff, v6  }
0x72: {  	[hbm4b:s10+s4] =	stream.linear.scatter [tilespmem:s11], [sflag:$0x5], $0xC0, $0x38;
	[tilespmem:$0x1C080] =	vst v63  }
0x73: {  	_ =	swait.ge [sflag:s24], $0xC0  }
0x74: {  	[sflag:s24] =	ssyncset.done $0x0  }
0x75: {  	[sflag:s24] =	ssyncadd.s32 $0xFFFFFF40  }
0x76: {  	v5 =	vld [tilespmem:$0x4000];
	_ =	sdelay $0x4  }
0x77: {  	(v2sf) =	vpush v5, $0x0;
	_ =	sdelay $0xe  }
0x78: {  	s0 =	spop (v2sf)  }
0x79: {  	p0 =	sge.s32 s30, s0  }
.Ltmp5:
0x7a: {  	_ = 	snop;
	(pc) =	sbr.rel @p0 .LBB2_9-.Ltmp5, $1  }
0x7b: {  	_ =	sdelay $0x3  }
0x7c: {  	v5 =	vld [tilespmem:s30+$0x1000];
	_ =	sdelay $0x4  }
0x7d: {  	v6 =	vshll.u32 v5, $0x3  }
0x7e: {  	v5 =	vand.u32 $0x7, v5;
	v6 =	vand.u32 $0xFFFFFFC0, v6  }
0x7f: {  	v5 =	vor.u32 v5, v6  }
0x80: {  	v6 =	vperm.xlane v5, v2;
	_ =	sdelay $0x1  }
0x81: {  	v6 =	vadd.s32 v3, v6;
	_ =	sdelay $0x3  }
0x82: {  	s0 =	simm.s32 $0x4080  }
0x83: {  	[tilespmem:s0], [sflag:$0x1] =	stream.indirect_vreg.gather [hbm4b:s16+s4], $0x80, v6, vm0, $0xb8;
	[tilespmem:$0x1C080] =	vst v63  }
0x84: {  	s25 =	simm.s32 $0x4880;
	v5 =	vperm.xlane v5, v4  }
0x85: {  	[tilespmem:s25], [sflag:$0x1] =	stream.indirect_vreg.gather [hbm4b:s12+s4], $0x80, v6, vm0, $0xb8;
	[tilespmem:$0x1C080] =	vst v63  }
0x86: {  	s1 =	simm.s32 $0x5080;
	v5 =	vadd.s32 v3, v5  }
0x87: {  	[tilespmem:s1], [sflag:$0x1] =	stream.indirect_vreg.gather [hbm4b:s13+s4], $0x80, v6, vm0, $0xb8;
	[tilespmem:$0x1C080] =	vst v63  }
0x88: {  	s5 =	simm.s32 $0x5880  }
0x89: {  	[tilespmem:s5], [sflag:$0x1] =	stream.indirect_vreg.gather [hbm4b:s14+s4], $0x80, v6, vm0, $0xb8;
	[tilespmem:$0x1C080] =	vst v63  }
0x8a: {  	s19 =	simm.s32 $0x6080  }
0x8b: {  	[tilespmem:s19], [sflag:$0x1] =	stream.indirect_vreg.gather [hbm4b:s16+s4], $0x80, v5, vm0, $0xb8;
	[tilespmem:$0x1C080] =	vst v63  }
0x8c: {  	s25 =	simm.s32 $0x6880  }
0x8d: {  	[tilespmem:s25], [sflag:$0x1] =	stream.indirect_vreg.gather [hbm4b:s12+s4], $0x80, v5, vm0, $0xb8;
	[tilespmem:$0x1C080] =	vst v63  }
0x8e: {  	_ = 	snop  }
0x8f: {  	[tilespmem:s29], [sflag:$0x1] =	stream.indirect_vreg.gather [hbm4b:s13+s4], $0x80, v5, vm0, $0xb8;
	[tilespmem:$0x1C080] =	vst v63  }
0x90: {  	s15 =	simm.s32 $0x7880  }
0x91: {  	[tilespmem:s15], [sflag:$0x1] =	stream.indirect_vreg.gather [hbm4b:s14+s4], $0x80, v5, vm0, $0xb8;
	[tilespmem:$0x1C080] =	vst v63  }
0x92: {  	v5 =	vld [tilespmem:s30+$0x1010];
	_ =	sdelay $0x4  }
0x93: {  	v6 =	vshll.u32 v5, $0x3  }
0x94: {  	v5 =	vand.u32 $0x7, v5;
	v6 =	vand.u32 $0xFFFFFFC0, v6  }
0x95: {  	v5 =	vor.u32 v5, v6  }
0x96: {  	v6 =	vperm.xlane v5, v2;
	_ =	sdelay $0x1  }
0x97: {  	v6 =	vadd.s32 v3, v6;
	_ =	sdelay $0x4  }
0x98: {  	[tilespmem:s17], [sflag:$0x1] =	stream.indirect_vreg.gather [hbm4b:s16+s4], $0x80, v6, vm0, $0xb8;
	[tilespmem:$0x1C080] =	vst v63  }
0x99: {  	v5 =	vperm.xlane v5, v4  }
0x9a: {  	[tilespmem:s18], [sflag:$0x1] =	stream.indirect_vreg.gather [hbm4b:s12+s4], $0x80, v6, vm0, $0xb8;
	[tilespmem:$0x1C080] =	vst v63  }
0x9b: {  	v5 =	vadd.s32 v3, v5  }
0x9c: {  	[tilespmem:s23], [sflag:$0x1] =	stream.indirect_vreg.gather [hbm4b:s13+s4], $0x80, v6, vm0, $0xb8;
	[tilespmem:$0x1C080] =	vst v63  }
0x9d: {  	_ = 	snop  }
0x9e: {  	[tilespmem:s20], [sflag:$0x1] =	stream.indirect_vreg.gather [hbm4b:s14+s4], $0x80, v6, vm0, $0xb8;
	[tilespmem:$0x1C080] =	vst v63  }
0x9f: {  	s2 =	simm.s32 $0xA080  }
0xa0: {  	[tilespmem:s2], [sflag:$0x1] =	stream.indirect_vreg.gather [hbm4b:s16+s4], $0x80, v5, vm0, $0xb8;
	[tilespmem:$0x1C080] =	vst v63  }
0xa1: {  	_ = 	snop  }
0xa2: {  	[tilespmem:s21], [sflag:$0x1] =	stream.indirect_vreg.gather [hbm4b:s12+s4], $0x80, v5, vm0, $0xb8;
	[tilespmem:$0x1C080] =	vst v63  }
0xa3: {  	s3 =	simm.s32 $0xB080  }
0xa4: {  	[tilespmem:s3], [sflag:$0x1] =	stream.indirect_vreg.gather [hbm4b:s13+s4], $0x80, v5, vm0, $0xb8;
	[tilespmem:$0x1C080] =	vst v63  }
0xa5: {  	s22 =	simm.s32 $0xB880  }
0xa6: {  	[tilespmem:s22], [sflag:$0x1] =	stream.indirect_vreg.gather [hbm4b:s14+s4], $0x80, v5, vm0, $0xb8;
	[tilespmem:$0x1C080] =	vst v63  }
0xa7: {  	v5 =	vld [tilespmem:s30+$0x1020];
	_ =	sdelay $0x4  }
0xa8: {  	v6 =	vshll.u32 v5, $0x3  }
0xa9: {  	v5 =	vand.u32 $0x7, v5;
	v6 =	vand.u32 $0xFFFFFFC0, v6  }
0xaa: {  	v5 =	vor.u32 v5, v6  }
0xab: {  	v6 =	vperm.xlane v5, v2;
	_ =	sdelay $0x1  }
0xac: {  	v6 =	vadd.s32 v3, v6;
	_ =	sdelay $0x3  }
0xad: {  	s7 =	simm.s32 $0xC080  }
0xae: {  	[tilespmem:s7], [sflag:$0x1] =	stream.indirect_vreg.gather [hbm4b:s16+s4], $0x80, v6, vm0, $0xb8;
	[tilespmem:$0x1C080] =	vst v63  }
0xaf: {  	s1 =	simm.s32 $0xC880;
	v5 =	vperm.xlane v5, v4  }
0xb0: {  	[tilespmem:s1], [sflag:$0x1] =	stream.indirect_vreg.gather [hbm4b:s12+s4], $0x80, v6, vm0, $0xb8;
	[tilespmem:$0x1C080] =	vst v63  }
0xb1: {  	s2 =	simm.s32 $0xD080;
	v5 =	vadd.s32 v3, v5  }
0xb2: {  	[tilespmem:s2], [sflag:$0x1] =	stream.indirect_vreg.gather [hbm4b:s13+s4], $0x80, v6, vm0, $0xb8;
	[tilespmem:$0x1C080] =	vst v63  }
0xb3: {  	s3 =	simm.s32 $0xD880  }
0xb4: {  	[tilespmem:s3], [sflag:$0x1] =	stream.indirect_vreg.gather [hbm4b:s14+s4], $0x80, v6, vm0, $0xb8;
	[tilespmem:$0x1C080] =	vst v63  }
0xb5: {  	s7 =	simm.s32 $0xE080  }
0xb6: {  	[tilespmem:s7], [sflag:$0x1] =	stream.indirect_vreg.gather [hbm4b:s16+s4], $0x80, v5, vm0, $0xb8;
	[tilespmem:$0x1C080] =	vst v63  }
0xb7: {  	s1 =	simm.s32 $0xE880  }
0xb8: {  	[tilespmem:s1], [sflag:$0x1] =	stream.indirect_vreg.gather [hbm4b:s12+s4], $0x80, v5, vm0, $0xb8;
	[tilespmem:$0x1C080] =	vst v63  }
0xb9: {  	s2 =	simm.s32 $0xF080  }
0xba: {  	[tilespmem:s2], [sflag:$0x1] =	stream.indirect_vreg.gather [hbm4b:s13+s4], $0x80, v5, vm0, $0xb8;
	[tilespmem:$0x1C080] =	vst v63  }
0xbb: {  	s0 =	rddreg [dreg:$0x9];
	s3 =	simm.s32 $0xF880  }
0xbc: {  	[tilespmem:s3], [sflag:$0x1] =	stream.indirect_vreg.gather [hbm4b:s14+s4], $0x80, v5, vm0, $0xb8;
	[tilespmem:$0x1C080] =	vst v63  }
0xbd: {  	v5 =	vld [tilespmem:s0+$0x1000];
	_ =	sdelay $0x4  }
0xbe: {  	v6 =	vshll.u32 v5, $0x3  }
0xbf: {  	v5 =	vand.u32 $0x7, v5;
	v6 =	vand.u32 $0xFFFFFFC0, v6  }
0xc0: {  	v5 =	vor.u32 v5, v6  }
0xc1: {  	v6 =	vperm.xlane v5, v2;
	_ =	sdelay $0x1  }
0xc2: {  	v6 =	vadd.s32 v3, v6;
	_ =	sdelay $0x3  }
0xc3: {  	s3 =	simm.s32 $0x10080  }
0xc4: {  	[tilespmem:s3], [sflag:$0x2] =	stream.indirect_vreg.gather [hbm4b:s16+s4], $0x80, v6, vm0, $0xb8;
	[tilespmem:$0x1C080] =	vst v63  }
0xc5: {  	s1 =	simm.s32 $0x10880;
	v5 =	vperm.xlane v5, v4  }
0xc6: {  	[tilespmem:s1], [sflag:$0x2] =	stream.indirect_vreg.gather [hbm4b:s12+s4], $0x80, v6, vm0, $0xb8;
	[tilespmem:$0x1C080] =	vst v63  }
0xc7: {  	s7 =	simm.s32 $0x11080;
	v5 =	vadd.s32 v3, v5  }
0xc8: {  	[tilespmem:s7], [sflag:$0x2] =	stream.indirect_vreg.gather [hbm4b:s13+s4], $0x80, v6, vm0, $0xb8;
	[tilespmem:$0x1C080] =	vst v63  }
0xc9: {  	s2 =	simm.s32 $0x11880  }
0xca: {  	[tilespmem:s2], [sflag:$0x2] =	stream.indirect_vreg.gather [hbm4b:s14+s4], $0x80, v6, vm0, $0xb8;
	[tilespmem:$0x1C080] =	vst v63  }
0xcb: {  	s7 =	simm.s32 $0x12080  }
0xcc: {  	[tilespmem:s7], [sflag:$0x2] =	stream.indirect_vreg.gather [hbm4b:s16+s4], $0x80, v5, vm0, $0xb8;
	[tilespmem:$0x1C080] =	vst v63  }
0xcd: {  	s2 =	simm.s32 $0x12880  }
0xce: {  	[tilespmem:s2], [sflag:$0x2] =	stream.indirect_vreg.gather [hbm4b:s12+s4], $0x80, v5, vm0, $0xb8;
	[tilespmem:$0x1C080] =	vst v63  }
0xcf: {  	s7 =	simm.s32 $0x13080  }
0xd0: {  	[tilespmem:s7], [sflag:$0x2] =	stream.indirect_vreg.gather [hbm4b:s13+s4], $0x80, v5, vm0, $0xb8;
	[tilespmem:$0x1C080] =	vst v63  }
0xd1: {  	s2 =	simm.s32 $0x13880  }
0xd2: {  	[tilespmem:s2], [sflag:$0x2] =	stream.indirect_vreg.gather [hbm4b:s14+s4], $0x80, v5, vm0, $0xb8;
	[tilespmem:$0x1C080] =	vst v63  }
0xd3: {  	v5 =	vld [tilespmem:s0+$0x1010];
	_ =	sdelay $0x4  }
0xd4: {  	v6 =	vshll.u32 v5, $0x3  }
0xd5: {  	v5 =	vand.u32 $0x7, v5;
	v6 =	vand.u32 $0xFFFFFFC0, v6  }
0xd6: {  	v5 =	vor.u32 v5, v6  }
0xd7: {  	v6 =	vperm.xlane v5, v2;
	_ =	sdelay $0x1  }
0xd8: {  	v6 =	vadd.s32 v3, v6;
	_ =	sdelay $0x3  }
0xd9: {  	s7 =	simm.s32 $0x14080  }
0xda: {  	[tilespmem:s7], [sflag:$0x2] =	stream.indirect_vreg.gather [hbm4b:s16+s4], $0x80, v6, vm0, $0xb8;
	[tilespmem:$0x1C080] =	vst v63  }
0xdb: {  	s2 =	simm.s32 $0x14880;
	v5 =	vperm.xlane v5, v4  }
0xdc: {  	[tilespmem:s2], [sflag:$0x2] =	stream.indirect_vreg.gather [hbm4b:s12+s4], $0x80, v6, vm0, $0xb8;
	[tilespmem:$0x1C080] =	vst v63  }
0xdd: {  	v5 =	vadd.s32 v3, v5;
	s7 =	simm.s32 $0x15080  }
0xde: {  	[tilespmem:s7], [sflag:$0x2] =	stream.indirect_vreg.gather [hbm4b:s13+s4], $0x80, v6, vm0, $0xb8;
	[tilespmem:$0x1C080] =	vst v63  }
0xdf: {  	s2 =	simm.s32 $0x15880  }
0xe0: {  	[tilespmem:s2], [sflag:$0x2] =	stream.indirect_vreg.gather [hbm4b:s14+s4], $0x80, v6, vm0, $0xb8;
	[tilespmem:$0x1C080] =	vst v63  }
0xe1: {  	s7 =	simm.s32 $0x16080  }
0xe2: {  	[tilespmem:s7], [sflag:$0x2] =	stream.indirect_vreg.gather [hbm4b:s16+s4], $0x80, v5, vm0, $0xb8;
	[tilespmem:$0x1C080] =	vst v63  }
0xe3: {  	s2 =	simm.s32 $0x16880  }
0xe4: {  	[tilespmem:s2], [sflag:$0x2] =	stream.indirect_vreg.gather [hbm4b:s12+s4], $0x80, v5, vm0, $0xb8;
	[tilespmem:$0x1C080] =	vst v63  }
0xe5: {  	s7 =	simm.s32 $0x17080  }
0xe6: {  	[tilespmem:s7], [sflag:$0x2] =	stream.indirect_vreg.gather [hbm4b:s13+s4], $0x80, v5, vm0, $0xb8;
	[tilespmem:$0x1C080] =	vst v63  }
0xe7: {  	s2 =	simm.s32 $0x17880  }
0xe8: {  	[tilespmem:s2], [sflag:$0x2] =	stream.indirect_vreg.gather [hbm4b:s14+s4], $0x80, v5, vm0, $0xb8;
	[tilespmem:$0x1C080] =	vst v63  }
0xe9: {  	v5 =	vld [tilespmem:s0+$0x1020];
	_ =	sdelay $0x4  }
0xea: {  	v6 =	vshll.u32 v5, $0x3  }
0xeb: {  	v5 =	vand.u32 $0x7, v5;
	v6 =	vand.u32 $0xFFFFFFC0, v6  }
0xec: {  	v5 =	vor.u32 v5, v6  }
0xed: {  	v6 =	vperm.xlane v5, v2;
	_ =	sdelay $0x1  }
0xee: {  	v6 =	vadd.s32 v3, v6;
	_ =	sdelay $0x3  }
0xef: {  	s7 =	simm.s32 $0x18080  }
0xf0: {  	[tilespmem:s7], [sflag:$0x2] =	stream.indirect_vreg.gather [hbm4b:s16+s4], $0x80, v6, vm0, $0xb8;
	[tilespmem:$0x1C080] =	vst v63  }
0xf1: {  	s1 =	simm.s32 $0x18880;
	v5 =	vperm.xlane v5, v4  }
0xf2: {  	[tilespmem:s1], [sflag:$0x2] =	stream.indirect_vreg.gather [hbm4b:s12+s4], $0x80, v6, vm0, $0xb8;
	[tilespmem:$0x1C080] =	vst v63  }
0xf3: {  	s2 =	simm.s32 $0x19080;
	v5 =	vadd.s32 v3, v5  }
0xf4: {  	[tilespmem:s2], [sflag:$0x2] =	stream.indirect_vreg.gather [hbm4b:s13+s4], $0x80, v6, vm0, $0xb8;
	[tilespmem:$0x1C080] =	vst v63  }
0xf5: {  	s7 =	simm.s32 $0x19880  }
0xf6: {  	[tilespmem:s7], [sflag:$0x2] =	stream.indirect_vreg.gather [hbm4b:s14+s4], $0x80, v6, vm0, $0xb8;
	[tilespmem:$0x1C080] =	vst v63  }
0xf7: {  	s1 =	simm.s32 $0x1A080  }
0xf8: {  	[tilespmem:s1], [sflag:$0x2] =	stream.indirect_vreg.gather [hbm4b:s16+s4], $0x80, v5, vm0, $0xb8;
	[tilespmem:$0x1C080] =	vst v63  }
0xf9: {  	s2 =	simm.s32 $0x1A880  }
0xfa: {  	[tilespmem:s2], [sflag:$0x2] =	stream.indirect_vreg.gather [hbm4b:s12+s4], $0x80, v5, vm0, $0xb8;
	[tilespmem:$0x1C080] =	vst v63  }
0xfb: {  	s7 =	simm.s32 $0x1B080  }
0xfc: {  	[tilespmem:s7], [sflag:$0x2] =	stream.indirect_vreg.gather [hbm4b:s13+s4], $0x80, v5, vm0, $0xb8;
	[tilespmem:$0x1C080] =	vst v63  }
0xfd: {  	s1 =	simm.s32 $0x1B880  }
0xfe: {  	[tilespmem:s1], [sflag:$0x2] =	stream.indirect_vreg.gather [hbm4b:s14+s4], $0x80, v5, vm0, $0xb8;
	[tilespmem:$0x1C080] =	vst v63  }
0xff: {  	s1 =	simm.s32 $0x1  }
0x100: {  	_ =	swait.ge [sflag:s1], $0xC000  }
0x101: {  	[sflag:s1] =	ssyncset.done $0x0  }
0x102: {  	s7 =	simm.s32 $0x4080;
	s2 =	rddreg [dreg:$0x5];
	[sflag:s1] =	ssyncadd.s32 $0xFFFF4000  }
0x103: {  	[hbm4b:s2+s4] =	stream.linear.scatter [tilespmem:s7], [sflag:$0x3], $0xC000, $0x38;
	[tilespmem:$0x1C080] =	vst v63  }
0x104: {  	s2 =	simm.s32 $0x3  }
0x105: {  	_ =	swait.ge [sflag:s2], $0xC000  }
0x106: {  	[sflag:s2] =	ssyncset.done $0x0  }
0x107: {  	s0 =	rddreg [dreg:$0xa];
	[sflag:s2] =	ssyncadd.s32 $0xFFFF4000  }
0x108: {  	v5 =	vld [tilespmem:s0+$0x1000];
	_ =	sdelay $0x4  }
0x109: {  	v6 =	vshll.u32 v5, $0x3  }
0x10a: {  	v5 =	vand.u32 $0x7, v5;
	v6 =	vand.u32 $0xFFFFFFC0, v6  }
0x10b: {  	v5 =	vor.u32 v5, v6  }
0x10c: {  	v6 =	vperm.xlane v5, v2;
	_ =	sdelay $0x1  }
0x10d: {  	v6 =	vadd.s32 v3, v6;
	_ =	sdelay $0x4  }
0x10e: {  	[tilespmem:s7], [sflag:$0x1] =	stream.indirect_vreg.gather [hbm4b:s16+s4], $0x80, v6, vm0, $0xb8;
	[tilespmem:$0x1C080] =	vst v63  }
0x10f: {  	v5 =	vperm.xlane v5, v4;
	s7 =	simm.s32 $0x4880  }
0x110: {  	[tilespmem:s7], [sflag:$0x1] =	stream.indirect_vreg.gather [hbm4b:s12+s4], $0x80, v6, vm0, $0xb8;
	[tilespmem:$0x1C080] =	vst v63  }
0x111: {  	v5 =	vadd.s32 v3, v5;
	s7 =	simm.s32 $0x5080  }
0x112: {  	[tilespmem:s7], [sflag:$0x1] =	stream.indirect_vreg.gather [hbm4b:s13+s4], $0x80, v6, vm0, $0xb8;
	[tilespmem:$0x1C080] =	vst v63  }
0x113: {  	_ = 	snop  }
0x114: {  	[tilespmem:s5], [sflag:$0x1] =	stream.indirect_vreg.gather [hbm4b:s14+s4], $0x80, v6, vm0, $0xb8;
	[tilespmem:$0x1C080] =	vst v63  }
0x115: {  	_ = 	snop  }
0x116: {  	[tilespmem:s19], [sflag:$0x1] =	stream.indirect_vreg.gather [hbm4b:s16+s4], $0x80, v5, vm0, $0xb8;
	[tilespmem:$0x1C080] =	vst v63  }
0x117: {  	_ = 	snop  }
0x118: {  	[tilespmem:s25], [sflag:$0x1] =	stream.indirect_vreg.gather [hbm4b:s12+s4], $0x80, v5, vm0, $0xb8;
	[tilespmem:$0x1C080] =	vst v63  }
0x119: {  	_ = 	snop  }
0x11a: {  	[tilespmem:s29], [sflag:$0x1] =	stream.indirect_vreg.gather [hbm4b:s13+s4], $0x80, v5, vm0, $0xb8;
	[tilespmem:$0x1C080] =	vst v63  }
0x11b: {  	_ = 	snop  }
0x11c: {  	[tilespmem:s15], [sflag:$0x1] =	stream.indirect_vreg.gather [hbm4b:s14+s4], $0x80, v5, vm0, $0xb8;
	[tilespmem:$0x1C080] =	vst v63  }
0x11d: {  	v5 =	vld [tilespmem:s0+$0x1010];
	_ =	sdelay $0x4  }
0x11e: {  	v6 =	vshll.u32 v5, $0x3  }
0x11f: {  	v5 =	vand.u32 $0x7, v5;
	v6 =	vand.u32 $0xFFFFFFC0, v6  }
0x120: {  	v5 =	vor.u32 v5, v6  }
0x121: {  	v6 =	vperm.xlane v5, v2;
	_ =	sdelay $0x1  }
0x122: {  	v6 =	vadd.s32 v3, v6;
	_ =	sdelay $0x4  }
0x123: {  	[tilespmem:s17], [sflag:$0x1] =	stream.indirect_vreg.gather [hbm4b:s16+s4], $0x80, v6, vm0, $0xb8;
	[tilespmem:$0x1C080] =	vst v63  }
0x124: {  	v5 =	vperm.xlane v5, v4  }
0x125: {  	[tilespmem:s18], [sflag:$0x1] =	stream.indirect_vreg.gather [hbm4b:s12+s4], $0x80, v6, vm0, $0xb8;
	[tilespmem:$0x1C080] =	vst v63  }
0x126: {  	v5 =	vadd.s32 v3, v5  }
0x127: {  	[tilespmem:s23], [sflag:$0x1] =	stream.indirect_vreg.gather [hbm4b:s13+s4], $0x80, v6, vm0, $0xb8;
	[tilespmem:$0x1C080] =	vst v63  }
0x128: {  	_ = 	snop  }
0x129: {  	[tilespmem:s20], [sflag:$0x1] =	stream.indirect_vreg.gather [hbm4b:s14+s4], $0x80, v6, vm0, $0xb8;
	[tilespmem:$0x1C080] =	vst v63  }
0x12a: {  	s15 =	simm.s32 $0xA080  }
0x12b: {  	[tilespmem:s15], [sflag:$0x1] =	stream.indirect_vreg.gather [hbm4b:s16+s4], $0x80, v5, vm0, $0xb8;
	[tilespmem:$0x1C080] =	vst v63  }
0x12c: {  	_ = 	snop  }
0x12d: {  	[tilespmem:s21], [sflag:$0x1] =	stream.indirect_vreg.gather [hbm4b:s12+s4], $0x80, v5, vm0, $0xb8;
	[tilespmem:$0x1C080] =	vst v63  }
0x12e: {  	s19 =	simm.s32 $0xB080  }
0x12f: {  	[tilespmem:s19], [sflag:$0x1] =	stream.indirect_vreg.gather [hbm4b:s13+s4], $0x80, v5, vm0, $0xb8;
	[tilespmem:$0x1C080] =	vst v63  }
0x130: {  	_ = 	snop  }
0x131: {  	[tilespmem:s22], [sflag:$0x1] =	stream.indirect_vreg.gather [hbm4b:s14+s4], $0x80, v5, vm0, $0xb8;
	[tilespmem:$0x1C080] =	vst v63  }
0x132: {  	v5 =	vld [tilespmem:s0+$0x1020];
	_ =	sdelay $0x4  }
0x133: {  	v6 =	vshll.u32 v5, $0x3  }
0x134: {  	v5 =	vand.u32 $0x7, v5;
	v6 =	vand.u32 $0xFFFFFFC0, v6  }
0x135: {  	v5 =	vor.u32 v5, v6  }
0x136: {  	v6 =	vperm.xlane v5, v2;
	_ =	sdelay $0x1  }
0x137: {  	v6 =	vadd.s32 v3, v6;
	_ =	sdelay $0x3  }
0x138: {  	s5 =	simm.s32 $0xC080  }
0x139: {  	[tilespmem:s5], [sflag:$0x1] =	stream.indirect_vreg.gather [hbm4b:s16+s4], $0x80, v6, vm0, $0xb8;
	[tilespmem:$0x1C080] =	vst v63  }
0x13a: {  	s7 =	simm.s32 $0xC880;
	v5 =	vperm.xlane v5, v4  }
0x13b: {  	[tilespmem:s7], [sflag:$0x1] =	stream.indirect_vreg.gather [hbm4b:s12+s4], $0x80, v6, vm0, $0xb8;
	[tilespmem:$0x1C080] =	vst v63  }
0x13c: {  	s15 =	simm.s32 $0xD080;
	v5 =	vadd.s32 v3, v5  }
0x13d: {  	[tilespmem:s15], [sflag:$0x1] =	stream.indirect_vreg.gather [hbm4b:s13+s4], $0x80, v6, vm0, $0xb8;
	[tilespmem:$0x1C080] =	vst v63  }
0x13e: {  	s19 =	simm.s32 $0xD880  }
0x13f: {  	[tilespmem:s19], [sflag:$0x1] =	stream.indirect_vreg.gather [hbm4b:s14+s4], $0x80, v6, vm0, $0xb8;
	[tilespmem:$0x1C080] =	vst v63  }
0x140: {  	s22 =	simm.s32 $0xE080  }
0x141: {  	[tilespmem:s22], [sflag:$0x1] =	stream.indirect_vreg.gather [hbm4b:s16+s4], $0x80, v5, vm0, $0xb8;
	[tilespmem:$0x1C080] =	vst v63  }
0x142: {  	s5 =	simm.s32 $0xE880  }
0x143: {  	[tilespmem:s5], [sflag:$0x1] =	stream.indirect_vreg.gather [hbm4b:s12+s4], $0x80, v5, vm0, $0xb8;
	[tilespmem:$0x1C080] =	vst v63  }
0x144: {  	s7 =	simm.s32 $0xF080  }
0x145: {  	[tilespmem:s7], [sflag:$0x1] =	stream.indirect_vreg.gather [hbm4b:s13+s4], $0x80, v5, vm0, $0xb8;
	[tilespmem:$0x1C080] =	vst v63  }
0x146: {  	s15 =	simm.s32 $0xF880;
	s5 =	simm.s32 $0x2  }
0x147: {  	[tilespmem:s15], [sflag:$0x1] =	stream.indirect_vreg.gather [hbm4b:s14+s4], $0x80, v5, vm0, $0xb8;
	[tilespmem:$0x1C080] =	vst v63  }
0x148: {  	_ =	swait.ge [sflag:s5], $0xC000  }
0x149: {  	[sflag:s5] =	ssyncset.done $0x0  }
0x14a: {  	s15 =	simm.s32 $0x4;
	s19 =	rddreg [dreg:$0x6];
	[sflag:s5] =	ssyncadd.s32 $0xFFFF4000  }
0x14b: {  	[hbm4b:s19+s4] =	stream.linear.scatter [tilespmem:s3], [sflag:$0x4], $0xC000, $0x38;
	[tilespmem:$0x1C080] =	vst v63  }
0x14c: {  	_ =	swait.ge [sflag:s15], $0xC000  }
0x14d: {  	[sflag:s15] =	ssyncset.done $0x0  }
0x14e: {  	s0 =	rddreg [dreg:$0xb];
	[sflag:s15] =	ssyncadd.s32 $0xFFFF4000  }
0x14f: {  	v5 =	vld [tilespmem:s0+$0x1000];
	_ =	sdelay $0x4  }
0x150: {  	v6 =	vshll.u32 v5, $0x3  }
0x151: {  	v5 =	vand.u32 $0x7, v5;
	v6 =	vand.u32 $0xFFFFFFC0, v6  }
0x152: {  	v5 =	vor.u32 v5, v6  }
0x153: {  	v6 =	vperm.xlane v5, v2;
	_ =	sdelay $0x1  }
0x154: {  	v6 =	vadd.s32 v3, v6;
	_ =	sdelay $0x4  }
0x155: {  	[tilespmem:s3], [sflag:$0x2] =	stream.indirect_vreg.gather [hbm4b:s16+s4], $0x80, v6, vm0, $0xb8;
	[tilespmem:$0x1C080] =	vst v63  }
0x156: {  	s22 =	simm.s32 $0x10880;
	v5 =	vperm.xlane v5, v4  }
0x157: {  	[tilespmem:s22], [sflag:$0x2] =	stream.indirect_vreg.gather [hbm4b:s12+s4], $0x80, v6, vm0, $0xb8;
	[tilespmem:$0x1C080] =	vst v63  }
0x158: {  	s19 =	simm.s32 $0x11080;
	v5 =	vadd.s32 v3, v5  }
0x159: {  	[tilespmem:s19], [sflag:$0x2] =	stream.indirect_vreg.gather [hbm4b:s13+s4], $0x80, v6, vm0, $0xb8;
	[tilespmem:$0x1C080] =	vst v63  }
0x15a: {  	s22 =	simm.s32 $0x11880  }
0x15b: {  	[tilespmem:s22], [sflag:$0x2] =	stream.indirect_vreg.gather [hbm4b:s14+s4], $0x80, v6, vm0, $0xb8;
	[tilespmem:$0x1C080] =	vst v63  }
0x15c: {  	s19 =	simm.s32 $0x12080  }
0x15d: {  	[tilespmem:s19], [sflag:$0x2] =	stream.indirect_vreg.gather [hbm4b:s16+s4], $0x80, v5, vm0, $0xb8;
	[tilespmem:$0x1C080] =	vst v63  }
0x15e: {  	s22 =	simm.s32 $0x12880  }
0x15f: {  	[tilespmem:s22], [sflag:$0x2] =	stream.indirect_vreg.gather [hbm4b:s12+s4], $0x80, v5, vm0, $0xb8;
	[tilespmem:$0x1C080] =	vst v63  }
0x160: {  	s19 =	simm.s32 $0x13080  }
0x161: {  	[tilespmem:s19], [sflag:$0x2] =	stream.indirect_vreg.gather [hbm4b:s13+s4], $0x80, v5, vm0, $0xb8;
	[tilespmem:$0x1C080] =	vst v63  }
0x162: {  	s22 =	simm.s32 $0x13880  }
0x163: {  	[tilespmem:s22], [sflag:$0x2] =	stream.indirect_vreg.gather [hbm4b:s14+s4], $0x80, v5, vm0, $0xb8;
	[tilespmem:$0x1C080] =	vst v63  }
0x164: {  	v5 =	vld [tilespmem:s0+$0x1010];
	_ =	sdelay $0x4  }
0x165: {  	v6 =	vshll.u32 v5, $0x3  }
0x166: {  	v5 =	vand.u32 $0x7, v5;
	v6 =	vand.u32 $0xFFFFFFC0, v6  }
0x167: {  	v5 =	vor.u32 v5, v6  }
0x168: {  	v6 =	vperm.xlane v5, v2;
	_ =	sdelay $0x1  }
0x169: {  	v6 =	vadd.s32 v3, v6;
	_ =	sdelay $0x3  }
0x16a: {  	s19 =	simm.s32 $0x14080  }
0x16b: {  	[tilespmem:s19], [sflag:$0x2] =	stream.indirect_vreg.gather [hbm4b:s16+s4], $0x80, v6, vm0, $0xb8;
	[tilespmem:$0x1C080] =	vst v63  }
0x16c: {  	s22 =	simm.s32 $0x14880;
	v5 =	vperm.xlane v5, v4  }
0x16d: {  	[tilespmem:s22], [sflag:$0x2] =	stream.indirect_vreg.gather [hbm4b:s12+s4], $0x80, v6, vm0, $0xb8;
	[tilespmem:$0x1C080] =	vst v63  }
0x16e: {  	v5 =	vadd.s32 v3, v5;
	s19 =	simm.s32 $0x15080  }
0x16f: {  	[tilespmem:s19], [sflag:$0x2] =	stream.indirect_vreg.gather [hbm4b:s13+s4], $0x80, v6, vm0, $0xb8;
	[tilespmem:$0x1C080] =	vst v63  }
0x170: {  	s22 =	simm.s32 $0x15880  }
0x171: {  	[tilespmem:s22], [sflag:$0x2] =	stream.indirect_vreg.gather [hbm4b:s14+s4], $0x80, v6, vm0, $0xb8;
	[tilespmem:$0x1C080] =	vst v63  }
0x172: {  	s19 =	simm.s32 $0x16080  }
0x173: {  	[tilespmem:s19], [sflag:$0x2] =	stream.indirect_vreg.gather [hbm4b:s16+s4], $0x80, v5, vm0, $0xb8;
	[tilespmem:$0x1C080] =	vst v63  }
0x174: {  	s22 =	simm.s32 $0x16880  }
0x175: {  	[tilespmem:s22], [sflag:$0x2] =	stream.indirect_vreg.gather [hbm4b:s12+s4], $0x80, v5, vm0, $0xb8;
	[tilespmem:$0x1C080] =	vst v63  }
0x176: {  	s19 =	simm.s32 $0x17080  }
0x177: {  	[tilespmem:s19], [sflag:$0x2] =	stream.indirect_vreg.gather [hbm4b:s13+s4], $0x80, v5, vm0, $0xb8;
	[tilespmem:$0x1C080] =	vst v63  }
0x178: {  	s22 =	simm.s32 $0x17880  }
0x179: {  	[tilespmem:s22], [sflag:$0x2] =	stream.indirect_vreg.gather [hbm4b:s14+s4], $0x80, v5, vm0, $0xb8;
	[tilespmem:$0x1C080] =	vst v63  }
0x17a: {  	v5 =	vld [tilespmem:s0+$0x1020];
	_ =	sdelay $0x4  }
0x17b: {  	v6 =	vshll.u32 v5, $0x3  }
0x17c: {  	v5 =	vand.u32 $0x7, v5;
	v6 =	vand.u32 $0xFFFFFFC0, v6  }
0x17d: {  	v5 =	vor.u32 v5, v6  }
0x17e: {  	v6 =	vperm.xlane v5, v2;
	_ =	sdelay $0x1  }
0x17f: {  	v6 =	vadd.s32 v3, v6;
	_ =	sdelay $0x3  }
0x180: {  	s19 =	simm.s32 $0x18080  }
0x181: {  	[tilespmem:s19], [sflag:$0x2] =	stream.indirect_vreg.gather [hbm4b:s16+s4], $0x80, v6, vm0, $0xb8;
	[tilespmem:$0x1C080] =	vst v63  }
0x182: {  	s22 =	simm.s32 $0x18880;
	v5 =	vperm.xlane v5, v4  }
0x183: {  	[tilespmem:s22], [sflag:$0x2] =	stream.indirect_vreg.gather [hbm4b:s12+s4], $0x80, v6, vm0, $0xb8;
	[tilespmem:$0x1C080] =	vst v63  }
0x184: {  	s7 =	simm.s32 $0x19080;
	v5 =	vadd.s32 v3, v5  }
0x185: {  	[tilespmem:s7], [sflag:$0x2] =	stream.indirect_vreg.gather [hbm4b:s13+s4], $0x80, v6, vm0, $0xb8;
	[tilespmem:$0x1C080] =	vst v63  }
0x186: {  	s19 =	simm.s32 $0x19880  }
0x187: {  	[tilespmem:s19], [sflag:$0x2] =	stream.indirect_vreg.gather [hbm4b:s14+s4], $0x80, v6, vm0, $0xb8;
	[tilespmem:$0x1C080] =	vst v63  }
0x188: {  	s22 =	simm.s32 $0x1A080  }
0x189: {  	[tilespmem:s22], [sflag:$0x2] =	stream.indirect_vreg.gather [hbm4b:s16+s4], $0x80, v5, vm0, $0xb8;
	[tilespmem:$0x1C080] =	vst v63  }
0x18a: {  	s7 =	simm.s32 $0x1A880  }
0x18b: {  	[tilespmem:s7], [sflag:$0x2] =	stream.indirect_vreg.gather [hbm4b:s12+s4], $0x80, v5, vm0, $0xb8;
	[tilespmem:$0x1C080] =	vst v63  }
0x18c: {  	s19 =	simm.s32 $0x1B080  }
0x18d: {  	[tilespmem:s19], [sflag:$0x2] =	stream.indirect_vreg.gather [hbm4b:s13+s4], $0x80, v5, vm0, $0xb8;
	[tilespmem:$0x1C080] =	vst v63  }
0x18e: {  	s22 =	simm.s32 $0x1B880  }
0x18f: {  	[tilespmem:s22], [sflag:$0x2] =	stream.indirect_vreg.gather [hbm4b:s14+s4], $0x80, v5, vm0, $0xb8;
	[tilespmem:$0x1C080] =	vst v63  }
0x190: {  	_ =	swait.ge [sflag:s1], $0xC000  }
0x191: {  	[sflag:s1] =	ssyncset.done $0x0  }
0x192: {  	s7 =	simm.s32 $0x4080;
	[sflag:s1] =	ssyncadd.s32 $0xFFFF4000;
	s1 =	rddreg [dreg:$0x7]  }
0x193: {  	[hbm4b:s1+s4] =	stream.linear.scatter [tilespmem:s7], [sflag:$0x3], $0xC000, $0x38;
	[tilespmem:$0x1C080] =	vst v63  }
0x194: {  	s22 =	rddreg [dreg:$0xc];
	_ =	swait.ge [sflag:s5], $0xC000  }
0x195: {  	[sflag:s5] =	ssyncset.done $0x0  }
0x196: {  	s19 =	rddreg [dreg:$0x8];
	[sflag:s5] =	ssyncadd.s32 $0xFFFF4000  }
0x197: {  	[hbm4b:s19+s4] =	stream.linear.scatter [tilespmem:s3], [sflag:$0x4], $0xC000, $0x38;
	[tilespmem:$0x1C080] =	vst v63  }
0x198: {  	_ =	swait.ge [sflag:s2], $0xC000  }
.Ltmp6:
0x199: {  	[sflag:s2] =	ssyncset.done $0x0;
	(pc) =	sbr.rel .LBB2_9-.Ltmp6, $4  }
0x19a: {  	[sflag:s2] =	ssyncadd.s32 $0xFFFF4000  }
0x19b: {  	_ =	swait.ge [sflag:s15], $0xC000  }
0x19c: {  	[sflag:s15] =	ssyncset.done $0x0  }
0x19d: {  	s25 =	simm.s32 $0x800;
	[sflag:s15] =	ssyncadd.s32 $0xFFFF4000  }
.LBB2_10:
0x19e: {  	_ =	sfence.sel $0x180000  }
0x19f: {  	[bflag:$0x0] =	sbarrier.arrive $0xFFFF  }
0x1a0: {  	_ =	strace $0x90000047  }
0x1a1: {  	s0 =	stileid.u32;
	[bflag:$0x2] =	sbarrier.arrive $0xFFFF  }
0x1a2: {  	p0 =	sne.s32 s0, $0x0;
	s0 =	rddreg [dreg:$0x3]  }
0x1a3: {  	s0 =	sadd.s32 @!p0 $0x100000, s0  }
0x1a4: {  	[sflag:s0] =	ssyncadd.tile.s32 @!p0 $0x1;
	_ =	shalt  }
.Lfunc_end2:
_tile_overlayer_lowered:
.L_overlay_start_2:
0x1a5: {  	(tag) =	ssettag $0x2  }
0x1a6: {  	s0 =	rddreg [dreg:$0x0];
	s2 =	stileid.u32  }
0x1a7: {  	s1 =	rddreg [dreg:$0x1];
	p0 =	sne.s32 s2, $0x0  }
0x1a8: {  	s3 =	rddreg [dreg:$0x2];
	[bflag:$0x3] =	sbarrier.arrive $0xFFFF;
	s2 =	simm.s32 @!p0 $0x1C05  }
0x1a9: {  	[timem:s3], [sflag:s2] =	dma.local @!p0 [hbm:s0], s1  }
0x1aa: {  	s0 =	simm.s32 @!p0 $0x5  }
0x1ab: {  	_ =	swait.ge @!p0 [sflag:s0], s1  }
0x1ac: {  	s1 =	ssub.s32 @!p0 $0x0, s1;
	[sflag:s0] =	ssyncset.done @!p0 $0x0  }
0x1ad: {  	[sflag:s0] =	ssyncadd.s32 @!p0 s1  }
0x1ae: {  	[bflag:$0x3] =	sbarrier.arrive $0xFFFF  }
0x1af: {  	_ =	shalt  }

</sc_bundles>
